<compile_context>
chip_gen: v7x
topology: tpu7x:2x2x1
jax: 0.10.2.dev20260603
libtpu: 0.0.44.dev20260713+nightly
codegen_flags: <defaults>
</compile_context>

<pallas_src>
import functools

import jax
import jax.numpy as jnp
from jax import lax
from jax.experimental import pallas as pl
from jax.experimental.pallas import tpu as pltpu
from jax.experimental.pallas import tpu_sc as plsc

N = 10000
E = 320000
D = 128
DE = 16

_NC = 2
_NS = 16
_NW = _NC * _NS
_CH = 128
_CHUNKS = 80
_EPW = _CHUNKS * _CH
_E_PAD = _NW * _EPW
_NPAD = 10112
_ZR = _NPAD // _NS

_BM = 2000


def _sc_mesh():
    return plsc.VectorSubcoreMesh(core_axis_name="c", subcore_axis_name="s",
                                  num_cores=_NC, num_subcores=_NS)


_GC = 40
_GROUPS = _CHUNKS // _GC


@functools.partial(
    pl.kernel,
    out_type=jax.ShapeDtypeStruct((_NC, _NPAD, D), jnp.float32),
    mesh=_sc_mesh(),
    scratch_types=[
        pltpu.VMEM((_GC, _CH), jnp.int32),
        pltpu.VMEM((_GC, _CH), jnp.int32),
        pltpu.VMEM((2, _CH, D), jnp.float32),
        pltpu.VMEM_SHARED((_NPAD, D), jnp.float32),
        pltpu.SemaphoreType.DMA,
        pltpu.SemaphoreType.DMA,
        pltpu.SemaphoreType.DMA,
        pltpu.SemaphoreType.DMA,
    ],
)
def _sc_gather_scatter(hs_hbm, src_hbm, dst_hbm, z_hbm, out_hbm,
                       src_v, dst_v, rows_v, acc, gs0, gs1, ss0, ss1):
    c = lax.axis_index("c")
    s = lax.axis_index("s")
    wid = c * _NS + s
    pltpu.sync_copy(z_hbm.at[pl.ds(s * _ZR, _ZR)], acc.at[pl.ds(s * _ZR, _ZR)])
    plsc.subcore_barrier()

    gsem = (gs0, gs1)
    ssem = (ss0, ss1)

    def group(g, carry):
        pltpu.sync_copy(src_hbm.at[wid, pl.ds(g * _GC, _GC)], src_v)
        pltpu.sync_copy(dst_hbm.at[wid, pl.ds(g * _GC, _GC)], dst_v)
        pltpu.async_copy(hs_hbm.at[src_v.at[0]], rows_v.at[0], gs0)

        def pair(jj, c2):
            j0 = jj * 2
            for b in range(2):
                j = j0 + b
                pltpu.make_async_copy(hs_hbm.at[src_v.at[j]], rows_v.at[b],
                                      gsem[b]).wait()
                pltpu.async_copy(rows_v.at[b], acc.at[dst_v.at[j]],
                                 ssem[b], add=True)

                @pl.when(j >= 1)
                def _():
                    pltpu.make_async_copy(rows_v.at[1 - b],
                                          acc.at[dst_v.at[j - 1]],
                                          ssem[1 - b]).wait()

                @pl.when(j + 1 < _GC)
                def _():
                    pltpu.async_copy(hs_hbm.at[src_v.at[j + 1]],
                                     rows_v.at[1 - b], gsem[1 - b])
            return c2

        lax.fori_loop(0, _GC // 2, pair, 0)
        pltpu.make_async_copy(rows_v.at[1], acc.at[dst_v.at[_GC - 1]],
                              ssem[1]).wait()
        return carry

    lax.fori_loop(0, _GROUPS, group, 0)

    plsc.subcore_barrier()
    pltpu.sync_copy(acc.at[pl.ds(s * _ZR, _ZR)],
                    out_hbm.at[c, pl.ds(s * _ZR, _ZR)])


@functools.partial(
    pl.kernel,
    out_type=jax.ShapeDtypeStruct((_NC, _NPAD, D), jnp.float32),
    mesh=_sc_mesh(),
    scratch_types=[
        pltpu.VMEM((_GC, _CH), jnp.int32),
        pltpu.VMEM((2, _CH, D), jnp.float32),
        pltpu.VMEM_SHARED((_NPAD, D), jnp.float32),
        pltpu.SemaphoreType.DMA,
        pltpu.SemaphoreType.DMA,
        pltpu.SemaphoreType.DMA,
        pltpu.SemaphoreType.DMA,
    ],
)
def _sc_ea_segsum(ea_hbm, dst_hbm, z_hbm, out_hbm,
                  dst_v, rows_v, acc, gs0, gs1, ss0, ss1):
    c = lax.axis_index("c")
    s = lax.axis_index("s")
    wid = c * _NS + s
    pltpu.sync_copy(z_hbm.at[pl.ds(s * _ZR, _ZR)], acc.at[pl.ds(s * _ZR, _ZR)])
    plsc.subcore_barrier()

    gsem = (gs0, gs1)
    ssem = (ss0, ss1)

    def ld(g, j):
        return ea_hbm.at[pl.ds(wid * _EPW + (g * _GC + j) * _CH, _CH)]

    def group(g, carry):
        pltpu.sync_copy(dst_hbm.at[wid, pl.ds(g * _GC, _GC)], dst_v)
        pltpu.async_copy(ld(g, 0), rows_v.at[0], gs0)

        def pair(jj, c2):
            j0 = jj * 2
            for b in range(2):
                j = j0 + b
                pltpu.make_async_copy(ld(g, j), rows_v.at[b], gsem[b]).wait()
                pltpu.async_copy(rows_v.at[b], acc.at[dst_v.at[j]],
                                 ssem[b], add=True)

                @pl.when(j >= 1)
                def _():
                    pltpu.make_async_copy(rows_v.at[1 - b],
                                          acc.at[dst_v.at[j - 1]],
                                          ssem[1 - b]).wait()

                @pl.when(j + 1 < _GC)
                def _():
                    pltpu.async_copy(ld(g, j + 1), rows_v.at[1 - b],
                                     gsem[1 - b])
            return c2

        lax.fori_loop(0, _GC // 2, pair, 0)
        pltpu.make_async_copy(rows_v.at[1], acc.at[dst_v.at[_GC - 1]],
                              ssem[1]).wait()
        return carry

    lax.fori_loop(0, _GROUPS, group, 0)

    plsc.subcore_barrier()
    pltpu.sync_copy(acc.at[pl.ds(s * _ZR, _ZR)],
                    out_hbm.at[c, pl.ds(s * _ZR, _ZR)])


def _tc_in(x, wsT, wdT):
    def body(x_ref, ws_ref, wd_ref, hs_ref, hd_ref):
        xb = x_ref[...]
        hs_ref[...] = jnp.dot(xb, ws_ref[...], preferred_element_type=jnp.float32)
        hd_ref[...] = jnp.dot(xb, wd_ref[...], preferred_element_type=jnp.float32)

    return pl.pallas_call(
        body,
        grid=(N // _BM,),
        in_specs=[
            pl.BlockSpec((_BM, D), lambda i: (i, 0)),
            pl.BlockSpec((D, D), lambda i: (0, 0)),
            pl.BlockSpec((D, D), lambda i: (0, 0)),
        ],
        out_specs=[pl.BlockSpec((_BM, D), lambda i: (i, 0))] * 2,
        out_shape=[jax.ShapeDtypeStruct((N, D), jnp.float32)] * 2,
    )(x, wsT, wdT)


def _tc_mid(hd, agg, S, weT, b, wsT, wdT):
    def body(hd_ref, a_ref, s_ref, we_ref, b_ref, ws_ref, wd_ref,
             hs_ref, hd2_ref):
        h = hd_ref[...] + a_ref[0] + a_ref[1]
        h = h + jnp.dot(s_ref[0] + s_ref[1], we_ref[...],
                        preferred_element_type=jnp.float32)
        h = h + b_ref[...]
        h = jnp.where(h >= 0, h, 0.01 * h)
        hs_ref[...] = jnp.dot(h, ws_ref[...], preferred_element_type=jnp.float32)
        hd2_ref[...] = jnp.dot(h, wd_ref[...], preferred_element_type=jnp.float32)

    return pl.pallas_call(
        body,
        grid=(N // _BM,),
        in_specs=[
            pl.BlockSpec((_BM, D), lambda i: (i, 0)),
            pl.BlockSpec((_NC, _BM, D), lambda i: (0, i, 0)),
            pl.BlockSpec((_NC, _BM, D), lambda i: (0, i, 0)),
            pl.BlockSpec((D, D), lambda i: (0, 0)),
            pl.BlockSpec((1, D), lambda i: (0, 0)),
            pl.BlockSpec((D, D), lambda i: (0, 0)),
            pl.BlockSpec((D, D), lambda i: (0, 0)),
        ],
        out_specs=[pl.BlockSpec((_BM, D), lambda i: (i, 0))] * 2,
        out_shape=[jax.ShapeDtypeStruct((N, D), jnp.float32)] * 2,
    )(hd, agg, S, weT, b, wsT, wdT)


def _tc_out(hd, agg, S, weT, b):
    def body(hd_ref, a_ref, s_ref, we_ref, b_ref, o_ref):
        h = hd_ref[...] + a_ref[0] + a_ref[1]
        h = h + jnp.dot(s_ref[0] + s_ref[1], we_ref[...],
                        preferred_element_type=jnp.float32)
        o_ref[...] = h + b_ref[...]

    return pl.pallas_call(
        body,
        grid=(N // _BM,),
        in_specs=[
            pl.BlockSpec((_BM, D), lambda i: (i, 0)),
            pl.BlockSpec((_NC, _BM, D), lambda i: (0, i, 0)),
            pl.BlockSpec((_NC, _BM, D), lambda i: (0, i, 0)),
            pl.BlockSpec((D, D), lambda i: (0, 0)),
            pl.BlockSpec((1, D), lambda i: (0, 0)),
        ],
        out_specs=pl.BlockSpec((_BM, D), lambda i: (i, 0)),
        out_shape=jax.ShapeDtypeStruct((N, D), jnp.float32),
    )(hd, agg, S, weT, b)


def kernel(x, edge_index, edge_attr,
           W_src0, W_dst0, W_edge0, b0,
           W_src1, W_dst1, W_edge1, b1,
           W_src2, W_dst2, W_edge2, b2):
    src = edge_index[0]
    dst = edge_index[1]
    pad = _E_PAD - E
    pad_src = (jnp.arange(pad, dtype=jnp.int32) * 79) % N
    src_p = jnp.concatenate([src, pad_src]).reshape(_NW, _CHUNKS, _CH)
    dst_p = jnp.concatenate(
        [dst, jnp.full((pad,), N, jnp.int32)]).reshape(_NW, _CHUNKS, _CH)
    ea_w = jnp.pad(edge_attr, ((0, pad), (0, D - DE)))
    zeros_d = jnp.zeros((_NPAD, D), jnp.float32)

    def wide(weT):
        return jnp.pad(weT, ((0, D - DE), (0, 0)))

    hs, hd = _tc_in(x, W_src0.T, W_dst0.T)
    A = _sc_gather_scatter(hs, src_p, dst_p, zeros_d)
    S = _sc_ea_segsum(ea_w, dst_p, zeros_d)
    hs, hd = _tc_mid(hd, A, S, wide(W_edge0.T), b0.reshape(1, D),
                     W_src1.T, W_dst1.T)
    A = _sc_gather_scatter(hs, src_p, dst_p, zeros_d)
    hs, hd = _tc_mid(hd, A, S, wide(W_edge1.T), b1.reshape(1, D),
                     W_src2.T, W_dst2.T)
    A = _sc_gather_scatter(hs, src_p, dst_p, zeros_d)
    return _tc_out(hd, A, S, wide(W_edge2.T), b2.reshape(1, D))

# --- scband reference (transcript-rebuilt; emitter-appended) ---
"""Pipeline reference for scband-graph-conv-net-9706626089361 (READ-ONLY COPY).

The authoritative reference and input builder live on the scoring server;
editing this copy changes nothing except your own understanding.
"""

import jax, jax.numpy as jnp
import numpy as np

N = 10000
E = 320000
D_IN = 128
D_HID = 128
D_OUT = 128
D_EDGE = 16
NUM_LAYERS = 3


def setup_inputs(seed: int = 0) -> dict:
    key = jax.random.key(seed)
    ks = jax.random.split(key, 16)
    inp = {}
    inp['x'] = jax.random.normal(ks[0], (N, D_IN), dtype=jnp.float32)
    inp['edge_index'] = jax.random.randint(ks[1], (2, E), 0, N, dtype=jnp.int32)
    inp['edge_attr'] = jax.random.normal(ks[2], (E, D_EDGE), dtype=jnp.float32)
    dims = [(D_IN, D_HID), (D_HID, D_HID), (D_HID, D_OUT)]
    for i, (din, dout) in enumerate(dims):
        inp[f'W_src{i}'] = jax.random.normal(ks[3 + 4 * i], (dout, din), dtype=jnp.float32) / np.sqrt(din)
        inp[f'W_dst{i}'] = jax.random.normal(ks[4 + 4 * i], (dout, din), dtype=jnp.float32) / np.sqrt(din)
        inp[f'W_edge{i}'] = jax.random.normal(ks[5 + 4 * i], (dout, D_EDGE), dtype=jnp.float32) / np.sqrt(D_EDGE)
        inp[f'b{i}'] = jnp.zeros((dout,), dtype=jnp.float32)
    return inp


def reference(x, edge_index, edge_attr,
              W_src0, W_dst0, W_edge0, b0,
              W_src1, W_dst1, W_edge1, b1,
              W_src2, W_dst2, W_edge2, b2):
    # GraphConvNet forward: 3 message-passing conv layers (aggr='add'),
    # norm/dropout are Identity (batch_norm=False, dropout_prob=1.0),
    # leaky_relu after all but the last layer, no pooling.
    src = edge_index[0]
    dst = edge_index[1]
    params = [(W_src0, W_dst0, W_edge0, b0),
              (W_src1, W_dst1, W_edge1, b1),
              (W_src2, W_dst2, W_edge2, b2)]
    h = x
    for layer_id, (Ws, Wd, We, b) in enumerate(params):
        # conv: out = lin_dst(x) + sum_{j in N(i)} (lin_src(x_j) + lin_edge(e_ji)) + bias
        msg = jnp.take(h, src, axis=0) @ Ws.T + edge_attr @ We.T
        agg = jax.ops.segment_sum(msg, dst, num_segments=N)
        h = h @ Wd.T + agg + b
        if layer_id < NUM_LAYERS - 1:
            h = jax.nn.leaky_relu(h, negative_slope=0.01)
    return h

if __name__ == "__main__":
    import jax
    _d = setup_inputs()
    print(jax.jit(kernel)(*tuple(_d.values())))

</pallas_src>

<mosaic_0001>
#map = affine_map<(d0, d1) -> (0, 0)>
#map1 = affine_map<(d0, d1) -> (0, 0, 0)>
module attributes {stable_mosaic.version = 14 : i64} {
  func.func @_sc_gather_scatter(%arg0: i32, %arg1: i32, %arg2: memref<10000x128xf32, #tpu.memory_space<hbm>>, %arg3: memref<32x80x128xi32, #tpu.memory_space<hbm>>, %arg4: memref<32x80x128xi32, #tpu.memory_space<hbm>>, %arg5: memref<10112x128xf32, #tpu.memory_space<hbm>>, %arg6: memref<2x10112x128xf32, #tpu.memory_space<hbm>>, %arg7: memref<40x128xi32, #tpu.memory_space<vmem>>, %arg8: memref<40x128xi32, #tpu.memory_space<vmem>>, %arg9: memref<2x128x128xf32, #tpu.memory_space<vmem>>, %arg10: memref<10112x128xf32, #tpu.memory_space<vmem_shared>>, %arg11: memref<!tpu.dma_semaphore, #tpu.memory_space<semaphore_mem>>, %arg12: memref<!tpu.dma_semaphore, #tpu.memory_space<semaphore_mem>>, %arg13: memref<!tpu.dma_semaphore, #tpu.memory_space<semaphore_mem>>, %arg14: memref<!tpu.dma_semaphore, #tpu.memory_space<semaphore_mem>>) attributes {dimension_semantics = [#tpu.dimension_semantics<core_parallel>, #tpu.dimension_semantics<subcore_parallel>], iteration_bounds = array<i64: 2, 16>, scalar_prefetch = 0 : i64, scratch_operands = 8 : i64, tpu.core_type = #tpu.core_type<sc_vector_subcore>, window_params = [{transform_indices = #map}, {transform_indices = #map1}, {transform_indices = #map1}, {transform_indices = #map}, {transform_indices = #map1}]} {
    %mul3A = arith.constant 16 : i32
    %mul3A_0 = arith.muli %arg0, %mul3A : i32
    %add3A = arith.addi %mul3A_0, %arg1 : i32
    %mul3A_1 = arith.constant 632 : i32
    %mul3A_2 = arith.muli %arg1, %mul3A_1 : i32
    %mul3A_3 = arith.constant 632 : i32
    %mul3A_4 = arith.muli %arg1, %mul3A_3 : i32
    "tpu.region"() ({
      %run_scoped3A = tpu.sem_alloc : memref<!tpu.dma_semaphore, #tpu.memory_space<semaphore_mem>>
      %dma_start3A = arith.constant 0 : i32
      %dma_start3A_15 = tpu.memref_slice %arg10[%mul3A_4, %dma_start3A] : memref<10112x128xf32, #tpu.memory_space<vmem_shared>> -> memref<632x128xf32, #tpu.memory_space<vmem_shared>>
      %dma_start3A_16 = arith.constant 0 : i32
      %dma_start3A_17 = tpu.memref_slice %arg5[%mul3A_2, %dma_start3A_16] : memref<10112x128xf32, #tpu.memory_space<hbm>> -> memref<632x128xf32, #tpu.memory_space<hbm>>
      tpu.enqueue_dma source(%dma_start3A_17 : memref<632x128xf32, #tpu.memory_space<hbm>>) target(%dma_start3A_15 : memref<632x128xf32, #tpu.memory_space<vmem_shared>>) target_semaphore(%run_scoped3A : memref<!tpu.dma_semaphore, #tpu.memory_space<semaphore_mem>>)
      %dma_wait3A = arith.constant 0 : i32
      %dma_wait3A_18 = tpu.memref_slice %arg10[%mul3A_4, %dma_wait3A] : memref<10112x128xf32, #tpu.memory_space<vmem_shared>> -> memref<632x128xf32, #tpu.memory_space<vmem_shared>>
      %dma_wait3A_19 = arith.constant 0 : i32
      %dma_wait3A_20 = tpu.memref_slice %arg5[%mul3A_2, %dma_wait3A_19] : memref<10112x128xf32, #tpu.memory_space<hbm>> -> memref<632x128xf32, #tpu.memory_space<hbm>>
      tpu.wait_dma2 semaphore(%run_scoped3A : memref<!tpu.dma_semaphore, #tpu.memory_space<semaphore_mem>>) src(%dma_wait3A_20 : memref<632x128xf32, #tpu.memory_space<hbm>>) dst(%dma_wait3A_18 : memref<632x128xf32, #tpu.memory_space<vmem_shared>>)
      tpu.yield
    }) : () -> ()
    %barrier3A = arith.constant 0 : index
    tpu.barrier barrier_id(%barrier3A)
    %scan3A = arith.constant 0 : i32
    %scan3A_5 = arith.constant 0 : i32
    %scan3A_6 = arith.constant 2 : i32
    %scan3A_7 = arith.addi %scan3A_5, %scan3A_6 : i32
    %scan3A_8 = arith.constant 1 : i32
    scf.for %scan3A_15 = %scan3A_5 to %scan3A_7 step %scan3A_8  : i32 {
      %mul3A_16 = arith.constant 40 : i32
      %mul3A_17 = arith.muli %scan3A_15, %mul3A_16 : i32
      "tpu.region"() ({
        %run_scoped3A = tpu.sem_alloc : memref<!tpu.dma_semaphore, #tpu.memory_space<semaphore_mem>>
        %dma_start3A_48 = arith.constant 0 : i32
        %dma_start3A_49 = tpu.memref_slice %arg3[%add3A, %mul3A_17, %dma_start3A_48] : memref<32x80x128xi32, #tpu.memory_space<hbm>> -> memref<1x40x128xi32, #tpu.memory_space<hbm>>
        %dma_start3A_50 = tpu.memref_squeeze %dma_start3A_49 : memref<1x40x128xi32, #tpu.memory_space<hbm>> -> memref<40x128xi32, #tpu.memory_space<hbm>>
        %dma_start3A_51 = arith.constant 0 : i32
        %dma_start3A_52 = tpu.memref_slice %arg3[%add3A, %mul3A_17, %dma_start3A_51] : memref<32x80x128xi32, #tpu.memory_space<hbm>> -> memref<1x40x128xi32, #tpu.memory_space<hbm>>
        %dma_start3A_53 = tpu.memref_squeeze %dma_start3A_52 : memref<1x40x128xi32, #tpu.memory_space<hbm>> -> memref<40x128xi32, #tpu.memory_space<hbm>>
        tpu.enqueue_dma source(%dma_start3A_53 : memref<40x128xi32, #tpu.memory_space<hbm>>) target(%arg7 : memref<40x128xi32, #tpu.memory_space<vmem>>) target_semaphore(%run_scoped3A : memref<!tpu.dma_semaphore, #tpu.memory_space<semaphore_mem>>)
        %dma_wait3A_54 = arith.constant 0 : i32
        %dma_wait3A_55 = tpu.memref_slice %arg3[%add3A, %mul3A_17, %dma_wait3A_54] : memref<32x80x128xi32, #tpu.memory_space<hbm>> -> memref<1x40x128xi32, #tpu.memory_space<hbm>>
        %dma_wait3A_56 = tpu.memref_squeeze %dma_wait3A_55 : memref<1x40x128xi32, #tpu.memory_space<hbm>> -> memref<40x128xi32, #tpu.memory_space<hbm>>
        %dma_wait3A_57 = arith.constant 0 : i32
        %dma_wait3A_58 = tpu.memref_slice %arg3[%add3A, %mul3A_17, %dma_wait3A_57] : memref<32x80x128xi32, #tpu.memory_space<hbm>> -> memref<1x40x128xi32, #tpu.memory_space<hbm>>
        %dma_wait3A_59 = tpu.memref_squeeze %dma_wait3A_58 : memref<1x40x128xi32, #tpu.memory_space<hbm>> -> memref<40x128xi32, #tpu.memory_space<hbm>>
        tpu.wait_dma2 semaphore(%run_scoped3A : memref<!tpu.dma_semaphore, #tpu.memory_space<semaphore_mem>>) src(%dma_wait3A_59 : memref<40x128xi32, #tpu.memory_space<hbm>>) dst(%arg7 : memref<40x128xi32, #tpu.memory_space<vmem>>)
        tpu.yield
      }) : () -> ()
      %mul3A_18 = arith.constant 40 : i32
      %mul3A_19 = arith.muli %scan3A_15, %mul3A_18 : i32
      "tpu.region"() ({
        %run_scoped3A = tpu.sem_alloc : memref<!tpu.dma_semaphore, #tpu.memory_space<semaphore_mem>>
        %dma_start3A_48 = arith.constant 0 : i32
        %dma_start3A_49 = tpu.memref_slice %arg4[%add3A, %mul3A_19, %dma_start3A_48] : memref<32x80x128xi32, #tpu.memory_space<hbm>> -> memref<1x40x128xi32, #tpu.memory_space<hbm>>
        %dma_start3A_50 = tpu.memref_squeeze %dma_start3A_49 : memref<1x40x128xi32, #tpu.memory_space<hbm>> -> memref<40x128xi32, #tpu.memory_space<hbm>>
        %dma_start3A_51 = arith.constant 0 : i32
        %dma_start3A_52 = tpu.memref_slice %arg4[%add3A, %mul3A_19, %dma_start3A_51] : memref<32x80x128xi32, #tpu.memory_space<hbm>> -> memref<1x40x128xi32, #tpu.memory_space<hbm>>
        %dma_start3A_53 = tpu.memref_squeeze %dma_start3A_52 : memref<1x40x128xi32, #tpu.memory_space<hbm>> -> memref<40x128xi32, #tpu.memory_space<hbm>>
        tpu.enqueue_dma source(%dma_start3A_53 : memref<40x128xi32, #tpu.memory_space<hbm>>) target(%arg8 : memref<40x128xi32, #tpu.memory_space<vmem>>) target_semaphore(%run_scoped3A : memref<!tpu.dma_semaphore, #tpu.memory_space<semaphore_mem>>)
        %dma_wait3A_54 = arith.constant 0 : i32
        %dma_wait3A_55 = tpu.memref_slice %arg4[%add3A, %mul3A_19, %dma_wait3A_54] : memref<32x80x128xi32, #tpu.memory_space<hbm>> -> memref<1x40x128xi32, #tpu.memory_space<hbm>>
        %dma_wait3A_56 = tpu.memref_squeeze %dma_wait3A_55 : memref<1x40x128xi32, #tpu.memory_space<hbm>> -> memref<40x128xi32, #tpu.memory_space<hbm>>
        %dma_wait3A_57 = arith.constant 0 : i32
        %dma_wait3A_58 = tpu.memref_slice %arg4[%add3A, %mul3A_19, %dma_wait3A_57] : memref<32x80x128xi32, #tpu.memory_space<hbm>> -> memref<1x40x128xi32, #tpu.memory_space<hbm>>
        %dma_wait3A_59 = tpu.memref_squeeze %dma_wait3A_58 : memref<1x40x128xi32, #tpu.memory_space<hbm>> -> memref<40x128xi32, #tpu.memory_space<hbm>>
        tpu.wait_dma2 semaphore(%run_scoped3A : memref<!tpu.dma_semaphore, #tpu.memory_space<semaphore_mem>>) src(%dma_wait3A_59 : memref<40x128xi32, #tpu.memory_space<hbm>>) dst(%arg8 : memref<40x128xi32, #tpu.memory_space<vmem>>)
        tpu.yield
      }) : () -> ()
      %dma_start3A = arith.constant 0 : i32
      %dma_start3A_20 = arith.constant 0 : i32
      %dma_start3A_21 = arith.constant 0 : i32
      %dma_start3A_22 = arith.constant 0 : i32
      %dma_start3A_23 = tpu.memref_slice %arg9[%dma_start3A_20, %dma_start3A_21, %dma_start3A_22] : memref<2x128x128xf32, #tpu.memory_space<vmem>> -> memref<1x128x128xf32, #tpu.memory_space<vmem>>
      %dma_start3A_24 = tpu.memref_squeeze %dma_start3A_23 : memref<1x128x128xf32, #tpu.memory_space<vmem>> -> memref<128x128xf32, #tpu.memory_space<vmem>>
      %dma_start3A_25 = arith.constant 0 : i32
      %dma_start3A_26 = tpu.memref_slice %arg7[%dma_start3A, %dma_start3A_25] : memref<40x128xi32, #tpu.memory_space<vmem>> -> memref<1x128xi32, #tpu.memory_space<vmem>>
      %dma_start3A_27 = tpu.memref_squeeze %dma_start3A_26 : memref<1x128xi32, #tpu.memory_space<vmem>> -> memref<128xi32, #tpu.memory_space<vmem>>
      %dma_start3A_28 = arith.constant 0 : i32
      %dma_start3A_29 = arith.constant 0 : i32
      %dma_start3A_30 = tpu.memref_slice %arg2[%dma_start3A_28, %dma_start3A_29] : memref<10000x128xf32, #tpu.memory_space<hbm>> -> memref<10000x128xf32, #tpu.memory_space<hbm>>
      tpu.enqueue_indirect_dma source(%dma_start3A_30 : memref<10000x128xf32, #tpu.memory_space<hbm>>) target(%dma_start3A_24 : memref<128x128xf32, #tpu.memory_space<vmem>>) offsets(%dma_start3A_27 : memref<128xi32, #tpu.memory_space<vmem>>) semaphore(%arg11 : memref<!tpu.dma_semaphore, #tpu.memory_space<semaphore_mem>>)
      %scan3A_31 = arith.constant 0 : i32
      %scan3A_32 = arith.constant 0 : i32
      %scan3A_33 = arith.constant 20 : i32
      %scan3A_34 = arith.addi %scan3A_32, %scan3A_33 : i32
      %scan3A_35 = arith.constant 1 : i32
      scf.for %scan3A_48 = %scan3A_32 to %scan3A_34 step %scan3A_35  : i32 {
        %mul3A_49 = arith.constant 2 : i32
        %mul3A_50 = arith.muli %scan3A_48, %mul3A_49 : i32
        %add3A_51 = arith.constant 0 : i32
        %add3A_52 = arith.addi %mul3A_50, %add3A_51 : i32
        %dma_wait3A_53 = arith.constant 0 : i32
        %dma_wait3A_54 = arith.constant 0 : i32
        %dma_wait3A_55 = arith.constant 0 : i32
        %dma_wait3A_56 = tpu.memref_slice %arg9[%dma_wait3A_53, %dma_wait3A_54, %dma_wait3A_55] : memref<2x128x128xf32, #tpu.memory_space<vmem>> -> memref<1x128x128xf32, #tpu.memory_space<vmem>>
        %dma_wait3A_57 = tpu.memref_squeeze %dma_wait3A_56 : memref<1x128x128xf32, #tpu.memory_space<vmem>> -> memref<128x128xf32, #tpu.memory_space<vmem>>
        %dma_wait3A_58 = arith.constant 0 : i32
        %dma_wait3A_59 = tpu.memref_slice %arg7[%add3A_52, %dma_wait3A_58] : memref<40x128xi32, #tpu.memory_space<vmem>> -> memref<1x128xi32, #tpu.memory_space<vmem>>
        %dma_wait3A_60 = tpu.memref_squeeze %dma_wait3A_59 : memref<1x128xi32, #tpu.memory_space<vmem>> -> memref<128xi32, #tpu.memory_space<vmem>>
        %dma_wait3A_61 = arith.constant 0 : i32
        %dma_wait3A_62 = arith.constant 0 : i32
        %dma_wait3A_63 = tpu.memref_slice %arg2[%dma_wait3A_61, %dma_wait3A_62] : memref<10000x128xf32, #tpu.memory_space<hbm>> -> memref<10000x128xf32, #tpu.memory_space<hbm>>
        tpu.wait_indirect_dma semaphore(%arg11 : memref<!tpu.dma_semaphore, #tpu.memory_space<semaphore_mem>>) src(%dma_wait3A_63 : memref<10000x128xf32, #tpu.memory_space<hbm>>) dst(%dma_wait3A_57 : memref<128x128xf32, #tpu.memory_space<vmem>>)
        %dma_start3A_64 = arith.constant 0 : i32
        %dma_start3A_65 = arith.constant 0 : i32
        %dma_start3A_66 = arith.constant 0 : i32
        %dma_start3A_67 = tpu.memref_slice %arg9[%dma_start3A_64, %dma_start3A_65, %dma_start3A_66] : memref<2x128x128xf32, #tpu.memory_space<vmem>> -> memref<1x128x128xf32, #tpu.memory_space<vmem>>
        %dma_start3A_68 = tpu.memref_squeeze %dma_start3A_67 : memref<1x128x128xf32, #tpu.memory_space<vmem>> -> memref<128x128xf32, #tpu.memory_space<vmem>>
        %dma_start3A_69 = arith.constant 0 : i32
        %dma_start3A_70 = tpu.memref_slice %arg8[%add3A_52, %dma_start3A_69] : memref<40x128xi32, #tpu.memory_space<vmem>> -> memref<1x128xi32, #tpu.memory_space<vmem>>
        %dma_start3A_71 = tpu.memref_squeeze %dma_start3A_70 : memref<1x128xi32, #tpu.memory_space<vmem>> -> memref<128xi32, #tpu.memory_space<vmem>>
        %dma_start3A_72 = arith.constant 0 : i32
        %dma_start3A_73 = arith.constant 0 : i32
        %dma_start3A_74 = tpu.memref_slice %arg10[%dma_start3A_72, %dma_start3A_73] : memref<10112x128xf32, #tpu.memory_space<vmem_shared>> -> memref<10112x128xf32, #tpu.memory_space<vmem_shared>>
        tpu.enqueue_indirect_dma source(%dma_start3A_68 : memref<128x128xf32, #tpu.memory_space<vmem>>) target(%dma_start3A_74 : memref<10112x128xf32, #tpu.memory_space<vmem_shared>>) offsets(%dma_start3A_71 : memref<128xi32, #tpu.memory_space<vmem>>) semaphore(%arg13 : memref<!tpu.dma_semaphore, #tpu.memory_space<semaphore_mem>>) {add = true}
        %ge3A = arith.constant 1 : i32
        %ge3A_75 = arith.cmpi sge, %add3A_52, %ge3A : i32
        %convert_element_type3A = arith.extui %ge3A_75 : i1 to i32
        %cond3A = arith.constant 0 : i32
        %cond3A_76 = arith.cmpi ne, %convert_element_type3A, %cond3A : i32
        scf.if %cond3A_76 {
          %sub3A = arith.constant 1 : i32
          %sub3A_119 = arith.subi %add3A_52, %sub3A : i32
          %dma_wait3A_120 = arith.constant 1 : i32
          %dma_wait3A_121 = arith.constant 0 : i32
          %dma_wait3A_122 = arith.constant 0 : i32
          %dma_wait3A_123 = tpu.memref_slice %arg9[%dma_wait3A_120, %dma_wait3A_121, %dma_wait3A_122] : memref<2x128x128xf32, #tpu.memory_space<vmem>> -> memref<1x128x128xf32, #tpu.memory_space<vmem>>
          %dma_wait3A_124 = tpu.memref_squeeze %dma_wait3A_123 : memref<1x128x128xf32, #tpu.memory_space<vmem>> -> memref<128x128xf32, #tpu.memory_space<vmem>>
          %dma_wait3A_125 = arith.constant 0 : i32
          %dma_wait3A_126 = tpu.memref_slice %arg8[%sub3A_119, %dma_wait3A_125] : memref<40x128xi32, #tpu.memory_space<vmem>> -> memref<1x128xi32, #tpu.memory_space<vmem>>
          %dma_wait3A_127 = tpu.memref_squeeze %dma_wait3A_126 : memref<1x128xi32, #tpu.memory_space<vmem>> -> memref<128xi32, #tpu.memory_space<vmem>>
          %dma_wait3A_128 = arith.constant 0 : i32
          %dma_wait3A_129 = arith.constant 0 : i32
          %dma_wait3A_130 = tpu.memref_slice %arg10[%dma_wait3A_128, %dma_wait3A_129] : memref<10112x128xf32, #tpu.memory_space<vmem_shared>> -> memref<10112x128xf32, #tpu.memory_space<vmem_shared>>
          tpu.wait_indirect_dma semaphore(%arg14 : memref<!tpu.dma_semaphore, #tpu.memory_space<semaphore_mem>>) src(%dma_wait3A_124 : memref<128x128xf32, #tpu.memory_space<vmem>>) dst(%dma_wait3A_130 : memref<10112x128xf32, #tpu.memory_space<vmem_shared>>)
        } else {
        }
        %add3A_77 = arith.constant 1 : i32
        %add3A_78 = arith.addi %add3A_52, %add3A_77 : i32
        %lt3A = arith.constant 40 : i32
        %lt3A_79 = arith.cmpi slt, %add3A_78, %lt3A : i32
        %convert_element_type3A_80 = arith.extui %lt3A_79 : i1 to i32
        %cond3A_81 = arith.constant 0 : i32
        %cond3A_82 = arith.cmpi ne, %convert_element_type3A_80, %cond3A_81 : i32
        scf.if %cond3A_82 {
          %add3A_119 = arith.constant 1 : i32
          %add3A_120 = arith.addi %add3A_52, %add3A_119 : i32
          %dma_start3A_121 = arith.constant 1 : i32
          %dma_start3A_122 = arith.constant 0 : i32
          %dma_start3A_123 = arith.constant 0 : i32
          %dma_start3A_124 = tpu.memref_slice %arg9[%dma_start3A_121, %dma_start3A_122, %dma_start3A_123] : memref<2x128x128xf32, #tpu.memory_space<vmem>> -> memref<1x128x128xf32, #tpu.memory_space<vmem>>
          %dma_start3A_125 = tpu.memref_squeeze %dma_start3A_124 : memref<1x128x128xf32, #tpu.memory_space<vmem>> -> memref<128x128xf32, #tpu.memory_space<vmem>>
          %dma_start3A_126 = arith.constant 0 : i32
          %dma_start3A_127 = tpu.memref_slice %arg7[%add3A_120, %dma_start3A_126] : memref<40x128xi32, #tpu.memory_space<vmem>> -> memref<1x128xi32, #tpu.memory_space<vmem>>
          %dma_start3A_128 = tpu.memref_squeeze %dma_start3A_127 : memref<1x128xi32, #tpu.memory_space<vmem>> -> memref<128xi32, #tpu.memory_space<vmem>>
          %dma_start3A_129 = arith.constant 0 : i32
          %dma_start3A_130 = arith.constant 0 : i32
          %dma_start3A_131 = tpu.memref_slice %arg2[%dma_start3A_129, %dma_start3A_130] : memref<10000x128xf32, #tpu.memory_space<hbm>> -> memref<10000x128xf32, #tpu.memory_space<hbm>>
          tpu.enqueue_indirect_dma source(%dma_start3A_131 : memref<10000x128xf32, #tpu.memory_space<hbm>>) target(%dma_start3A_125 : memref<128x128xf32, #tpu.memory_space<vmem>>) offsets(%dma_start3A_128 : memref<128xi32, #tpu.memory_space<vmem>>) semaphore(%arg12 : memref<!tpu.dma_semaphore, #tpu.memory_space<semaphore_mem>>)
        } else {
        }
        %add3A_83 = arith.constant 1 : i32
        %add3A_84 = arith.addi %mul3A_50, %add3A_83 : i32
        %dma_wait3A_85 = arith.constant 1 : i32
        %dma_wait3A_86 = arith.constant 0 : i32
        %dma_wait3A_87 = arith.constant 0 : i32
        %dma_wait3A_88 = tpu.memref_slice %arg9[%dma_wait3A_85, %dma_wait3A_86, %dma_wait3A_87] : memref<2x128x128xf32, #tpu.memory_space<vmem>> -> memref<1x128x128xf32, #tpu.memory_space<vmem>>
        %dma_wait3A_89 = tpu.memref_squeeze %dma_wait3A_88 : memref<1x128x128xf32, #tpu.memory_space<vmem>> -> memref<128x128xf32, #tpu.memory_space<vmem>>
        %dma_wait3A_90 = arith.constant 0 : i32
        %dma_wait3A_91 = tpu.memref_slice %arg7[%add3A_84, %dma_wait3A_90] : memref<40x128xi32, #tpu.memory_space<vmem>> -> memref<1x128xi32, #tpu.memory_space<vmem>>
        %dma_wait3A_92 = tpu.memref_squeeze %dma_wait3A_91 : memref<1x128xi32, #tpu.memory_space<vmem>> -> memref<128xi32, #tpu.memory_space<vmem>>
        %dma_wait3A_93 = arith.constant 0 : i32
        %dma_wait3A_94 = arith.constant 0 : i32
        %dma_wait3A_95 = tpu.memref_slice %arg2[%dma_wait3A_93, %dma_wait3A_94] : memref<10000x128xf32, #tpu.memory_space<hbm>> -> memref<10000x128xf32, #tpu.memory_space<hbm>>
        tpu.wait_indirect_dma semaphore(%arg12 : memref<!tpu.dma_semaphore, #tpu.memory_space<semaphore_mem>>) src(%dma_wait3A_95 : memref<10000x128xf32, #tpu.memory_space<hbm>>) dst(%dma_wait3A_89 : memref<128x128xf32, #tpu.memory_space<vmem>>)
        %dma_start3A_96 = arith.constant 1 : i32
        %dma_start3A_97 = arith.constant 0 : i32
        %dma_start3A_98 = arith.constant 0 : i32
        %dma_start3A_99 = tpu.memref_slice %arg9[%dma_start3A_96, %dma_start3A_97, %dma_start3A_98] : memref<2x128x128xf32, #tpu.memory_space<vmem>> -> memref<1x128x128xf32, #tpu.memory_space<vmem>>
        %dma_start3A_100 = tpu.memref_squeeze %dma_start3A_99 : memref<1x128x128xf32, #tpu.memory_space<vmem>> -> memref<128x128xf32, #tpu.memory_space<vmem>>
        %dma_start3A_101 = arith.constant 0 : i32
        %dma_start3A_102 = tpu.memref_slice %arg8[%add3A_84, %dma_start3A_101] : memref<40x128xi32, #tpu.memory_space<vmem>> -> memref<1x128xi32, #tpu.memory_space<vmem>>
        %dma_start3A_103 = tpu.memref_squeeze %dma_start3A_102 : memref<1x128xi32, #tpu.memory_space<vmem>> -> memref<128xi32, #tpu.memory_space<vmem>>
        %dma_start3A_104 = arith.constant 0 : i32
        %dma_start3A_105 = arith.constant 0 : i32
        %dma_start3A_106 = tpu.memref_slice %arg10[%dma_start3A_104, %dma_start3A_105] : memref<10112x128xf32, #tpu.memory_space<vmem_shared>> -> memref<10112x128xf32, #tpu.memory_space<vmem_shared>>
        tpu.enqueue_indirect_dma source(%dma_start3A_100 : memref<128x128xf32, #tpu.memory_space<vmem>>) target(%dma_start3A_106 : memref<10112x128xf32, #tpu.memory_space<vmem_shared>>) offsets(%dma_start3A_103 : memref<128xi32, #tpu.memory_space<vmem>>) semaphore(%arg14 : memref<!tpu.dma_semaphore, #tpu.memory_space<semaphore_mem>>) {add = true}
        %ge3A_107 = arith.constant 1 : i32
        %ge3A_108 = arith.cmpi sge, %add3A_84, %ge3A_107 : i32
        %convert_element_type3A_109 = arith.extui %ge3A_108 : i1 to i32
        %cond3A_110 = arith.constant 0 : i32
        %cond3A_111 = arith.cmpi ne, %convert_element_type3A_109, %cond3A_110 : i32
        scf.if %cond3A_111 {
          %sub3A = arith.constant 1 : i32
          %sub3A_119 = arith.subi %add3A_84, %sub3A : i32
          %dma_wait3A_120 = arith.constant 0 : i32
          %dma_wait3A_121 = arith.constant 0 : i32
          %dma_wait3A_122 = arith.constant 0 : i32
          %dma_wait3A_123 = tpu.memref_slice %arg9[%dma_wait3A_120, %dma_wait3A_121, %dma_wait3A_122] : memref<2x128x128xf32, #tpu.memory_space<vmem>> -> memref<1x128x128xf32, #tpu.memory_space<vmem>>
          %dma_wait3A_124 = tpu.memref_squeeze %dma_wait3A_123 : memref<1x128x128xf32, #tpu.memory_space<vmem>> -> memref<128x128xf32, #tpu.memory_space<vmem>>
          %dma_wait3A_125 = arith.constant 0 : i32
          %dma_wait3A_126 = tpu.memref_slice %arg8[%sub3A_119, %dma_wait3A_125] : memref<40x128xi32, #tpu.memory_space<vmem>> -> memref<1x128xi32, #tpu.memory_space<vmem>>
          %dma_wait3A_127 = tpu.memref_squeeze %dma_wait3A_126 : memref<1x128xi32, #tpu.memory_space<vmem>> -> memref<128xi32, #tpu.memory_space<vmem>>
          %dma_wait3A_128 = arith.constant 0 : i32
          %dma_wait3A_129 = arith.constant 0 : i32
          %dma_wait3A_130 = tpu.memref_slice %arg10[%dma_wait3A_128, %dma_wait3A_129] : memref<10112x128xf32, #tpu.memory_space<vmem_shared>> -> memref<10112x128xf32, #tpu.memory_space<vmem_shared>>
          tpu.wait_indirect_dma semaphore(%arg13 : memref<!tpu.dma_semaphore, #tpu.memory_space<semaphore_mem>>) src(%dma_wait3A_124 : memref<128x128xf32, #tpu.memory_space<vmem>>) dst(%dma_wait3A_130 : memref<10112x128xf32, #tpu.memory_space<vmem_shared>>)
        } else {
        }
        %add3A_112 = arith.constant 1 : i32
        %add3A_113 = arith.addi %add3A_84, %add3A_112 : i32
        %lt3A_114 = arith.constant 40 : i32
        %lt3A_115 = arith.cmpi slt, %add3A_113, %lt3A_114 : i32
        %convert_element_type3A_116 = arith.extui %lt3A_115 : i1 to i32
        %cond3A_117 = arith.constant 0 : i32
        %cond3A_118 = arith.cmpi ne, %convert_element_type3A_116, %cond3A_117 : i32
        scf.if %cond3A_118 {
          %add3A_119 = arith.constant 1 : i32
          %add3A_120 = arith.addi %add3A_84, %add3A_119 : i32
          %dma_start3A_121 = arith.constant 0 : i32
          %dma_start3A_122 = arith.constant 0 : i32
          %dma_start3A_123 = arith.constant 0 : i32
          %dma_start3A_124 = tpu.memref_slice %arg9[%dma_start3A_121, %dma_start3A_122, %dma_start3A_123] : memref<2x128x128xf32, #tpu.memory_space<vmem>> -> memref<1x128x128xf32, #tpu.memory_space<vmem>>
          %dma_start3A_125 = tpu.memref_squeeze %dma_start3A_124 : memref<1x128x128xf32, #tpu.memory_space<vmem>> -> memref<128x128xf32, #tpu.memory_space<vmem>>
          %dma_start3A_126 = arith.constant 0 : i32
          %dma_start3A_127 = tpu.memref_slice %arg7[%add3A_120, %dma_start3A_126] : memref<40x128xi32, #tpu.memory_space<vmem>> -> memref<1x128xi32, #tpu.memory_space<vmem>>
          %dma_start3A_128 = tpu.memref_squeeze %dma_start3A_127 : memref<1x128xi32, #tpu.memory_space<vmem>> -> memref<128xi32, #tpu.memory_space<vmem>>
          %dma_start3A_129 = arith.constant 0 : i32
          %dma_start3A_130 = arith.constant 0 : i32
          %dma_start3A_131 = tpu.memref_slice %arg2[%dma_start3A_129, %dma_start3A_130] : memref<10000x128xf32, #tpu.memory_space<hbm>> -> memref<10000x128xf32, #tpu.memory_space<hbm>>
          tpu.enqueue_indirect_dma source(%dma_start3A_131 : memref<10000x128xf32, #tpu.memory_space<hbm>>) target(%dma_start3A_125 : memref<128x128xf32, #tpu.memory_space<vmem>>) offsets(%dma_start3A_128 : memref<128xi32, #tpu.memory_space<vmem>>) semaphore(%arg11 : memref<!tpu.dma_semaphore, #tpu.memory_space<semaphore_mem>>)
        } else {
        }
      }
      %scan3A_36 = arith.constant 20 : i32
      %dma_wait3A = arith.constant 1 : i32
      %dma_wait3A_37 = arith.constant 39 : i32
      %dma_wait3A_38 = arith.constant 0 : i32
      %dma_wait3A_39 = arith.constant 0 : i32
      %dma_wait3A_40 = tpu.memref_slice %arg9[%dma_wait3A, %dma_wait3A_38, %dma_wait3A_39] : memref<2x128x128xf32, #tpu.memory_space<vmem>> -> memref<1x128x128xf32, #tpu.memory_space<vmem>>
      %dma_wait3A_41 = tpu.memref_squeeze %dma_wait3A_40 : memref<1x128x128xf32, #tpu.memory_space<vmem>> -> memref<128x128xf32, #tpu.memory_space<vmem>>
      %dma_wait3A_42 = arith.constant 0 : i32
      %dma_wait3A_43 = tpu.memref_slice %arg8[%dma_wait3A_37, %dma_wait3A_42] : memref<40x128xi32, #tpu.memory_space<vmem>> -> memref<1x128xi32, #tpu.memory_space<vmem>>
      %dma_wait3A_44 = tpu.memref_squeeze %dma_wait3A_43 : memref<1x128xi32, #tpu.memory_space<vmem>> -> memref<128xi32, #tpu.memory_space<vmem>>
      %dma_wait3A_45 = arith.constant 0 : i32
      %dma_wait3A_46 = arith.constant 0 : i32
      %dma_wait3A_47 = tpu.memref_slice %arg10[%dma_wait3A_45, %dma_wait3A_46] : memref<10112x128xf32, #tpu.memory_space<vmem_shared>> -> memref<10112x128xf32, #tpu.memory_space<vmem_shared>>
      tpu.wait_indirect_dma semaphore(%arg14 : memref<!tpu.dma_semaphore, #tpu.memory_space<semaphore_mem>>) src(%dma_wait3A_41 : memref<128x128xf32, #tpu.memory_space<vmem>>) dst(%dma_wait3A_47 : memref<10112x128xf32, #tpu.memory_space<vmem_shared>>)
    }
    %scan3A_9 = arith.constant 2 : i32
    %barrier3A_10 = arith.constant 0 : index
    tpu.barrier barrier_id(%barrier3A_10)
    %mul3A_11 = arith.constant 632 : i32
    %mul3A_12 = arith.muli %arg1, %mul3A_11 : i32
    %mul3A_13 = arith.constant 632 : i32
    %mul3A_14 = arith.muli %arg1, %mul3A_13 : i32
    "tpu.region"() ({
      %run_scoped3A = tpu.sem_alloc : memref<!tpu.dma_semaphore, #tpu.memory_space<semaphore_mem>>
      %dma_start3A = arith.constant 0 : i32
      %dma_start3A_15 = tpu.memref_slice %arg6[%arg0, %mul3A_14, %dma_start3A] : memref<2x10112x128xf32, #tpu.memory_space<hbm>> -> memref<1x632x128xf32, #tpu.memory_space<hbm>>
      %dma_start3A_16 = tpu.memref_squeeze %dma_start3A_15 : memref<1x632x128xf32, #tpu.memory_space<hbm>> -> memref<632x128xf32, #tpu.memory_space<hbm>>
      %dma_start3A_17 = arith.constant 0 : i32
      %dma_start3A_18 = tpu.memref_slice %arg10[%mul3A_12, %dma_start3A_17] : memref<10112x128xf32, #tpu.memory_space<vmem_shared>> -> memref<632x128xf32, #tpu.memory_space<vmem_shared>>
      tpu.enqueue_dma source(%dma_start3A_18 : memref<632x128xf32, #tpu.memory_space<vmem_shared>>) target(%dma_start3A_16 : memref<632x128xf32, #tpu.memory_space<hbm>>) target_semaphore(%run_scoped3A : memref<!tpu.dma_semaphore, #tpu.memory_space<semaphore_mem>>)
      %dma_wait3A = arith.constant 0 : i32
      %dma_wait3A_19 = tpu.memref_slice %arg6[%arg0, %mul3A_14, %dma_wait3A] : memref<2x10112x128xf32, #tpu.memory_space<hbm>> -> memref<1x632x128xf32, #tpu.memory_space<hbm>>
      %dma_wait3A_20 = tpu.memref_squeeze %dma_wait3A_19 : memref<1x632x128xf32, #tpu.memory_space<hbm>> -> memref<632x128xf32, #tpu.memory_space<hbm>>
      %dma_wait3A_21 = arith.constant 0 : i32
      %dma_wait3A_22 = tpu.memref_slice %arg10[%mul3A_12, %dma_wait3A_21] : memref<10112x128xf32, #tpu.memory_space<vmem_shared>> -> memref<632x128xf32, #tpu.memory_space<vmem_shared>>
      tpu.wait_dma2 semaphore(%run_scoped3A : memref<!tpu.dma_semaphore, #tpu.memory_space<semaphore_mem>>) src(%dma_wait3A_22 : memref<632x128xf32, #tpu.memory_space<vmem_shared>>) dst(%dma_wait3A_20 : memref<632x128xf32, #tpu.memory_space<hbm>>)
      tpu.yield
    }) : () -> ()
    return
  }
}

#map = affine_map<(d0, d1) -> (0, 0)>
#map1 = affine_map<(d0, d1) -> (0, 0, 0)>
module attributes {stable_mosaic.version = 14 : i64} {
  func.func @_sc_gather_scatter(%arg0: i32, %arg1: i32, %arg2: memref<10000x128xf32, #tpu.memory_space<hbm>>, %arg3: memref<32x80x128xi32, #tpu.memory_space<hbm>>, %arg4: memref<32x80x128xi32, #tpu.memory_space<hbm>>, %arg5: memref<10112x128xf32, #tpu.memory_space<hbm>>, %arg6: memref<2x10112x128xf32, #tpu.memory_space<hbm>>, %arg7: memref<40x128xi32, #tpu.memory_space<vmem>>, %arg8: memref<40x128xi32, #tpu.memory_space<vmem>>, %arg9: memref<2x128x128xf32, #tpu.memory_space<vmem>>, %arg10: memref<10112x128xf32, #tpu.memory_space<vmem_shared>>, %arg11: memref<!tpu.dma_semaphore, #tpu.memory_space<semaphore_mem>>, %arg12: memref<!tpu.dma_semaphore, #tpu.memory_space<semaphore_mem>>, %arg13: memref<!tpu.dma_semaphore, #tpu.memory_space<semaphore_mem>>, %arg14: memref<!tpu.dma_semaphore, #tpu.memory_space<semaphore_mem>>) attributes {dimension_semantics = [#tpu.dimension_semantics<core_parallel>, #tpu.dimension_semantics<subcore_parallel>], iteration_bounds = array<i64: 2, 16>, scalar_prefetch = 0 : i64, scratch_operands = 8 : i64, tpu.core_type = #tpu.core_type<sc_vector_subcore>, window_params = [{transform_indices = #map}, {transform_indices = #map1}, {transform_indices = #map1}, {transform_indices = #map}, {transform_indices = #map1}]} {
    %mul3A = arith.constant 16 : i32
    %mul3A_0 = arith.muli %arg0, %mul3A : i32
    %add3A = arith.addi %mul3A_0, %arg1 : i32
    %mul3A_1 = arith.constant 632 : i32
    %mul3A_2 = arith.muli %arg1, %mul3A_1 : i32
    %mul3A_3 = arith.constant 632 : i32
    %mul3A_4 = arith.muli %arg1, %mul3A_3 : i32
    "tpu.region"() ({
      %run_scoped3A = tpu.sem_alloc : memref<!tpu.dma_semaphore, #tpu.memory_space<semaphore_mem>>
      %dma_start3A = arith.constant 0 : i32
      %dma_start3A_15 = tpu.memref_slice %arg10[%mul3A_4, %dma_start3A] : memref<10112x128xf32, #tpu.memory_space<vmem_shared>> -> memref<632x128xf32, #tpu.memory_space<vmem_shared>>
      %dma_start3A_16 = arith.constant 0 : i32
      %dma_start3A_17 = tpu.memref_slice %arg5[%mul3A_2, %dma_start3A_16] : memref<10112x128xf32, #tpu.memory_space<hbm>> -> memref<632x128xf32, #tpu.memory_space<hbm>>
      tpu.enqueue_dma source(%dma_start3A_17 : memref<632x128xf32, #tpu.memory_space<hbm>>) target(%dma_start3A_15 : memref<632x128xf32, #tpu.memory_space<vmem_shared>>) target_semaphore(%run_scoped3A : memref<!tpu.dma_semaphore, #tpu.memory_space<semaphore_mem>>)
      %dma_wait3A = arith.constant 0 : i32
      %dma_wait3A_18 = tpu.memref_slice %arg10[%mul3A_4, %dma_wait3A] : memref<10112x128xf32, #tpu.memory_space<vmem_shared>> -> memref<632x128xf32, #tpu.memory_space<vmem_shared>>
      %dma_wait3A_19 = arith.constant 0 : i32
      %dma_wait3A_20 = tpu.memref_slice %arg5[%mul3A_2, %dma_wait3A_19] : memref<10112x128xf32, #tpu.memory_space<hbm>> -> memref<632x128xf32, #tpu.memory_space<hbm>>
      tpu.wait_dma2 semaphore(%run_scoped3A : memref<!tpu.dma_semaphore, #tpu.memory_space<semaphore_mem>>) src(%dma_wait3A_20 : memref<632x128xf32, #tpu.memory_space<hbm>>) dst(%dma_wait3A_18 : memref<632x128xf32, #tpu.memory_space<vmem_shared>>)
      tpu.yield
    }) : () -> ()
    %barrier3A = arith.constant 0 : index
    tpu.barrier barrier_id(%barrier3A)
    %scan3A = arith.constant 0 : i32
    %scan3A_5 = arith.constant 0 : i32
    %scan3A_6 = arith.constant 2 : i32
    %scan3A_7 = arith.addi %scan3A_5, %scan3A_6 : i32
    %scan3A_8 = arith.constant 1 : i32
    scf.for %scan3A_15 = %scan3A_5 to %scan3A_7 step %scan3A_8  : i32 {
      %mul3A_16 = arith.constant 40 : i32
      %mul3A_17 = arith.muli %scan3A_15, %mul3A_16 : i32
      "tpu.region"() ({
        %run_scoped3A = tpu.sem_alloc : memref<!tpu.dma_semaphore, #tpu.memory_space<semaphore_mem>>
        %dma_start3A_48 = arith.constant 0 : i32
        %dma_start3A_49 = tpu.memref_slice %arg3[%add3A, %mul3A_17, %dma_start3A_48] : memref<32x80x128xi32, #tpu.memory_space<hbm>> -> memref<1x40x128xi32, #tpu.memory_space<hbm>>
        %dma_start3A_50 = tpu.memref_squeeze %dma_start3A_49 : memref<1x40x128xi32, #tpu.memory_space<hbm>> -> memref<40x128xi32, #tpu.memory_space<hbm>>
        %dma_start3A_51 = arith.constant 0 : i32
        %dma_start3A_52 = tpu.memref_slice %arg3[%add3A, %mul3A_17, %dma_start3A_51] : memref<32x80x128xi32, #tpu.memory_space<hbm>> -> memref<1x40x128xi32, #tpu.memory_space<hbm>>
        %dma_start3A_53 = tpu.memref_squeeze %dma_start3A_52 : memref<1x40x128xi32, #tpu.memory_space<hbm>> -> memref<40x128xi32, #tpu.memory_space<hbm>>
        tpu.enqueue_dma source(%dma_start3A_53 : memref<40x128xi32, #tpu.memory_space<hbm>>) target(%arg7 : memref<40x128xi32, #tpu.memory_space<vmem>>) target_semaphore(%run_scoped3A : memref<!tpu.dma_semaphore, #tpu.memory_space<semaphore_mem>>)
        %dma_wait3A_54 = arith.constant 0 : i32
        %dma_wait3A_55 = tpu.memref_slice %arg3[%add3A, %mul3A_17, %dma_wait3A_54] : memref<32x80x128xi32, #tpu.memory_space<hbm>> -> memref<1x40x128xi32, #tpu.memory_space<hbm>>
        %dma_wait3A_56 = tpu.memref_squeeze %dma_wait3A_55 : memref<1x40x128xi32, #tpu.memory_space<hbm>> -> memref<40x128xi32, #tpu.memory_space<hbm>>
        %dma_wait3A_57 = arith.constant 0 : i32
        %dma_wait3A_58 = tpu.memref_slice %arg3[%add3A, %mul3A_17, %dma_wait3A_57] : memref<32x80x128xi32, #tpu.memory_space<hbm>> -> memref<1x40x128xi32, #tpu.memory_space<hbm>>
        %dma_wait3A_59 = tpu.memref_squeeze %dma_wait3A_58 : memref<1x40x128xi32, #tpu.memory_space<hbm>> -> memref<40x128xi32, #tpu.memory_space<hbm>>
        tpu.wait_dma2 semaphore(%run_scoped3A : memref<!tpu.dma_semaphore, #tpu.memory_space<semaphore_mem>>) src(%dma_wait3A_59 : memref<40x128xi32, #tpu.memory_space<hbm>>) dst(%arg7 : memref<40x128xi32, #tpu.memory_space<vmem>>)
        tpu.yield
      }) : () -> ()
      %mul3A_18 = arith.constant 40 : i32
      %mul3A_19 = arith.muli %scan3A_15, %mul3A_18 : i32
      "tpu.region"() ({
        %run_scoped3A = tpu.sem_alloc : memref<!tpu.dma_semaphore, #tpu.memory_space<semaphore_mem>>
        %dma_start3A_48 = arith.constant 0 : i32
        %dma_start3A_49 = tpu.memref_slice %arg4[%add3A, %mul3A_19, %dma_start3A_48] : memref<32x80x128xi32, #tpu.memory_space<hbm>> -> memref<1x40x128xi32, #tpu.memory_space<hbm>>
        %dma_start3A_50 = tpu.memref_squeeze %dma_start3A_49 : memref<1x40x128xi32, #tpu.memory_space<hbm>> -> memref<40x128xi32, #tpu.memory_space<hbm>>
        %dma_start3A_51 = arith.constant 0 : i32
        %dma_start3A_52 = tpu.memref_slice %arg4[%add3A, %mul3A_19, %dma_start3A_51] : memref<32x80x128xi32, #tpu.memory_space<hbm>> -> memref<1x40x128xi32, #tpu.memory_space<hbm>>
        %dma_start3A_53 = tpu.memref_squeeze %dma_start3A_52 : memref<1x40x128xi32, #tpu.memory_space<hbm>> -> memref<40x128xi32, #tpu.memory_space<hbm>>
        tpu.enqueue_dma source(%dma_start3A_53 : memref<40x128xi32, #tpu.memory_space<hbm>>) target(%arg8 : memref<40x128xi32, #tpu.memory_space<vmem>>) target_semaphore(%run_scoped3A : memref<!tpu.dma_semaphore, #tpu.memory_space<semaphore_mem>>)
        %dma_wait3A_54 = arith.constant 0 : i32
        %dma_wait3A_55 = tpu.memref_slice %arg4[%add3A, %mul3A_19, %dma_wait3A_54] : memref<32x80x128xi32, #tpu.memory_space<hbm>> -> memref<1x40x128xi32, #tpu.memory_space<hbm>>
        %dma_wait3A_56 = tpu.memref_squeeze %dma_wait3A_55 : memref<1x40x128xi32, #tpu.memory_space<hbm>> -> memref<40x128xi32, #tpu.memory_space<hbm>>
        %dma_wait3A_57 = arith.constant 0 : i32
        %dma_wait3A_58 = tpu.memref_slice %arg4[%add3A, %mul3A_19, %dma_wait3A_57] : memref<32x80x128xi32, #tpu.memory_space<hbm>> -> memref<1x40x128xi32, #tpu.memory_space<hbm>>
        %dma_wait3A_59 = tpu.memref_squeeze %dma_wait3A_58 : memref<1x40x128xi32, #tpu.memory_space<hbm>> -> memref<40x128xi32, #tpu.memory_space<hbm>>
        tpu.wait_dma2 semaphore(%run_scoped3A : memref<!tpu.dma_semaphore, #tpu.memory_space<semaphore_mem>>) src(%dma_wait3A_59 : memref<40x128xi32, #tpu.memory_space<hbm>>) dst(%arg8 : memref<40x128xi32, #tpu.memory_space<vmem>>)
        tpu.yield
      }) : () -> ()
      %dma_start3A = arith.constant 0 : i32
      %dma_start3A_20 = arith.constant 0 : i32
      %dma_start3A_21 = arith.constant 0 : i32
      %dma_start3A_22 = arith.constant 0 : i32
      %dma_start3A_23 = tpu.memref_slice %arg9[%dma_start3A_20, %dma_start3A_21, %dma_start3A_22] : memref<2x128x128xf32, #tpu.memory_space<vmem>> -> memref<1x128x128xf32, #tpu.memory_space<vmem>>
      %dma_start3A_24 = tpu.memref_squeeze %dma_start3A_23 : memref<1x128x128xf32, #tpu.memory_space<vmem>> -> memref<128x128xf32, #tpu.memory_space<vmem>>
      %dma_start3A_25 = arith.constant 0 : i32
      %dma_start3A_26 = tpu.memref_slice %arg7[%dma_start3A, %dma_start3A_25] : memref<40x128xi32, #tpu.memory_space<vmem>> -> memref<1x128xi32, #tpu.memory_space<vmem>>
      %dma_start3A_27 = tpu.memref_squeeze %dma_start3A_26 : memref<1x128xi32, #tpu.memory_space<vmem>> -> memref<128xi32, #tpu.memory_space<vmem>>
      %dma_start3A_28 = arith.constant 0 : i32
      %dma_start3A_29 = arith.constant 0 : i32
      %dma_start3A_30 = tpu.memref_slice %arg2[%dma_start3A_28, %dma_start3A_29] : memref<10000x128xf32, #tpu.memory_space<hbm>> -> memref<10000x128xf32, #tpu.memory_space<hbm>>
      tpu.enqueue_indirect_dma source(%dma_start3A_30 : memref<10000x128xf32, #tpu.memory_space<hbm>>) target(%dma_start3A_24 : memref<128x128xf32, #tpu.memory_space<vmem>>) offsets(%dma_start3A_27 : memref<128xi32, #tpu.memory_space<vmem>>) semaphore(%arg11 : memref<!tpu.dma_semaphore, #tpu.memory_space<semaphore_mem>>)
      %scan3A_31 = arith.constant 0 : i32
      %scan3A_32 = arith.constant 0 : i32
      %scan3A_33 = arith.constant 20 : i32
      %scan3A_34 = arith.addi %scan3A_32, %scan3A_33 : i32
      %scan3A_35 = arith.constant 1 : i32
      scf.for %scan3A_48 = %scan3A_32 to %scan3A_34 step %scan3A_35  : i32 {
        %mul3A_49 = arith.constant 2 : i32
        %mul3A_50 = arith.muli %scan3A_48, %mul3A_49 : i32
        %add3A_51 = arith.constant 0 : i32
        %add3A_52 = arith.addi %mul3A_50, %add3A_51 : i32
        %dma_wait3A_53 = arith.constant 0 : i32
        %dma_wait3A_54 = arith.constant 0 : i32
        %dma_wait3A_55 = arith.constant 0 : i32
        %dma_wait3A_56 = tpu.memref_slice %arg9[%dma_wait3A_53, %dma_wait3A_54, %dma_wait3A_55] : memref<2x128x128xf32, #tpu.memory_space<vmem>> -> memref<1x128x128xf32, #tpu.memory_space<vmem>>
        %dma_wait3A_57 = tpu.memref_squeeze %dma_wait3A_56 : memref<1x128x128xf32, #tpu.memory_space<vmem>> -> memref<128x128xf32, #tpu.memory_space<vmem>>
        %dma_wait3A_58 = arith.constant 0 : i32
        %dma_wait3A_59 = tpu.memref_slice %arg7[%add3A_52, %dma_wait3A_58] : memref<40x128xi32, #tpu.memory_space<vmem>> -> memref<1x128xi32, #tpu.memory_space<vmem>>
        %dma_wait3A_60 = tpu.memref_squeeze %dma_wait3A_59 : memref<1x128xi32, #tpu.memory_space<vmem>> -> memref<128xi32, #tpu.memory_space<vmem>>
        %dma_wait3A_61 = arith.constant 0 : i32
        %dma_wait3A_62 = arith.constant 0 : i32
        %dma_wait3A_63 = tpu.memref_slice %arg2[%dma_wait3A_61, %dma_wait3A_62] : memref<10000x128xf32, #tpu.memory_space<hbm>> -> memref<10000x128xf32, #tpu.memory_space<hbm>>
        tpu.wait_indirect_dma semaphore(%arg11 : memref<!tpu.dma_semaphore, #tpu.memory_space<semaphore_mem>>) src(%dma_wait3A_63 : memref<10000x128xf32, #tpu.memory_space<hbm>>) dst(%dma_wait3A_57 : memref<128x128xf32, #tpu.memory_space<vmem>>)
        %dma_start3A_64 = arith.constant 0 : i32
        %dma_start3A_65 = arith.constant 0 : i32
        %dma_start3A_66 = arith.constant 0 : i32
        %dma_start3A_67 = tpu.memref_slice %arg9[%dma_start3A_64, %dma_start3A_65, %dma_start3A_66] : memref<2x128x128xf32, #tpu.memory_space<vmem>> -> memref<1x128x128xf32, #tpu.memory_space<vmem>>
        %dma_start3A_68 = tpu.memref_squeeze %dma_start3A_67 : memref<1x128x128xf32, #tpu.memory_space<vmem>> -> memref<128x128xf32, #tpu.memory_space<vmem>>
        %dma_start3A_69 = arith.constant 0 : i32
        %dma_start3A_70 = tpu.memref_slice %arg8[%add3A_52, %dma_start3A_69] : memref<40x128xi32, #tpu.memory_space<vmem>> -> memref<1x128xi32, #tpu.memory_space<vmem>>
        %dma_start3A_71 = tpu.memref_squeeze %dma_start3A_70 : memref<1x128xi32, #tpu.memory_space<vmem>> -> memref<128xi32, #tpu.memory_space<vmem>>
        %dma_start3A_72 = arith.constant 0 : i32
        %dma_start3A_73 = arith.constant 0 : i32
        %dma_start3A_74 = tpu.memref_slice %arg10[%dma_start3A_72, %dma_start3A_73] : memref<10112x128xf32, #tpu.memory_space<vmem_shared>> -> memref<10112x128xf32, #tpu.memory_space<vmem_shared>>
        tpu.enqueue_indirect_dma source(%dma_start3A_68 : memref<128x128xf32, #tpu.memory_space<vmem>>) target(%dma_start3A_74 : memref<10112x128xf32, #tpu.memory_space<vmem_shared>>) offsets(%dma_start3A_71 : memref<128xi32, #tpu.memory_space<vmem>>) semaphore(%arg13 : memref<!tpu.dma_semaphore, #tpu.memory_space<semaphore_mem>>) {add = true}
        %ge3A = arith.constant 1 : i32
        %ge3A_75 = arith.cmpi sge, %add3A_52, %ge3A : i32
        %convert_element_type3A = arith.extui %ge3A_75 : i1 to i32
        %cond3A = arith.constant 0 : i32
        %cond3A_76 = arith.cmpi ne, %convert_element_type3A, %cond3A : i32
        scf.if %cond3A_76 {
          %sub3A = arith.constant 1 : i32
          %sub3A_119 = arith.subi %add3A_52, %sub3A : i32
          %dma_wait3A_120 = arith.constant 1 : i32
          %dma_wait3A_121 = arith.constant 0 : i32
          %dma_wait3A_122 = arith.constant 0 : i32
          %dma_wait3A_123 = tpu.memref_slice %arg9[%dma_wait3A_120, %dma_wait3A_121, %dma_wait3A_122] : memref<2x128x128xf32, #tpu.memory_space<vmem>> -> memref<1x128x128xf32, #tpu.memory_space<vmem>>
          %dma_wait3A_124 = tpu.memref_squeeze %dma_wait3A_123 : memref<1x128x128xf32, #tpu.memory_space<vmem>> -> memref<128x128xf32, #tpu.memory_space<vmem>>
          %dma_wait3A_125 = arith.constant 0 : i32
          %dma_wait3A_126 = tpu.memref_slice %arg8[%sub3A_119, %dma_wait3A_125] : memref<40x128xi32, #tpu.memory_space<vmem>> -> memref<1x128xi32, #tpu.memory_space<vmem>>
          %dma_wait3A_127 = tpu.memref_squeeze %dma_wait3A_126 : memref<1x128xi32, #tpu.memory_space<vmem>> -> memref<128xi32, #tpu.memory_space<vmem>>
          %dma_wait3A_128 = arith.constant 0 : i32
          %dma_wait3A_129 = arith.constant 0 : i32
          %dma_wait3A_130 = tpu.memref_slice %arg10[%dma_wait3A_128, %dma_wait3A_129] : memref<10112x128xf32, #tpu.memory_space<vmem_shared>> -> memref<10112x128xf32, #tpu.memory_space<vmem_shared>>
          tpu.wait_indirect_dma semaphore(%arg14 : memref<!tpu.dma_semaphore, #tpu.memory_space<semaphore_mem>>) src(%dma_wait3A_124 : memref<128x128xf32, #tpu.memory_space<vmem>>) dst(%dma_wait3A_130 : memref<10112x128xf32, #tpu.memory_space<vmem_shared>>)
        } else {
        }
        %add3A_77 = arith.constant 1 : i32
        %add3A_78 = arith.addi %add3A_52, %add3A_77 : i32
        %lt3A = arith.constant 40 : i32
        %lt3A_79 = arith.cmpi slt, %add3A_78, %lt3A : i32
        %convert_element_type3A_80 = arith.extui %lt3A_79 : i1 to i32
        %cond3A_81 = arith.constant 0 : i32
        %cond3A_82 = arith.cmpi ne, %convert_element_type3A_80, %cond3A_81 : i32
        scf.if %cond3A_82 {
          %add3A_119 = arith.constant 1 : i32
          %add3A_120 = arith.addi %add3A_52, %add3A_119 : i32
          %dma_start3A_121 = arith.constant 1 : i32
          %dma_start3A_122 = arith.constant 0 : i32
          %dma_start3A_123 = arith.constant 0 : i32
          %dma_start3A_124 = tpu.memref_slice %arg9[%dma_start3A_121, %dma_start3A_122, %dma_start3A_123] : memref<2x128x128xf32, #tpu.memory_space<vmem>> -> memref<1x128x128xf32, #tpu.memory_space<vmem>>
          %dma_start3A_125 = tpu.memref_squeeze %dma_start3A_124 : memref<1x128x128xf32, #tpu.memory_space<vmem>> -> memref<128x128xf32, #tpu.memory_space<vmem>>
          %dma_start3A_126 = arith.constant 0 : i32
          %dma_start3A_127 = tpu.memref_slice %arg7[%add3A_120, %dma_start3A_126] : memref<40x128xi32, #tpu.memory_space<vmem>> -> memref<1x128xi32, #tpu.memory_space<vmem>>
          %dma_start3A_128 = tpu.memref_squeeze %dma_start3A_127 : memref<1x128xi32, #tpu.memory_space<vmem>> -> memref<128xi32, #tpu.memory_space<vmem>>
          %dma_start3A_129 = arith.constant 0 : i32
          %dma_start3A_130 = arith.constant 0 : i32
          %dma_start3A_131 = tpu.memref_slice %arg2[%dma_start3A_129, %dma_start3A_130] : memref<10000x128xf32, #tpu.memory_space<hbm>> -> memref<10000x128xf32, #tpu.memory_space<hbm>>
          tpu.enqueue_indirect_dma source(%dma_start3A_131 : memref<10000x128xf32, #tpu.memory_space<hbm>>) target(%dma_start3A_125 : memref<128x128xf32, #tpu.memory_space<vmem>>) offsets(%dma_start3A_128 : memref<128xi32, #tpu.memory_space<vmem>>) semaphore(%arg12 : memref<!tpu.dma_semaphore, #tpu.memory_space<semaphore_mem>>)
        } else {
        }
        %add3A_83 = arith.constant 1 : i32
        %add3A_84 = arith.addi %mul3A_50, %add3A_83 : i32
        %dma_wait3A_85 = arith.constant 1 : i32
        %dma_wait3A_86 = arith.constant 0 : i32
        %dma_wait3A_87 = arith.constant 0 : i32
        %dma_wait3A_88 = tpu.memref_slice %arg9[%dma_wait3A_85, %dma_wait3A_86, %dma_wait3A_87] : memref<2x128x128xf32, #tpu.memory_space<vmem>> -> memref<1x128x128xf32, #tpu.memory_space<vmem>>
        %dma_wait3A_89 = tpu.memref_squeeze %dma_wait3A_88 : memref<1x128x128xf32, #tpu.memory_space<vmem>> -> memref<128x128xf32, #tpu.memory_space<vmem>>
        %dma_wait3A_90 = arith.constant 0 : i32
        %dma_wait3A_91 = tpu.memref_slice %arg7[%add3A_84, %dma_wait3A_90] : memref<40x128xi32, #tpu.memory_space<vmem>> -> memref<1x128xi32, #tpu.memory_space<vmem>>
        %dma_wait3A_92 = tpu.memref_squeeze %dma_wait3A_91 : memref<1x128xi32, #tpu.memory_space<vmem>> -> memref<128xi32, #tpu.memory_space<vmem>>
        %dma_wait3A_93 = arith.constant 0 : i32
        %dma_wait3A_94 = arith.constant 0 : i32
        %dma_wait3A_95 = tpu.memref_slice %arg2[%dma_wait3A_93, %dma_wait3A_94] : memref<10000x128xf32, #tpu.memory_space<hbm>> -> memref<10000x128xf32, #tpu.memory_space<hbm>>
        tpu.wait_indirect_dma semaphore(%arg12 : memref<!tpu.dma_semaphore, #tpu.memory_space<semaphore_mem>>) src(%dma_wait3A_95 : memref<10000x128xf32, #tpu.memory_space<hbm>>) dst(%dma_wait3A_89 : memref<128x128xf32, #tpu.memory_space<vmem>>)
        %dma_start3A_96 = arith.constant 1 : i32
        %dma_start3A_97 = arith.constant 0 : i32
        %dma_start3A_98 = arith.constant 0 : i32
        %dma_start3A_99 = tpu.memref_slice %arg9[%dma_start3A_96, %dma_start3A_97, %dma_start3A_98] : memref<2x128x128xf32, #tpu.memory_space<vmem>> -> memref<1x128x128xf32, #tpu.memory_space<vmem>>
        %dma_start3A_100 = tpu.memref_squeeze %dma_start3A_99 : memref<1x128x128xf32, #tpu.memory_space<vmem>> -> memref<128x128xf32, #tpu.memory_space<vmem>>
        %dma_start3A_101 = arith.constant 0 : i32
        %dma_start3A_102 = tpu.memref_slice %arg8[%add3A_84, %dma_start3A_101] : memref<40x128xi32, #tpu.memory_space<vmem>> -> memref<1x128xi32, #tpu.memory_space<vmem>>
        %dma_start3A_103 = tpu.memref_squeeze %dma_start3A_102 : memref<1x128xi32, #tpu.memory_space<vmem>> -> memref<128xi32, #tpu.memory_space<vmem>>
        %dma_start3A_104 = arith.constant 0 : i32
        %dma_start3A_105 = arith.constant 0 : i32
        %dma_start3A_106 = tpu.memref_slice %arg10[%dma_start3A_104, %dma_start3A_105] : memref<10112x128xf32, #tpu.memory_space<vmem_shared>> -> memref<10112x128xf32, #tpu.memory_space<vmem_shared>>
        tpu.enqueue_indirect_dma source(%dma_start3A_100 : memref<128x128xf32, #tpu.memory_space<vmem>>) target(%dma_start3A_106 : memref<10112x128xf32, #tpu.memory_space<vmem_shared>>) offsets(%dma_start3A_103 : memref<128xi32, #tpu.memory_space<vmem>>) semaphore(%arg14 : memref<!tpu.dma_semaphore, #tpu.memory_space<semaphore_mem>>) {add = true}
        %ge3A_107 = arith.constant 1 : i32
        %ge3A_108 = arith.cmpi sge, %add3A_84, %ge3A_107 : i32
        %convert_element_type3A_109 = arith.extui %ge3A_108 : i1 to i32
        %cond3A_110 = arith.constant 0 : i32
        %cond3A_111 = arith.cmpi ne, %convert_element_type3A_109, %cond3A_110 : i32
        scf.if %cond3A_111 {
          %sub3A = arith.constant 1 : i32
          %sub3A_119 = arith.subi %add3A_84, %sub3A : i32
          %dma_wait3A_120 = arith.constant 0 : i32
          %dma_wait3A_121 = arith.constant 0 : i32
          %dma_wait3A_122 = arith.constant 0 : i32
          %dma_wait3A_123 = tpu.memref_slice %arg9[%dma_wait3A_120, %dma_wait3A_121, %dma_wait3A_122] : memref<2x128x128xf32, #tpu.memory_space<vmem>> -> memref<1x128x128xf32, #tpu.memory_space<vmem>>
          %dma_wait3A_124 = tpu.memref_squeeze %dma_wait3A_123 : memref<1x128x128xf32, #tpu.memory_space<vmem>> -> memref<128x128xf32, #tpu.memory_space<vmem>>
          %dma_wait3A_125 = arith.constant 0 : i32
          %dma_wait3A_126 = tpu.memref_slice %arg8[%sub3A_119, %dma_wait3A_125] : memref<40x128xi32, #tpu.memory_space<vmem>> -> memref<1x128xi32, #tpu.memory_space<vmem>>
          %dma_wait3A_127 = tpu.memref_squeeze %dma_wait3A_126 : memref<1x128xi32, #tpu.memory_space<vmem>> -> memref<128xi32, #tpu.memory_space<vmem>>
          %dma_wait3A_128 = arith.constant 0 : i32
          %dma_wait3A_129 = arith.constant 0 : i32
          %dma_wait3A_130 = tpu.memref_slice %arg10[%dma_wait3A_128, %dma_wait3A_129] : memref<10112x128xf32, #tpu.memory_space<vmem_shared>> -> memref<10112x128xf32, #tpu.memory_space<vmem_shared>>
          tpu.wait_indirect_dma semaphore(%arg13 : memref<!tpu.dma_semaphore, #tpu.memory_space<semaphore_mem>>) src(%dma_wait3A_124 : memref<128x128xf32, #tpu.memory_space<vmem>>) dst(%dma_wait3A_130 : memref<10112x128xf32, #tpu.memory_space<vmem_shared>>)
        } else {
        }
        %add3A_112 = arith.constant 1 : i32
        %add3A_113 = arith.addi %add3A_84, %add3A_112 : i32
        %lt3A_114 = arith.constant 40 : i32
        %lt3A_115 = arith.cmpi slt, %add3A_113, %lt3A_114 : i32
        %convert_element_type3A_116 = arith.extui %lt3A_115 : i1 to i32
        %cond3A_117 = arith.constant 0 : i32
        %cond3A_118 = arith.cmpi ne, %convert_element_type3A_116, %cond3A_117 : i32
        scf.if %cond3A_118 {
          %add3A_119 = arith.constant 1 : i32
          %add3A_120 = arith.addi %add3A_84, %add3A_119 : i32
          %dma_start3A_121 = arith.constant 0 : i32
          %dma_start3A_122 = arith.constant 0 : i32
          %dma_start3A_123 = arith.constant 0 : i32
          %dma_start3A_124 = tpu.memref_slice %arg9[%dma_start3A_121, %dma_start3A_122, %dma_start3A_123] : memref<2x128x128xf32, #tpu.memory_space<vmem>> -> memref<1x128x128xf32, #tpu.memory_space<vmem>>
          %dma_start3A_125 = tpu.memref_squeeze %dma_start3A_124 : memref<1x128x128xf32, #tpu.memory_space<vmem>> -> memref<128x128xf32, #tpu.memory_space<vmem>>
          %dma_start3A_126 = arith.constant 0 : i32
          %dma_start3A_127 = tpu.memref_slice %arg7[%add3A_120, %dma_start3A_126] : memref<40x128xi32, #tpu.memory_space<vmem>> -> memref<1x128xi32, #tpu.memory_space<vmem>>
          %dma_start3A_128 = tpu.memref_squeeze %dma_start3A_127 : memref<1x128xi32, #tpu.memory_space<vmem>> -> memref<128xi32, #tpu.memory_space<vmem>>
          %dma_start3A_129 = arith.constant 0 : i32
          %dma_start3A_130 = arith.constant 0 : i32
          %dma_start3A_131 = tpu.memref_slice %arg2[%dma_start3A_129, %dma_start3A_130] : memref<10000x128xf32, #tpu.memory_space<hbm>> -> memref<10000x128xf32, #tpu.memory_space<hbm>>
          tpu.enqueue_indirect_dma source(%dma_start3A_131 : memref<10000x128xf32, #tpu.memory_space<hbm>>) target(%dma_start3A_125 : memref<128x128xf32, #tpu.memory_space<vmem>>) offsets(%dma_start3A_128 : memref<128xi32, #tpu.memory_space<vmem>>) semaphore(%arg11 : memref<!tpu.dma_semaphore, #tpu.memory_space<semaphore_mem>>)
        } else {
        }
      }
      %scan3A_36 = arith.constant 20 : i32
      %dma_wait3A = arith.constant 1 : i32
      %dma_wait3A_37 = arith.constant 39 : i32
      %dma_wait3A_38 = arith.constant 0 : i32
      %dma_wait3A_39 = arith.constant 0 : i32
      %dma_wait3A_40 = tpu.memref_slice %arg9[%dma_wait3A, %dma_wait3A_38, %dma_wait3A_39] : memref<2x128x128xf32, #tpu.memory_space<vmem>> -> memref<1x128x128xf32, #tpu.memory_space<vmem>>
      %dma_wait3A_41 = tpu.memref_squeeze %dma_wait3A_40 : memref<1x128x128xf32, #tpu.memory_space<vmem>> -> memref<128x128xf32, #tpu.memory_space<vmem>>
      %dma_wait3A_42 = arith.constant 0 : i32
      %dma_wait3A_43 = tpu.memref_slice %arg8[%dma_wait3A_37, %dma_wait3A_42] : memref<40x128xi32, #tpu.memory_space<vmem>> -> memref<1x128xi32, #tpu.memory_space<vmem>>
      %dma_wait3A_44 = tpu.memref_squeeze %dma_wait3A_43 : memref<1x128xi32, #tpu.memory_space<vmem>> -> memref<128xi32, #tpu.memory_space<vmem>>
      %dma_wait3A_45 = arith.constant 0 : i32
      %dma_wait3A_46 = arith.constant 0 : i32
      %dma_wait3A_47 = tpu.memref_slice %arg10[%dma_wait3A_45, %dma_wait3A_46] : memref<10112x128xf32, #tpu.memory_space<vmem_shared>> -> memref<10112x128xf32, #tpu.memory_space<vmem_shared>>
      tpu.wait_indirect_dma semaphore(%arg14 : memref<!tpu.dma_semaphore, #tpu.memory_space<semaphore_mem>>) src(%dma_wait3A_41 : memref<128x128xf32, #tpu.memory_space<vmem>>) dst(%dma_wait3A_47 : memref<10112x128xf32, #tpu.memory_space<vmem_shared>>)
    }
    %scan3A_9 = arith.constant 2 : i32
    %barrier3A_10 = arith.constant 0 : index
    tpu.barrier barrier_id(%barrier3A_10)
    %mul3A_11 = arith.constant 632 : i32
    %mul3A_12 = arith.muli %arg1, %mul3A_11 : i32
    %mul3A_13 = arith.constant 632 : i32
    %mul3A_14 = arith.muli %arg1, %mul3A_13 : i32
    "tpu.region"() ({
      %run_scoped3A = tpu.sem_alloc : memref<!tpu.dma_semaphore, #tpu.memory_space<semaphore_mem>>
      %dma_start3A = arith.constant 0 : i32
      %dma_start3A_15 = tpu.memref_slice %arg6[%arg0, %mul3A_14, %dma_start3A] : memref<2x10112x128xf32, #tpu.memory_space<hbm>> -> memref<1x632x128xf32, #tpu.memory_space<hbm>>
      %dma_start3A_16 = tpu.memref_squeeze %dma_start3A_15 : memref<1x632x128xf32, #tpu.memory_space<hbm>> -> memref<632x128xf32, #tpu.memory_space<hbm>>
      %dma_start3A_17 = arith.constant 0 : i32
      %dma_start3A_18 = tpu.memref_slice %arg10[%mul3A_12, %dma_start3A_17] : memref<10112x128xf32, #tpu.memory_space<vmem_shared>> -> memref<632x128xf32, #tpu.memory_space<vmem_shared>>
      tpu.enqueue_dma source(%dma_start3A_18 : memref<632x128xf32, #tpu.memory_space<vmem_shared>>) target(%dma_start3A_16 : memref<632x128xf32, #tpu.memory_space<hbm>>) target_semaphore(%run_scoped3A : memref<!tpu.dma_semaphore, #tpu.memory_space<semaphore_mem>>)
      %dma_wait3A = arith.constant 0 : i32
      %dma_wait3A_19 = tpu.memref_slice %arg6[%arg0, %mul3A_14, %dma_wait3A] : memref<2x10112x128xf32, #tpu.memory_space<hbm>> -> memref<1x632x128xf32, #tpu.memory_space<hbm>>
      %dma_wait3A_20 = tpu.memref_squeeze %dma_wait3A_19 : memref<1x632x128xf32, #tpu.memory_space<hbm>> -> memref<632x128xf32, #tpu.memory_space<hbm>>
      %dma_wait3A_21 = arith.constant 0 : i32
      %dma_wait3A_22 = tpu.memref_slice %arg10[%mul3A_12, %dma_wait3A_21] : memref<10112x128xf32, #tpu.memory_space<vmem_shared>> -> memref<632x128xf32, #tpu.memory_space<vmem_shared>>
      tpu.wait_dma2 semaphore(%run_scoped3A : memref<!tpu.dma_semaphore, #tpu.memory_space<semaphore_mem>>) src(%dma_wait3A_22 : memref<632x128xf32, #tpu.memory_space<vmem_shared>>) dst(%dma_wait3A_20 : memref<632x128xf32, #tpu.memory_space<hbm>>)
      tpu.yield
    }) : () -> ()
    return
  }
}

#map = affine_map<(d0, d1) -> (0, 0)>
#map1 = affine_map<(d0, d1) -> (0, 0, 0)>
module attributes {stable_mosaic.version = 14 : i64} {
  func.func @_sc_ea_segsum(%arg0: i32, %arg1: i32, %arg2: memref<327680x128xf32, #tpu.memory_space<hbm>>, %arg3: memref<32x80x128xi32, #tpu.memory_space<hbm>>, %arg4: memref<10112x128xf32, #tpu.memory_space<hbm>>, %arg5: memref<2x10112x128xf32, #tpu.memory_space<hbm>>, %arg6: memref<40x128xi32, #tpu.memory_space<vmem>>, %arg7: memref<2x128x128xf32, #tpu.memory_space<vmem>>, %arg8: memref<10112x128xf32, #tpu.memory_space<vmem_shared>>, %arg9: memref<!tpu.dma_semaphore, #tpu.memory_space<semaphore_mem>>, %arg10: memref<!tpu.dma_semaphore, #tpu.memory_space<semaphore_mem>>, %arg11: memref<!tpu.dma_semaphore, #tpu.memory_space<semaphore_mem>>, %arg12: memref<!tpu.dma_semaphore, #tpu.memory_space<semaphore_mem>>) attributes {dimension_semantics = [#tpu.dimension_semantics<core_parallel>, #tpu.dimension_semantics<subcore_parallel>], iteration_bounds = array<i64: 2, 16>, scalar_prefetch = 0 : i64, scratch_operands = 7 : i64, tpu.core_type = #tpu.core_type<sc_vector_subcore>, window_params = [{transform_indices = #map}, {transform_indices = #map1}, {transform_indices = #map}, {transform_indices = #map1}]} {
    %mul3A = arith.constant 16 : i32
    %mul3A_0 = arith.muli %arg0, %mul3A : i32
    %add3A = arith.addi %mul3A_0, %arg1 : i32
    %mul3A_1 = arith.constant 632 : i32
    %mul3A_2 = arith.muli %arg1, %mul3A_1 : i32
    %mul3A_3 = arith.constant 632 : i32
    %mul3A_4 = arith.muli %arg1, %mul3A_3 : i32
    "tpu.region"() ({
      %run_scoped3A = tpu.sem_alloc : memref<!tpu.dma_semaphore, #tpu.memory_space<semaphore_mem>>
      %dma_start3A = arith.constant 0 : i32
      %dma_start3A_15 = tpu.memref_slice %arg8[%mul3A_4, %dma_start3A] : memref<10112x128xf32, #tpu.memory_space<vmem_shared>> -> memref<632x128xf32, #tpu.memory_space<vmem_shared>>
      %dma_start3A_16 = arith.constant 0 : i32
      %dma_start3A_17 = tpu.memref_slice %arg4[%mul3A_2, %dma_start3A_16] : memref<10112x128xf32, #tpu.memory_space<hbm>> -> memref<632x128xf32, #tpu.memory_space<hbm>>
      tpu.enqueue_dma source(%dma_start3A_17 : memref<632x128xf32, #tpu.memory_space<hbm>>) target(%dma_start3A_15 : memref<632x128xf32, #tpu.memory_space<vmem_shared>>) target_semaphore(%run_scoped3A : memref<!tpu.dma_semaphore, #tpu.memory_space<semaphore_mem>>)
      %dma_wait3A = arith.constant 0 : i32
      %dma_wait3A_18 = tpu.memref_slice %arg8[%mul3A_4, %dma_wait3A] : memref<10112x128xf32, #tpu.memory_space<vmem_shared>> -> memref<632x128xf32, #tpu.memory_space<vmem_shared>>
      %dma_wait3A_19 = arith.constant 0 : i32
      %dma_wait3A_20 = tpu.memref_slice %arg4[%mul3A_2, %dma_wait3A_19] : memref<10112x128xf32, #tpu.memory_space<hbm>> -> memref<632x128xf32, #tpu.memory_space<hbm>>
      tpu.wait_dma2 semaphore(%run_scoped3A : memref<!tpu.dma_semaphore, #tpu.memory_space<semaphore_mem>>) src(%dma_wait3A_20 : memref<632x128xf32, #tpu.memory_space<hbm>>) dst(%dma_wait3A_18 : memref<632x128xf32, #tpu.memory_space<vmem_shared>>)
      tpu.yield
    }) : () -> ()
    %barrier3A = arith.constant 0 : index
    tpu.barrier barrier_id(%barrier3A)
    %scan3A = arith.constant 0 : i32
    %scan3A_5 = arith.constant 0 : i32
    %scan3A_6 = arith.constant 2 : i32
    %scan3A_7 = arith.addi %scan3A_5, %scan3A_6 : i32
    %scan3A_8 = arith.constant 1 : i32
    scf.for %scan3A_15 = %scan3A_5 to %scan3A_7 step %scan3A_8  : i32 {
      %mul3A_16 = arith.constant 40 : i32
      %mul3A_17 = arith.muli %scan3A_15, %mul3A_16 : i32
      "tpu.region"() ({
        %run_scoped3A = tpu.sem_alloc : memref<!tpu.dma_semaphore, #tpu.memory_space<semaphore_mem>>
        %dma_start3A_56 = arith.constant 0 : i32
        %dma_start3A_57 = tpu.memref_slice %arg3[%add3A, %mul3A_17, %dma_start3A_56] : memref<32x80x128xi32, #tpu.memory_space<hbm>> -> memref<1x40x128xi32, #tpu.memory_space<hbm>>
        %dma_start3A_58 = tpu.memref_squeeze %dma_start3A_57 : memref<1x40x128xi32, #tpu.memory_space<hbm>> -> memref<40x128xi32, #tpu.memory_space<hbm>>
        %dma_start3A_59 = arith.constant 0 : i32
        %dma_start3A_60 = tpu.memref_slice %arg3[%add3A, %mul3A_17, %dma_start3A_59] : memref<32x80x128xi32, #tpu.memory_space<hbm>> -> memref<1x40x128xi32, #tpu.memory_space<hbm>>
        %dma_start3A_61 = tpu.memref_squeeze %dma_start3A_60 : memref<1x40x128xi32, #tpu.memory_space<hbm>> -> memref<40x128xi32, #tpu.memory_space<hbm>>
        tpu.enqueue_dma source(%dma_start3A_61 : memref<40x128xi32, #tpu.memory_space<hbm>>) target(%arg6 : memref<40x128xi32, #tpu.memory_space<vmem>>) target_semaphore(%run_scoped3A : memref<!tpu.dma_semaphore, #tpu.memory_space<semaphore_mem>>)
        %dma_wait3A_62 = arith.constant 0 : i32
        %dma_wait3A_63 = tpu.memref_slice %arg3[%add3A, %mul3A_17, %dma_wait3A_62] : memref<32x80x128xi32, #tpu.memory_space<hbm>> -> memref<1x40x128xi32, #tpu.memory_space<hbm>>
        %dma_wait3A_64 = tpu.memref_squeeze %dma_wait3A_63 : memref<1x40x128xi32, #tpu.memory_space<hbm>> -> memref<40x128xi32, #tpu.memory_space<hbm>>
        %dma_wait3A_65 = arith.constant 0 : i32
        %dma_wait3A_66 = tpu.memref_slice %arg3[%add3A, %mul3A_17, %dma_wait3A_65] : memref<32x80x128xi32, #tpu.memory_space<hbm>> -> memref<1x40x128xi32, #tpu.memory_space<hbm>>
        %dma_wait3A_67 = tpu.memref_squeeze %dma_wait3A_66 : memref<1x40x128xi32, #tpu.memory_space<hbm>> -> memref<40x128xi32, #tpu.memory_space<hbm>>
        tpu.wait_dma2 semaphore(%run_scoped3A : memref<!tpu.dma_semaphore, #tpu.memory_space<semaphore_mem>>) src(%dma_wait3A_67 : memref<40x128xi32, #tpu.memory_space<hbm>>) dst(%arg6 : memref<40x128xi32, #tpu.memory_space<vmem>>)
        tpu.yield
      }) : () -> ()
      %mul3A_18 = arith.constant 10240 : i32
      %mul3A_19 = arith.muli %add3A, %mul3A_18 : i32
      %mul3A_20 = arith.constant 40 : i32
      %mul3A_21 = arith.muli %scan3A_15, %mul3A_20 : i32
      %add3A_22 = arith.constant 0 : i32
      %add3A_23 = arith.addi %mul3A_21, %add3A_22 : i32
      %mul3A_24 = arith.constant 128 : i32
      %mul3A_25 = arith.muli %add3A_23, %mul3A_24 : i32
      %add3A_26 = arith.addi %mul3A_19, %mul3A_25 : i32
      %dma_start3A = arith.constant 0 : i32
      %dma_start3A_27 = arith.constant 0 : i32
      %dma_start3A_28 = arith.constant 0 : i32
      %dma_start3A_29 = tpu.memref_slice %arg7[%dma_start3A, %dma_start3A_27, %dma_start3A_28] : memref<2x128x128xf32, #tpu.memory_space<vmem>> -> memref<1x128x128xf32, #tpu.memory_space<vmem>>
      %dma_start3A_30 = tpu.memref_squeeze %dma_start3A_29 : memref<1x128x128xf32, #tpu.memory_space<vmem>> -> memref<128x128xf32, #tpu.memory_space<vmem>>
      %dma_start3A_31 = arith.constant 0 : i32
      %dma_start3A_32 = tpu.memref_slice %arg2[%add3A_26, %dma_start3A_31] : memref<327680x128xf32, #tpu.memory_space<hbm>> -> memref<128x128xf32, #tpu.memory_space<hbm>>
      %dma_start3A_33 = arith.constant 0 : i32
      %dma_start3A_34 = arith.constant 0 : i32
      %dma_start3A_35 = tpu.memref_slice %arg7[%dma_start3A, %dma_start3A_33, %dma_start3A_34] : memref<2x128x128xf32, #tpu.memory_space<vmem>> -> memref<1x128x128xf32, #tpu.memory_space<vmem>>
      %dma_start3A_36 = tpu.memref_squeeze %dma_start3A_35 : memref<1x128x128xf32, #tpu.memory_space<vmem>> -> memref<128x128xf32, #tpu.memory_space<vmem>>
      %dma_start3A_37 = arith.constant 0 : i32
      %dma_start3A_38 = tpu.memref_slice %arg2[%add3A_26, %dma_start3A_37] : memref<327680x128xf32, #tpu.memory_space<hbm>> -> memref<128x128xf32, #tpu.memory_space<hbm>>
      tpu.enqueue_dma source(%dma_start3A_38 : memref<128x128xf32, #tpu.memory_space<hbm>>) target(%dma_start3A_36 : memref<128x128xf32, #tpu.memory_space<vmem>>) target_semaphore(%arg9 : memref<!tpu.dma_semaphore, #tpu.memory_space<semaphore_mem>>)
      %scan3A_39 = arith.constant 0 : i32
      %scan3A_40 = arith.constant 0 : i32
      %scan3A_41 = arith.constant 20 : i32
      %scan3A_42 = arith.addi %scan3A_40, %scan3A_41 : i32
      %scan3A_43 = arith.constant 1 : i32
      scf.for %scan3A_56 = %scan3A_40 to %scan3A_42 step %scan3A_43  : i32 {
        %mul3A_57 = arith.constant 2 : i32
        %mul3A_58 = arith.muli %scan3A_56, %mul3A_57 : i32
        %add3A_59 = arith.constant 0 : i32
        %add3A_60 = arith.addi %mul3A_58, %add3A_59 : i32
        %mul3A_61 = arith.constant 10240 : i32
        %mul3A_62 = arith.muli %add3A, %mul3A_61 : i32
        %mul3A_63 = arith.constant 40 : i32
        %mul3A_64 = arith.muli %scan3A_15, %mul3A_63 : i32
        %add3A_65 = arith.addi %mul3A_64, %add3A_60 : i32
        %mul3A_66 = arith.constant 128 : i32
        %mul3A_67 = arith.muli %add3A_65, %mul3A_66 : i32
        %add3A_68 = arith.addi %mul3A_62, %mul3A_67 : i32
        %dma_wait3A_69 = arith.constant 0 : i32
        %dma_wait3A_70 = arith.constant 0 : i32
        %dma_wait3A_71 = arith.constant 0 : i32
        %dma_wait3A_72 = tpu.memref_slice %arg7[%dma_wait3A_69, %dma_wait3A_70, %dma_wait3A_71] : memref<2x128x128xf32, #tpu.memory_space<vmem>> -> memref<1x128x128xf32, #tpu.memory_space<vmem>>
        %dma_wait3A_73 = tpu.memref_squeeze %dma_wait3A_72 : memref<1x128x128xf32, #tpu.memory_space<vmem>> -> memref<128x128xf32, #tpu.memory_space<vmem>>
        %dma_wait3A_74 = arith.constant 0 : i32
        %dma_wait3A_75 = tpu.memref_slice %arg2[%add3A_68, %dma_wait3A_74] : memref<327680x128xf32, #tpu.memory_space<hbm>> -> memref<128x128xf32, #tpu.memory_space<hbm>>
        %dma_wait3A_76 = arith.constant 0 : i32
        %dma_wait3A_77 = arith.constant 0 : i32
        %dma_wait3A_78 = tpu.memref_slice %arg7[%dma_wait3A_69, %dma_wait3A_76, %dma_wait3A_77] : memref<2x128x128xf32, #tpu.memory_space<vmem>> -> memref<1x128x128xf32, #tpu.memory_space<vmem>>
        %dma_wait3A_79 = tpu.memref_squeeze %dma_wait3A_78 : memref<1x128x128xf32, #tpu.memory_space<vmem>> -> memref<128x128xf32, #tpu.memory_space<vmem>>
        %dma_wait3A_80 = arith.constant 0 : i32
        %dma_wait3A_81 = tpu.memref_slice %arg2[%add3A_68, %dma_wait3A_80] : memref<327680x128xf32, #tpu.memory_space<hbm>> -> memref<128x128xf32, #tpu.memory_space<hbm>>
        tpu.wait_dma2 semaphore(%arg9 : memref<!tpu.dma_semaphore, #tpu.memory_space<semaphore_mem>>) src(%dma_wait3A_81 : memref<128x128xf32, #tpu.memory_space<hbm>>) dst(%dma_wait3A_79 : memref<128x128xf32, #tpu.memory_space<vmem>>)
        %dma_start3A_82 = arith.constant 0 : i32
        %dma_start3A_83 = arith.constant 0 : i32
        %dma_start3A_84 = arith.constant 0 : i32
        %dma_start3A_85 = tpu.memref_slice %arg7[%dma_start3A_82, %dma_start3A_83, %dma_start3A_84] : memref<2x128x128xf32, #tpu.memory_space<vmem>> -> memref<1x128x128xf32, #tpu.memory_space<vmem>>
        %dma_start3A_86 = tpu.memref_squeeze %dma_start3A_85 : memref<1x128x128xf32, #tpu.memory_space<vmem>> -> memref<128x128xf32, #tpu.memory_space<vmem>>
        %dma_start3A_87 = arith.constant 0 : i32
        %dma_start3A_88 = tpu.memref_slice %arg6[%add3A_60, %dma_start3A_87] : memref<40x128xi32, #tpu.memory_space<vmem>> -> memref<1x128xi32, #tpu.memory_space<vmem>>
        %dma_start3A_89 = tpu.memref_squeeze %dma_start3A_88 : memref<1x128xi32, #tpu.memory_space<vmem>> -> memref<128xi32, #tpu.memory_space<vmem>>
        %dma_start3A_90 = arith.constant 0 : i32
        %dma_start3A_91 = arith.constant 0 : i32
        %dma_start3A_92 = tpu.memref_slice %arg8[%dma_start3A_90, %dma_start3A_91] : memref<10112x128xf32, #tpu.memory_space<vmem_shared>> -> memref<10112x128xf32, #tpu.memory_space<vmem_shared>>
        tpu.enqueue_indirect_dma source(%dma_start3A_86 : memref<128x128xf32, #tpu.memory_space<vmem>>) target(%dma_start3A_92 : memref<10112x128xf32, #tpu.memory_space<vmem_shared>>) offsets(%dma_start3A_89 : memref<128xi32, #tpu.memory_space<vmem>>) semaphore(%arg11 : memref<!tpu.dma_semaphore, #tpu.memory_space<semaphore_mem>>) {add = true}
        %ge3A = arith.constant 1 : i32
        %ge3A_93 = arith.cmpi sge, %add3A_60, %ge3A : i32
        %convert_element_type3A = arith.extui %ge3A_93 : i1 to i32
        %cond3A = arith.constant 0 : i32
        %cond3A_94 = arith.cmpi ne, %convert_element_type3A, %cond3A : i32
        scf.if %cond3A_94 {
          %sub3A = arith.constant 1 : i32
          %sub3A_147 = arith.subi %add3A_60, %sub3A : i32
          %dma_wait3A_148 = arith.constant 1 : i32
          %dma_wait3A_149 = arith.constant 0 : i32
          %dma_wait3A_150 = arith.constant 0 : i32
          %dma_wait3A_151 = tpu.memref_slice %arg7[%dma_wait3A_148, %dma_wait3A_149, %dma_wait3A_150] : memref<2x128x128xf32, #tpu.memory_space<vmem>> -> memref<1x128x128xf32, #tpu.memory_space<vmem>>
          %dma_wait3A_152 = tpu.memref_squeeze %dma_wait3A_151 : memref<1x128x128xf32, #tpu.memory_space<vmem>> -> memref<128x128xf32, #tpu.memory_space<vmem>>
          %dma_wait3A_153 = arith.constant 0 : i32
          %dma_wait3A_154 = tpu.memref_slice %arg6[%sub3A_147, %dma_wait3A_153] : memref<40x128xi32, #tpu.memory_space<vmem>> -> memref<1x128xi32, #tpu.memory_space<vmem>>
          %dma_wait3A_155 = tpu.memref_squeeze %dma_wait3A_154 : memref<1x128xi32, #tpu.memory_space<vmem>> -> memref<128xi32, #tpu.memory_space<vmem>>
          %dma_wait3A_156 = arith.constant 0 : i32
          %dma_wait3A_157 = arith.constant 0 : i32
          %dma_wait3A_158 = tpu.memref_slice %arg8[%dma_wait3A_156, %dma_wait3A_157] : memref<10112x128xf32, #tpu.memory_space<vmem_shared>> -> memref<10112x128xf32, #tpu.memory_space<vmem_shared>>
          tpu.wait_indirect_dma semaphore(%arg12 : memref<!tpu.dma_semaphore, #tpu.memory_space<semaphore_mem>>) src(%dma_wait3A_152 : memref<128x128xf32, #tpu.memory_space<vmem>>) dst(%dma_wait3A_158 : memref<10112x128xf32, #tpu.memory_space<vmem_shared>>)
        } else {
        }
        %add3A_95 = arith.constant 1 : i32
        %add3A_96 = arith.addi %add3A_60, %add3A_95 : i32
        %lt3A = arith.constant 40 : i32
        %lt3A_97 = arith.cmpi slt, %add3A_96, %lt3A : i32
        %convert_element_type3A_98 = arith.extui %lt3A_97 : i1 to i32
        %cond3A_99 = arith.constant 0 : i32
        %cond3A_100 = arith.cmpi ne, %convert_element_type3A_98, %cond3A_99 : i32
        scf.if %cond3A_100 {
          %add3A_147 = arith.constant 1 : i32
          %add3A_148 = arith.addi %add3A_60, %add3A_147 : i32
          %mul3A_149 = arith.constant 10240 : i32
          %mul3A_150 = arith.muli %add3A, %mul3A_149 : i32
          %mul3A_151 = arith.constant 40 : i32
          %mul3A_152 = arith.muli %scan3A_15, %mul3A_151 : i32
          %add3A_153 = arith.addi %mul3A_152, %add3A_148 : i32
          %mul3A_154 = arith.constant 128 : i32
          %mul3A_155 = arith.muli %add3A_153, %mul3A_154 : i32
          %add3A_156 = arith.addi %mul3A_150, %mul3A_155 : i32
          %dma_start3A_157 = arith.constant 1 : i32
          %dma_start3A_158 = arith.constant 0 : i32
          %dma_start3A_159 = arith.constant 0 : i32
          %dma_start3A_160 = tpu.memref_slice %arg7[%dma_start3A_157, %dma_start3A_158, %dma_start3A_159] : memref<2x128x128xf32, #tpu.memory_space<vmem>> -> memref<1x128x128xf32, #tpu.memory_space<vmem>>
          %dma_start3A_161 = tpu.memref_squeeze %dma_start3A_160 : memref<1x128x128xf32, #tpu.memory_space<vmem>> -> memref<128x128xf32, #tpu.memory_space<vmem>>
          %dma_start3A_162 = arith.constant 0 : i32
          %dma_start3A_163 = tpu.memref_slice %arg2[%add3A_156, %dma_start3A_162] : memref<327680x128xf32, #tpu.memory_space<hbm>> -> memref<128x128xf32, #tpu.memory_space<hbm>>
          %dma_start3A_164 = arith.constant 0 : i32
          %dma_start3A_165 = arith.constant 0 : i32
          %dma_start3A_166 = tpu.memref_slice %arg7[%dma_start3A_157, %dma_start3A_164, %dma_start3A_165] : memref<2x128x128xf32, #tpu.memory_space<vmem>> -> memref<1x128x128xf32, #tpu.memory_space<vmem>>
          %dma_start3A_167 = tpu.memref_squeeze %dma_start3A_166 : memref<1x128x128xf32, #tpu.memory_space<vmem>> -> memref<128x128xf32, #tpu.memory_space<vmem>>
          %dma_start3A_168 = arith.constant 0 : i32
          %dma_start3A_169 = tpu.memref_slice %arg2[%add3A_156, %dma_start3A_168] : memref<327680x128xf32, #tpu.memory_space<hbm>> -> memref<128x128xf32, #tpu.memory_space<hbm>>
          tpu.enqueue_dma source(%dma_start3A_169 : memref<128x128xf32, #tpu.memory_space<hbm>>) target(%dma_start3A_167 : memref<128x128xf32, #tpu.memory_space<vmem>>) target_semaphore(%arg10 : memref<!tpu.dma_semaphore, #tpu.memory_space<semaphore_mem>>)
        } else {
        }
        %add3A_101 = arith.constant 1 : i32
        %add3A_102 = arith.addi %mul3A_58, %add3A_101 : i32
        %mul3A_103 = arith.constant 10240 : i32
        %mul3A_104 = arith.muli %add3A, %mul3A_103 : i32
        %mul3A_105 = arith.constant 40 : i32
        %mul3A_106 = arith.muli %scan3A_15, %mul3A_105 : i32
        %add3A_107 = arith.addi %mul3A_106, %add3A_102 : i32
        %mul3A_108 = arith.constant 128 : i32
        %mul3A_109 = arith.muli %add3A_107, %mul3A_108 : i32
        %add3A_110 = arith.addi %mul3A_104, %mul3A_109 : i32
        %dma_wait3A_111 = arith.constant 1 : i32
        %dma_wait3A_112 = arith.constant 0 : i32
        %dma_wait3A_113 = arith.constant 0 : i32
        %dma_wait3A_114 = tpu.memref_slice %arg7[%dma_wait3A_111, %dma_wait3A_112, %dma_wait3A_113] : memref<2x128x128xf32, #tpu.memory_space<vmem>> -> memref<1x128x128xf32, #tpu.memory_space<vmem>>
        %dma_wait3A_115 = tpu.memref_squeeze %dma_wait3A_114 : memref<1x128x128xf32, #tpu.memory_space<vmem>> -> memref<128x128xf32, #tpu.memory_space<vmem>>
        %dma_wait3A_116 = arith.constant 0 : i32
        %dma_wait3A_117 = tpu.memref_slice %arg2[%add3A_110, %dma_wait3A_116] : memref<327680x128xf32, #tpu.memory_space<hbm>> -> memref<128x128xf32, #tpu.memory_space<hbm>>
        %dma_wait3A_118 = arith.constant 0 : i32
        %dma_wait3A_119 = arith.constant 0 : i32
        %dma_wait3A_120 = tpu.memref_slice %arg7[%dma_wait3A_111, %dma_wait3A_118, %dma_wait3A_119] : memref<2x128x128xf32, #tpu.memory_space<vmem>> -> memref<1x128x128xf32, #tpu.memory_space<vmem>>
        %dma_wait3A_121 = tpu.memref_squeeze %dma_wait3A_120 : memref<1x128x128xf32, #tpu.memory_space<vmem>> -> memref<128x128xf32, #tpu.memory_space<vmem>>
        %dma_wait3A_122 = arith.constant 0 : i32
        %dma_wait3A_123 = tpu.memref_slice %arg2[%add3A_110, %dma_wait3A_122] : memref<327680x128xf32, #tpu.memory_space<hbm>> -> memref<128x128xf32, #tpu.memory_space<hbm>>
        tpu.wait_dma2 semaphore(%arg10 : memref<!tpu.dma_semaphore, #tpu.memory_space<semaphore_mem>>) src(%dma_wait3A_123 : memref<128x128xf32, #tpu.memory_space<hbm>>) dst(%dma_wait3A_121 : memref<128x128xf32, #tpu.memory_space<vmem>>)
        %dma_start3A_124 = arith.constant 1 : i32
        %dma_start3A_125 = arith.constant 0 : i32
        %dma_start3A_126 = arith.constant 0 : i32
        %dma_start3A_127 = tpu.memref_slice %arg7[%dma_start3A_124, %dma_start3A_125, %dma_start3A_126] : memref<2x128x128xf32, #tpu.memory_space<vmem>> -> memref<1x128x128xf32, #tpu.memory_space<vmem>>
        %dma_start3A_128 = tpu.memref_squeeze %dma_start3A_127 : memref<1x128x128xf32, #tpu.memory_space<vmem>> -> memref<128x128xf32, #tpu.memory_space<vmem>>
        %dma_start3A_129 = arith.constant 0 : i32
        %dma_start3A_130 = tpu.memref_slice %arg6[%add3A_102, %dma_start3A_129] : memref<40x128xi32, #tpu.memory_space<vmem>> -> memref<1x128xi32, #tpu.memory_space<vmem>>
        %dma_start3A_131 = tpu.memref_squeeze %dma_start3A_130 : memref<1x128xi32, #tpu.memory_space<vmem>> -> memref<128xi32, #tpu.memory_space<vmem>>
        %dma_start3A_132 = arith.constant 0 : i32
        %dma_start3A_133 = arith.constant 0 : i32
        %dma_start3A_134 = tpu.memref_slice %arg8[%dma_start3A_132, %dma_start3A_133] : memref<10112x128xf32, #tpu.memory_space<vmem_shared>> -> memref<10112x128xf32, #tpu.memory_space<vmem_shared>>
        tpu.enqueue_indirect_dma source(%dma_start3A_128 : memref<128x128xf32, #tpu.memory_space<vmem>>) target(%dma_start3A_134 : memref<10112x128xf32, #tpu.memory_space<vmem_shared>>) offsets(%dma_start3A_131 : memref<128xi32, #tpu.memory_space<vmem>>) semaphore(%arg12 : memref<!tpu.dma_semaphore, #tpu.memory_space<semaphore_mem>>) {add = true}
        %ge3A_135 = arith.constant 1 : i32
        %ge3A_136 = arith.cmpi sge, %add3A_102, %ge3A_135 : i32
        %convert_element_type3A_137 = arith.extui %ge3A_136 : i1 to i32
        %cond3A_138 = arith.constant 0 : i32
        %cond3A_139 = arith.cmpi ne, %convert_element_type3A_137, %cond3A_138 : i32
        scf.if %cond3A_139 {
          %sub3A = arith.constant 1 : i32
          %sub3A_147 = arith.subi %add3A_102, %sub3A : i32
          %dma_wait3A_148 = arith.constant 0 : i32
          %dma_wait3A_149 = arith.constant 0 : i32
          %dma_wait3A_150 = arith.constant 0 : i32
          %dma_wait3A_151 = tpu.memref_slice %arg7[%dma_wait3A_148, %dma_wait3A_149, %dma_wait3A_150] : memref<2x128x128xf32, #tpu.memory_space<vmem>> -> memref<1x128x128xf32, #tpu.memory_space<vmem>>
          %dma_wait3A_152 = tpu.memref_squeeze %dma_wait3A_151 : memref<1x128x128xf32, #tpu.memory_space<vmem>> -> memref<128x128xf32, #tpu.memory_space<vmem>>
          %dma_wait3A_153 = arith.constant 0 : i32
          %dma_wait3A_154 = tpu.memref_slice %arg6[%sub3A_147, %dma_wait3A_153] : memref<40x128xi32, #tpu.memory_space<vmem>> -> memref<1x128xi32, #tpu.memory_space<vmem>>
          %dma_wait3A_155 = tpu.memref_squeeze %dma_wait3A_154 : memref<1x128xi32, #tpu.memory_space<vmem>> -> memref<128xi32, #tpu.memory_space<vmem>>
          %dma_wait3A_156 = arith.constant 0 : i32
          %dma_wait3A_157 = arith.constant 0 : i32
          %dma_wait3A_158 = tpu.memref_slice %arg8[%dma_wait3A_156, %dma_wait3A_157] : memref<10112x128xf32, #tpu.memory_space<vmem_shared>> -> memref<10112x128xf32, #tpu.memory_space<vmem_shared>>
          tpu.wait_indirect_dma semaphore(%arg11 : memref<!tpu.dma_semaphore, #tpu.memory_space<semaphore_mem>>) src(%dma_wait3A_152 : memref<128x128xf32, #tpu.memory_space<vmem>>) dst(%dma_wait3A_158 : memref<10112x128xf32, #tpu.memory_space<vmem_shared>>)
        } else {
        }
        %add3A_140 = arith.constant 1 : i32
        %add3A_141 = arith.addi %add3A_102, %add3A_140 : i32
        %lt3A_142 = arith.constant 40 : i32
        %lt3A_143 = arith.cmpi slt, %add3A_141, %lt3A_142 : i32
        %convert_element_type3A_144 = arith.extui %lt3A_143 : i1 to i32
        %cond3A_145 = arith.constant 0 : i32
        %cond3A_146 = arith.cmpi ne, %convert_element_type3A_144, %cond3A_145 : i32
        scf.if %cond3A_146 {
          %add3A_147 = arith.constant 1 : i32
          %add3A_148 = arith.addi %add3A_102, %add3A_147 : i32
          %mul3A_149 = arith.constant 10240 : i32
          %mul3A_150 = arith.muli %add3A, %mul3A_149 : i32
          %mul3A_151 = arith.constant 40 : i32
          %mul3A_152 = arith.muli %scan3A_15, %mul3A_151 : i32
          %add3A_153 = arith.addi %mul3A_152, %add3A_148 : i32
          %mul3A_154 = arith.constant 128 : i32
          %mul3A_155 = arith.muli %add3A_153, %mul3A_154 : i32
          %add3A_156 = arith.addi %mul3A_150, %mul3A_155 : i32
          %dma_start3A_157 = arith.constant 0 : i32
          %dma_start3A_158 = arith.constant 0 : i32
          %dma_start3A_159 = arith.constant 0 : i32
          %dma_start3A_160 = tpu.memref_slice %arg7[%dma_start3A_157, %dma_start3A_158, %dma_start3A_159] : memref<2x128x128xf32, #tpu.memory_space<vmem>> -> memref<1x128x128xf32, #tpu.memory_space<vmem>>
          %dma_start3A_161 = tpu.memref_squeeze %dma_start3A_160 : memref<1x128x128xf32, #tpu.memory_space<vmem>> -> memref<128x128xf32, #tpu.memory_space<vmem>>
          %dma_start3A_162 = arith.constant 0 : i32
          %dma_start3A_163 = tpu.memref_slice %arg2[%add3A_156, %dma_start3A_162] : memref<327680x128xf32, #tpu.memory_space<hbm>> -> memref<128x128xf32, #tpu.memory_space<hbm>>
          %dma_start3A_164 = arith.constant 0 : i32
          %dma_start3A_165 = arith.constant 0 : i32
          %dma_start3A_166 = tpu.memref_slice %arg7[%dma_start3A_157, %dma_start3A_164, %dma_start3A_165] : memref<2x128x128xf32, #tpu.memory_space<vmem>> -> memref<1x128x128xf32, #tpu.memory_space<vmem>>
          %dma_start3A_167 = tpu.memref_squeeze %dma_start3A_166 : memref<1x128x128xf32, #tpu.memory_space<vmem>> -> memref<128x128xf32, #tpu.memory_space<vmem>>
          %dma_start3A_168 = arith.constant 0 : i32
          %dma_start3A_169 = tpu.memref_slice %arg2[%add3A_156, %dma_start3A_168] : memref<327680x128xf32, #tpu.memory_space<hbm>> -> memref<128x128xf32, #tpu.memory_space<hbm>>
          tpu.enqueue_dma source(%dma_start3A_169 : memref<128x128xf32, #tpu.memory_space<hbm>>) target(%dma_start3A_167 : memref<128x128xf32, #tpu.memory_space<vmem>>) target_semaphore(%arg9 : memref<!tpu.dma_semaphore, #tpu.memory_space<semaphore_mem>>)
        } else {
        }
      }
      %scan3A_44 = arith.constant 20 : i32
      %dma_wait3A = arith.constant 1 : i32
      %dma_wait3A_45 = arith.constant 39 : i32
      %dma_wait3A_46 = arith.constant 0 : i32
      %dma_wait3A_47 = arith.constant 0 : i32
      %dma_wait3A_48 = tpu.memref_slice %arg7[%dma_wait3A, %dma_wait3A_46, %dma_wait3A_47] : memref<2x128x128xf32, #tpu.memory_space<vmem>> -> memref<1x128x128xf32, #tpu.memory_space<vmem>>
      %dma_wait3A_49 = tpu.memref_squeeze %dma_wait3A_48 : memref<1x128x128xf32, #tpu.memory_space<vmem>> -> memref<128x128xf32, #tpu.memory_space<vmem>>
      %dma_wait3A_50 = arith.constant 0 : i32
      %dma_wait3A_51 = tpu.memref_slice %arg6[%dma_wait3A_45, %dma_wait3A_50] : memref<40x128xi32, #tpu.memory_space<vmem>> -> memref<1x128xi32, #tpu.memory_space<vmem>>
      %dma_wait3A_52 = tpu.memref_squeeze %dma_wait3A_51 : memref<1x128xi32, #tpu.memory_space<vmem>> -> memref<128xi32, #tpu.memory_space<vmem>>
      %dma_wait3A_53 = arith.constant 0 : i32
      %dma_wait3A_54 = arith.constant 0 : i32
      %dma_wait3A_55 = tpu.memref_slice %arg8[%dma_wait3A_53, %dma_wait3A_54] : memref<10112x128xf32, #tpu.memory_space<vmem_shared>> -> memref<10112x128xf32, #tpu.memory_space<vmem_shared>>
      tpu.wait_indirect_dma semaphore(%arg12 : memref<!tpu.dma_semaphore, #tpu.memory_space<semaphore_mem>>) src(%dma_wait3A_49 : memref<128x128xf32, #tpu.memory_space<vmem>>) dst(%dma_wait3A_55 : memref<10112x128xf32, #tpu.memory_space<vmem_shared>>)
    }
    %scan3A_9 = arith.constant 2 : i32
    %barrier3A_10 = arith.constant 0 : index
    tpu.barrier barrier_id(%barrier3A_10)
    %mul3A_11 = arith.constant 632 : i32
    %mul3A_12 = arith.muli %arg1, %mul3A_11 : i32
    %mul3A_13 = arith.constant 632 : i32
    %mul3A_14 = arith.muli %arg1, %mul3A_13 : i32
    "tpu.region"() ({
      %run_scoped3A = tpu.sem_alloc : memref<!tpu.dma_semaphore, #tpu.memory_space<semaphore_mem>>
      %dma_start3A = arith.constant 0 : i32
      %dma_start3A_15 = tpu.memref_slice %arg5[%arg0, %mul3A_14, %dma_start3A] : memref<2x10112x128xf32, #tpu.memory_space<hbm>> -> memref<1x632x128xf32, #tpu.memory_space<hbm>>
      %dma_start3A_16 = tpu.memref_squeeze %dma_start3A_15 : memref<1x632x128xf32, #tpu.memory_space<hbm>> -> memref<632x128xf32, #tpu.memory_space<hbm>>
      %dma_start3A_17 = arith.constant 0 : i32
      %dma_start3A_18 = tpu.memref_slice %arg8[%mul3A_12, %dma_start3A_17] : memref<10112x128xf32, #tpu.memory_space<vmem_shared>> -> memref<632x128xf32, #tpu.memory_space<vmem_shared>>
      tpu.enqueue_dma source(%dma_start3A_18 : memref<632x128xf32, #tpu.memory_space<vmem_shared>>) target(%dma_start3A_16 : memref<632x128xf32, #tpu.memory_space<hbm>>) target_semaphore(%run_scoped3A : memref<!tpu.dma_semaphore, #tpu.memory_space<semaphore_mem>>)
      %dma_wait3A = arith.constant 0 : i32
      %dma_wait3A_19 = tpu.memref_slice %arg5[%arg0, %mul3A_14, %dma_wait3A] : memref<2x10112x128xf32, #tpu.memory_space<hbm>> -> memref<1x632x128xf32, #tpu.memory_space<hbm>>
      %dma_wait3A_20 = tpu.memref_squeeze %dma_wait3A_19 : memref<1x632x128xf32, #tpu.memory_space<hbm>> -> memref<632x128xf32, #tpu.memory_space<hbm>>
      %dma_wait3A_21 = arith.constant 0 : i32
      %dma_wait3A_22 = tpu.memref_slice %arg8[%mul3A_12, %dma_wait3A_21] : memref<10112x128xf32, #tpu.memory_space<vmem_shared>> -> memref<632x128xf32, #tpu.memory_space<vmem_shared>>
      tpu.wait_dma2 semaphore(%run_scoped3A : memref<!tpu.dma_semaphore, #tpu.memory_space<semaphore_mem>>) src(%dma_wait3A_22 : memref<632x128xf32, #tpu.memory_space<vmem_shared>>) dst(%dma_wait3A_20 : memref<632x128xf32, #tpu.memory_space<hbm>>)
      tpu.yield
    }) : () -> ()
    return
  }
}

#map = affine_map<(d0, d1) -> (0, 0)>
#map1 = affine_map<(d0, d1) -> (0, 0, 0)>
module attributes {stable_mosaic.version = 14 : i64} {
  func.func @_sc_gather_scatter(%arg0: i32, %arg1: i32, %arg2: memref<10000x128xf32, #tpu.memory_space<hbm>>, %arg3: memref<32x80x128xi32, #tpu.memory_space<hbm>>, %arg4: memref<32x80x128xi32, #tpu.memory_space<hbm>>, %arg5: memref<10112x128xf32, #tpu.memory_space<hbm>>, %arg6: memref<2x10112x128xf32, #tpu.memory_space<hbm>>, %arg7: memref<40x128xi32, #tpu.memory_space<vmem>>, %arg8: memref<40x128xi32, #tpu.memory_space<vmem>>, %arg9: memref<2x128x128xf32, #tpu.memory_space<vmem>>, %arg10: memref<10112x128xf32, #tpu.memory_space<vmem_shared>>, %arg11: memref<!tpu.dma_semaphore, #tpu.memory_space<semaphore_mem>>, %arg12: memref<!tpu.dma_semaphore, #tpu.memory_space<semaphore_mem>>, %arg13: memref<!tpu.dma_semaphore, #tpu.memory_space<semaphore_mem>>, %arg14: memref<!tpu.dma_semaphore, #tpu.memory_space<semaphore_mem>>) attributes {dimension_semantics = [#tpu.dimension_semantics<core_parallel>, #tpu.dimension_semantics<subcore_parallel>], iteration_bounds = array<i64: 2, 16>, scalar_prefetch = 0 : i64, scratch_operands = 8 : i64, tpu.core_type = #tpu.core_type<sc_vector_subcore>, window_params = [{transform_indices = #map}, {transform_indices = #map1}, {transform_indices = #map1}, {transform_indices = #map}, {transform_indices = #map1}]} {
    %mul3A = arith.constant 16 : i32
    %mul3A_0 = arith.muli %arg0, %mul3A : i32
    %add3A = arith.addi %mul3A_0, %arg1 : i32
    %mul3A_1 = arith.constant 632 : i32
    %mul3A_2 = arith.muli %arg1, %mul3A_1 : i32
    %mul3A_3 = arith.constant 632 : i32
    %mul3A_4 = arith.muli %arg1, %mul3A_3 : i32
    "tpu.region"() ({
      %run_scoped3A = tpu.sem_alloc : memref<!tpu.dma_semaphore, #tpu.memory_space<semaphore_mem>>
      %dma_start3A = arith.constant 0 : i32
      %dma_start3A_15 = tpu.memref_slice %arg10[%mul3A_4, %dma_start3A] : memref<10112x128xf32, #tpu.memory_space<vmem_shared>> -> memref<632x128xf32, #tpu.memory_space<vmem_shared>>
      %dma_start3A_16 = arith.constant 0 : i32
      %dma_start3A_17 = tpu.memref_slice %arg5[%mul3A_2, %dma_start3A_16] : memref<10112x128xf32, #tpu.memory_space<hbm>> -> memref<632x128xf32, #tpu.memory_space<hbm>>
      tpu.enqueue_dma source(%dma_start3A_17 : memref<632x128xf32, #tpu.memory_space<hbm>>) target(%dma_start3A_15 : memref<632x128xf32, #tpu.memory_space<vmem_shared>>) target_semaphore(%run_scoped3A : memref<!tpu.dma_semaphore, #tpu.memory_space<semaphore_mem>>)
      %dma_wait3A = arith.constant 0 : i32
      %dma_wait3A_18 = tpu.memref_slice %arg10[%mul3A_4, %dma_wait3A] : memref<10112x128xf32, #tpu.memory_space<vmem_shared>> -> memref<632x128xf32, #tpu.memory_space<vmem_shared>>
      %dma_wait3A_19 = arith.constant 0 : i32
      %dma_wait3A_20 = tpu.memref_slice %arg5[%mul3A_2, %dma_wait3A_19] : memref<10112x128xf32, #tpu.memory_space<hbm>> -> memref<632x128xf32, #tpu.memory_space<hbm>>
      tpu.wait_dma2 semaphore(%run_scoped3A : memref<!tpu.dma_semaphore, #tpu.memory_space<semaphore_mem>>) src(%dma_wait3A_20 : memref<632x128xf32, #tpu.memory_space<hbm>>) dst(%dma_wait3A_18 : memref<632x128xf32, #tpu.memory_space<vmem_shared>>)
      tpu.yield
    }) : () -> ()
    %barrier3A = arith.constant 0 : index
    tpu.barrier barrier_id(%barrier3A)
    %scan3A = arith.constant 0 : i32
    %scan3A_5 = arith.constant 0 : i32
    %scan3A_6 = arith.constant 2 : i32
    %scan3A_7 = arith.addi %scan3A_5, %scan3A_6 : i32
    %scan3A_8 = arith.constant 1 : i32
    scf.for %scan3A_15 = %scan3A_5 to %scan3A_7 step %scan3A_8  : i32 {
      %mul3A_16 = arith.constant 40 : i32
      %mul3A_17 = arith.muli %scan3A_15, %mul3A_16 : i32
      "tpu.region"() ({
        %run_scoped3A = tpu.sem_alloc : memref<!tpu.dma_semaphore, #tpu.memory_space<semaphore_mem>>
        %dma_start3A_48 = arith.constant 0 : i32
        %dma_start3A_49 = tpu.memref_slice %arg3[%add3A, %mul3A_17, %dma_start3A_48] : memref<32x80x128xi32, #tpu.memory_space<hbm>> -> memref<1x40x128xi32, #tpu.memory_space<hbm>>
        %dma_start3A_50 = tpu.memref_squeeze %dma_start3A_49 : memref<1x40x128xi32, #tpu.memory_space<hbm>> -> memref<40x128xi32, #tpu.memory_space<hbm>>
        %dma_start3A_51 = arith.constant 0 : i32
        %dma_start3A_52 = tpu.memref_slice %arg3[%add3A, %mul3A_17, %dma_start3A_51] : memref<32x80x128xi32, #tpu.memory_space<hbm>> -> memref<1x40x128xi32, #tpu.memory_space<hbm>>
        %dma_start3A_53 = tpu.memref_squeeze %dma_start3A_52 : memref<1x40x128xi32, #tpu.memory_space<hbm>> -> memref<40x128xi32, #tpu.memory_space<hbm>>
        tpu.enqueue_dma source(%dma_start3A_53 : memref<40x128xi32, #tpu.memory_space<hbm>>) target(%arg7 : memref<40x128xi32, #tpu.memory_space<vmem>>) target_semaphore(%run_scoped3A : memref<!tpu.dma_semaphore, #tpu.memory_space<semaphore_mem>>)
        %dma_wait3A_54 = arith.constant 0 : i32
        %dma_wait3A_55 = tpu.memref_slice %arg3[%add3A, %mul3A_17, %dma_wait3A_54] : memref<32x80x128xi32, #tpu.memory_space<hbm>> -> memref<1x40x128xi32, #tpu.memory_space<hbm>>
        %dma_wait3A_56 = tpu.memref_squeeze %dma_wait3A_55 : memref<1x40x128xi32, #tpu.memory_space<hbm>> -> memref<40x128xi32, #tpu.memory_space<hbm>>
        %dma_wait3A_57 = arith.constant 0 : i32
        %dma_wait3A_58 = tpu.memref_slice %arg3[%add3A, %mul3A_17, %dma_wait3A_57] : memref<32x80x128xi32, #tpu.memory_space<hbm>> -> memref<1x40x128xi32, #tpu.memory_space<hbm>>
        %dma_wait3A_59 = tpu.memref_squeeze %dma_wait3A_58 : memref<1x40x128xi32, #tpu.memory_space<hbm>> -> memref<40x128xi32, #tpu.memory_space<hbm>>
        tpu.wait_dma2 semaphore(%run_scoped3A : memref<!tpu.dma_semaphore, #tpu.memory_space<semaphore_mem>>) src(%dma_wait3A_59 : memref<40x128xi32, #tpu.memory_space<hbm>>) dst(%arg7 : memref<40x128xi32, #tpu.memory_space<vmem>>)
        tpu.yield
      }) : () -> ()
      %mul3A_18 = arith.constant 40 : i32
      %mul3A_19 = arith.muli %scan3A_15, %mul3A_18 : i32
      "tpu.region"() ({
        %run_scoped3A = tpu.sem_alloc : memref<!tpu.dma_semaphore, #tpu.memory_space<semaphore_mem>>
        %dma_start3A_48 = arith.constant 0 : i32
        %dma_start3A_49 = tpu.memref_slice %arg4[%add3A, %mul3A_19, %dma_start3A_48] : memref<32x80x128xi32, #tpu.memory_space<hbm>> -> memref<1x40x128xi32, #tpu.memory_space<hbm>>
        %dma_start3A_50 = tpu.memref_squeeze %dma_start3A_49 : memref<1x40x128xi32, #tpu.memory_space<hbm>> -> memref<40x128xi32, #tpu.memory_space<hbm>>
        %dma_start3A_51 = arith.constant 0 : i32
        %dma_start3A_52 = tpu.memref_slice %arg4[%add3A, %mul3A_19, %dma_start3A_51] : memref<32x80x128xi32, #tpu.memory_space<hbm>> -> memref<1x40x128xi32, #tpu.memory_space<hbm>>
        %dma_start3A_53 = tpu.memref_squeeze %dma_start3A_52 : memref<1x40x128xi32, #tpu.memory_space<hbm>> -> memref<40x128xi32, #tpu.memory_space<hbm>>
        tpu.enqueue_dma source(%dma_start3A_53 : memref<40x128xi32, #tpu.memory_space<hbm>>) target(%arg8 : memref<40x128xi32, #tpu.memory_space<vmem>>) target_semaphore(%run_scoped3A : memref<!tpu.dma_semaphore, #tpu.memory_space<semaphore_mem>>)
        %dma_wait3A_54 = arith.constant 0 : i32
        %dma_wait3A_55 = tpu.memref_slice %arg4[%add3A, %mul3A_19, %dma_wait3A_54] : memref<32x80x128xi32, #tpu.memory_space<hbm>> -> memref<1x40x128xi32, #tpu.memory_space<hbm>>
        %dma_wait3A_56 = tpu.memref_squeeze %dma_wait3A_55 : memref<1x40x128xi32, #tpu.memory_space<hbm>> -> memref<40x128xi32, #tpu.memory_space<hbm>>
        %dma_wait3A_57 = arith.constant 0 : i32
        %dma_wait3A_58 = tpu.memref_slice %arg4[%add3A, %mul3A_19, %dma_wait3A_57] : memref<32x80x128xi32, #tpu.memory_space<hbm>> -> memref<1x40x128xi32, #tpu.memory_space<hbm>>
        %dma_wait3A_59 = tpu.memref_squeeze %dma_wait3A_58 : memref<1x40x128xi32, #tpu.memory_space<hbm>> -> memref<40x128xi32, #tpu.memory_space<hbm>>
        tpu.wait_dma2 semaphore(%run_scoped3A : memref<!tpu.dma_semaphore, #tpu.memory_space<semaphore_mem>>) src(%dma_wait3A_59 : memref<40x128xi32, #tpu.memory_space<hbm>>) dst(%arg8 : memref<40x128xi32, #tpu.memory_space<vmem>>)
        tpu.yield
      }) : () -> ()
      %dma_start3A = arith.constant 0 : i32
      %dma_start3A_20 = arith.constant 0 : i32
      %dma_start3A_21 = arith.constant 0 : i32
      %dma_start3A_22 = arith.constant 0 : i32
      %dma_start3A_23 = tpu.memref_slice %arg9[%dma_start3A_20, %dma_start3A_21, %dma_start3A_22] : memref<2x128x128xf32, #tpu.memory_space<vmem>> -> memref<1x128x128xf32, #tpu.memory_space<vmem>>
      %dma_start3A_24 = tpu.memref_squeeze %dma_start3A_23 : memref<1x128x128xf32, #tpu.memory_space<vmem>> -> memref<128x128xf32, #tpu.memory_space<vmem>>
      %dma_start3A_25 = arith.constant 0 : i32
      %dma_start3A_26 = tpu.memref_slice %arg7[%dma_start3A, %dma_start3A_25] : memref<40x128xi32, #tpu.memory_space<vmem>> -> memref<1x128xi32, #tpu.memory_space<vmem>>
      %dma_start3A_27 = tpu.memref_squeeze %dma_start3A_26 : memref<1x128xi32, #tpu.memory_space<vmem>> -> memref<128xi32, #tpu.memory_space<vmem>>
      %dma_start3A_28 = arith.constant 0 : i32
      %dma_start3A_29 = arith.constant 0 : i32
      %dma_start3A_30 = tpu.memref_slice %arg2[%dma_start3A_28, %dma_start3A_29] : memref<10000x128xf32, #tpu.memory_space<hbm>> -> memref<10000x128xf32, #tpu.memory_space<hbm>>
      tpu.enqueue_indirect_dma source(%dma_start3A_30 : memref<10000x128xf32, #tpu.memory_space<hbm>>) target(%dma_start3A_24 : memref<128x128xf32, #tpu.memory_space<vmem>>) offsets(%dma_start3A_27 : memref<128xi32, #tpu.memory_space<vmem>>) semaphore(%arg11 : memref<!tpu.dma_semaphore, #tpu.memory_space<semaphore_mem>>)
      %scan3A_31 = arith.constant 0 : i32
      %scan3A_32 = arith.constant 0 : i32
      %scan3A_33 = arith.constant 20 : i32
      %scan3A_34 = arith.addi %scan3A_32, %scan3A_33 : i32
      %scan3A_35 = arith.constant 1 : i32
      scf.for %scan3A_48 = %scan3A_32 to %scan3A_34 step %scan3A_35  : i32 {
        %mul3A_49 = arith.constant 2 : i32
        %mul3A_50 = arith.muli %scan3A_48, %mul3A_49 : i32
        %add3A_51 = arith.constant 0 : i32
        %add3A_52 = arith.addi %mul3A_50, %add3A_51 : i32
        %dma_wait3A_53 = arith.constant 0 : i32
        %dma_wait3A_54 = arith.constant 0 : i32
        %dma_wait3A_55 = arith.constant 0 : i32
        %dma_wait3A_56 = tpu.memref_slice %arg9[%dma_wait3A_53, %dma_wait3A_54, %dma_wait3A_55] : memref<2x128x128xf32, #tpu.memory_space<vmem>> -> memref<1x128x128xf32, #tpu.memory_space<vmem>>
        %dma_wait3A_57 = tpu.memref_squeeze %dma_wait3A_56 : memref<1x128x128xf32, #tpu.memory_space<vmem>> -> memref<128x128xf32, #tpu.memory_space<vmem>>
        %dma_wait3A_58 = arith.constant 0 : i32
        %dma_wait3A_59 = tpu.memref_slice %arg7[%add3A_52, %dma_wait3A_58] : memref<40x128xi32, #tpu.memory_space<vmem>> -> memref<1x128xi32, #tpu.memory_space<vmem>>
        %dma_wait3A_60 = tpu.memref_squeeze %dma_wait3A_59 : memref<1x128xi32, #tpu.memory_space<vmem>> -> memref<128xi32, #tpu.memory_space<vmem>>
        %dma_wait3A_61 = arith.constant 0 : i32
        %dma_wait3A_62 = arith.constant 0 : i32
        %dma_wait3A_63 = tpu.memref_slice %arg2[%dma_wait3A_61, %dma_wait3A_62] : memref<10000x128xf32, #tpu.memory_space<hbm>> -> memref<10000x128xf32, #tpu.memory_space<hbm>>
        tpu.wait_indirect_dma semaphore(%arg11 : memref<!tpu.dma_semaphore, #tpu.memory_space<semaphore_mem>>) src(%dma_wait3A_63 : memref<10000x128xf32, #tpu.memory_space<hbm>>) dst(%dma_wait3A_57 : memref<128x128xf32, #tpu.memory_space<vmem>>)
        %dma_start3A_64 = arith.constant 0 : i32
        %dma_start3A_65 = arith.constant 0 : i32
        %dma_start3A_66 = arith.constant 0 : i32
        %dma_start3A_67 = tpu.memref_slice %arg9[%dma_start3A_64, %dma_start3A_65, %dma_start3A_66] : memref<2x128x128xf32, #tpu.memory_space<vmem>> -> memref<1x128x128xf32, #tpu.memory_space<vmem>>
        %dma_start3A_68 = tpu.memref_squeeze %dma_start3A_67 : memref<1x128x128xf32, #tpu.memory_space<vmem>> -> memref<128x128xf32, #tpu.memory_space<vmem>>
        %dma_start3A_69 = arith.constant 0 : i32
        %dma_start3A_70 = tpu.memref_slice %arg8[%add3A_52, %dma_start3A_69] : memref<40x128xi32, #tpu.memory_space<vmem>> -> memref<1x128xi32, #tpu.memory_space<vmem>>
        %dma_start3A_71 = tpu.memref_squeeze %dma_start3A_70 : memref<1x128xi32, #tpu.memory_space<vmem>> -> memref<128xi32, #tpu.memory_space<vmem>>
        %dma_start3A_72 = arith.constant 0 : i32
        %dma_start3A_73 = arith.constant 0 : i32
        %dma_start3A_74 = tpu.memref_slice %arg10[%dma_start3A_72, %dma_start3A_73] : memref<10112x128xf32, #tpu.memory_space<vmem_shared>> -> memref<10112x128xf32, #tpu.memory_space<vmem_shared>>
        tpu.enqueue_indirect_dma source(%dma_start3A_68 : memref<128x128xf32, #tpu.memory_space<vmem>>) target(%dma_start3A_74 : memref<10112x128xf32, #tpu.memory_space<vmem_shared>>) offsets(%dma_start3A_71 : memref<128xi32, #tpu.memory_space<vmem>>) semaphore(%arg13 : memref<!tpu.dma_semaphore, #tpu.memory_space<semaphore_mem>>) {add = true}
        %ge3A = arith.constant 1 : i32
        %ge3A_75 = arith.cmpi sge, %add3A_52, %ge3A : i32
        %convert_element_type3A = arith.extui %ge3A_75 : i1 to i32
        %cond3A = arith.constant 0 : i32
        %cond3A_76 = arith.cmpi ne, %convert_element_type3A, %cond3A : i32
        scf.if %cond3A_76 {
          %sub3A = arith.constant 1 : i32
          %sub3A_119 = arith.subi %add3A_52, %sub3A : i32
          %dma_wait3A_120 = arith.constant 1 : i32
          %dma_wait3A_121 = arith.constant 0 : i32
          %dma_wait3A_122 = arith.constant 0 : i32
          %dma_wait3A_123 = tpu.memref_slice %arg9[%dma_wait3A_120, %dma_wait3A_121, %dma_wait3A_122] : memref<2x128x128xf32, #tpu.memory_space<vmem>> -> memref<1x128x128xf32, #tpu.memory_space<vmem>>
          %dma_wait3A_124 = tpu.memref_squeeze %dma_wait3A_123 : memref<1x128x128xf32, #tpu.memory_space<vmem>> -> memref<128x128xf32, #tpu.memory_space<vmem>>
          %dma_wait3A_125 = arith.constant 0 : i32
          %dma_wait3A_126 = tpu.memref_slice %arg8[%sub3A_119, %dma_wait3A_125] : memref<40x128xi32, #tpu.memory_space<vmem>> -> memref<1x128xi32, #tpu.memory_space<vmem>>
          %dma_wait3A_127 = tpu.memref_squeeze %dma_wait3A_126 : memref<1x128xi32, #tpu.memory_space<vmem>> -> memref<128xi32, #tpu.memory_space<vmem>>
          %dma_wait3A_128 = arith.constant 0 : i32
          %dma_wait3A_129 = arith.constant 0 : i32
          %dma_wait3A_130 = tpu.memref_slice %arg10[%dma_wait3A_128, %dma_wait3A_129] : memref<10112x128xf32, #tpu.memory_space<vmem_shared>> -> memref<10112x128xf32, #tpu.memory_space<vmem_shared>>
          tpu.wait_indirect_dma semaphore(%arg14 : memref<!tpu.dma_semaphore, #tpu.memory_space<semaphore_mem>>) src(%dma_wait3A_124 : memref<128x128xf32, #tpu.memory_space<vmem>>) dst(%dma_wait3A_130 : memref<10112x128xf32, #tpu.memory_space<vmem_shared>>)
        } else {
        }
        %add3A_77 = arith.constant 1 : i32
        %add3A_78 = arith.addi %add3A_52, %add3A_77 : i32
        %lt3A = arith.constant 40 : i32
        %lt3A_79 = arith.cmpi slt, %add3A_78, %lt3A : i32
        %convert_element_type3A_80 = arith.extui %lt3A_79 : i1 to i32
        %cond3A_81 = arith.constant 0 : i32
        %cond3A_82 = arith.cmpi ne, %convert_element_type3A_80, %cond3A_81 : i32
        scf.if %cond3A_82 {
          %add3A_119 = arith.constant 1 : i32
          %add3A_120 = arith.addi %add3A_52, %add3A_119 : i32
          %dma_start3A_121 = arith.constant 1 : i32
          %dma_start3A_122 = arith.constant 0 : i32
          %dma_start3A_123 = arith.constant 0 : i32
          %dma_start3A_124 = tpu.memref_slice %arg9[%dma_start3A_121, %dma_start3A_122, %dma_start3A_123] : memref<2x128x128xf32, #tpu.memory_space<vmem>> -> memref<1x128x128xf32, #tpu.memory_space<vmem>>
          %dma_start3A_125 = tpu.memref_squeeze %dma_start3A_124 : memref<1x128x128xf32, #tpu.memory_space<vmem>> -> memref<128x128xf32, #tpu.memory_space<vmem>>
          %dma_start3A_126 = arith.constant 0 : i32
          %dma_start3A_127 = tpu.memref_slice %arg7[%add3A_120, %dma_start3A_126] : memref<40x128xi32, #tpu.memory_space<vmem>> -> memref<1x128xi32, #tpu.memory_space<vmem>>
          %dma_start3A_128 = tpu.memref_squeeze %dma_start3A_127 : memref<1x128xi32, #tpu.memory_space<vmem>> -> memref<128xi32, #tpu.memory_space<vmem>>
          %dma_start3A_129 = arith.constant 0 : i32
          %dma_start3A_130 = arith.constant 0 : i32
          %dma_start3A_131 = tpu.memref_slice %arg2[%dma_start3A_129, %dma_start3A_130] : memref<10000x128xf32, #tpu.memory_space<hbm>> -> memref<10000x128xf32, #tpu.memory_space<hbm>>
          tpu.enqueue_indirect_dma source(%dma_start3A_131 : memref<10000x128xf32, #tpu.memory_space<hbm>>) target(%dma_start3A_125 : memref<128x128xf32, #tpu.memory_space<vmem>>) offsets(%dma_start3A_128 : memref<128xi32, #tpu.memory_space<vmem>>) semaphore(%arg12 : memref<!tpu.dma_semaphore, #tpu.memory_space<semaphore_mem>>)
        } else {
        }
        %add3A_83 = arith.constant 1 : i32
        %add3A_84 = arith.addi %mul3A_50, %add3A_83 : i32
        %dma_wait3A_85 = arith.constant 1 : i32
        %dma_wait3A_86 = arith.constant 0 : i32
        %dma_wait3A_87 = arith.constant 0 : i32
        %dma_wait3A_88 = tpu.memref_slice %arg9[%dma_wait3A_85, %dma_wait3A_86, %dma_wait3A_87] : memref<2x128x128xf32, #tpu.memory_space<vmem>> -> memref<1x128x128xf32, #tpu.memory_space<vmem>>
        %dma_wait3A_89 = tpu.memref_squeeze %dma_wait3A_88 : memref<1x128x128xf32, #tpu.memory_space<vmem>> -> memref<128x128xf32, #tpu.memory_space<vmem>>
        %dma_wait3A_90 = arith.constant 0 : i32
        %dma_wait3A_91 = tpu.memref_slice %arg7[%add3A_84, %dma_wait3A_90] : memref<40x128xi32, #tpu.memory_space<vmem>> -> memref<1x128xi32, #tpu.memory_space<vmem>>
        %dma_wait3A_92 = tpu.memref_squeeze %dma_wait3A_91 : memref<1x128xi32, #tpu.memory_space<vmem>> -> memref<128xi32, #tpu.memory_space<vmem>>
        %dma_wait3A_93 = arith.constant 0 : i32
        %dma_wait3A_94 = arith.constant 0 : i32
        %dma_wait3A_95 = tpu.memref_slice %arg2[%dma_wait3A_93, %dma_wait3A_94] : memref<10000x128xf32, #tpu.memory_space<hbm>> -> memref<10000x128xf32, #tpu.memory_space<hbm>>
        tpu.wait_indirect_dma semaphore(%arg12 : memref<!tpu.dma_semaphore, #tpu.memory_space<semaphore_mem>>) src(%dma_wait3A_95 : memref<10000x128xf32, #tpu.memory_space<hbm>>) dst(%dma_wait3A_89 : memref<128x128xf32, #tpu.memory_space<vmem>>)
        %dma_start3A_96 = arith.constant 1 : i32
        %dma_start3A_97 = arith.constant 0 : i32
        %dma_start3A_98 = arith.constant 0 : i32
        %dma_start3A_99 = tpu.memref_slice %arg9[%dma_start3A_96, %dma_start3A_97, %dma_start3A_98] : memref<2x128x128xf32, #tpu.memory_space<vmem>> -> memref<1x128x128xf32, #tpu.memory_space<vmem>>
        %dma_start3A_100 = tpu.memref_squeeze %dma_start3A_99 : memref<1x128x128xf32, #tpu.memory_space<vmem>> -> memref<128x128xf32, #tpu.memory_space<vmem>>
        %dma_start3A_101 = arith.constant 0 : i32
        %dma_start3A_102 = tpu.memref_slice %arg8[%add3A_84, %dma_start3A_101] : memref<40x128xi32, #tpu.memory_space<vmem>> -> memref<1x128xi32, #tpu.memory_space<vmem>>
        %dma_start3A_103 = tpu.memref_squeeze %dma_start3A_102 : memref<1x128xi32, #tpu.memory_space<vmem>> -> memref<128xi32, #tpu.memory_space<vmem>>
        %dma_start3A_104 = arith.constant 0 : i32
        %dma_start3A_105 = arith.constant 0 : i32
        %dma_start3A_106 = tpu.memref_slice %arg10[%dma_start3A_104, %dma_start3A_105] : memref<10112x128xf32, #tpu.memory_space<vmem_shared>> -> memref<10112x128xf32, #tpu.memory_space<vmem_shared>>
        tpu.enqueue_indirect_dma source(%dma_start3A_100 : memref<128x128xf32, #tpu.memory_space<vmem>>) target(%dma_start3A_106 : memref<10112x128xf32, #tpu.memory_space<vmem_shared>>) offsets(%dma_start3A_103 : memref<128xi32, #tpu.memory_space<vmem>>) semaphore(%arg14 : memref<!tpu.dma_semaphore, #tpu.memory_space<semaphore_mem>>) {add = true}
        %ge3A_107 = arith.constant 1 : i32
        %ge3A_108 = arith.cmpi sge, %add3A_84, %ge3A_107 : i32
        %convert_element_type3A_109 = arith.extui %ge3A_108 : i1 to i32
        %cond3A_110 = arith.constant 0 : i32
        %cond3A_111 = arith.cmpi ne, %convert_element_type3A_109, %cond3A_110 : i32
        scf.if %cond3A_111 {
          %sub3A = arith.constant 1 : i32
          %sub3A_119 = arith.subi %add3A_84, %sub3A : i32
          %dma_wait3A_120 = arith.constant 0 : i32
          %dma_wait3A_121 = arith.constant 0 : i32
          %dma_wait3A_122 = arith.constant 0 : i32
          %dma_wait3A_123 = tpu.memref_slice %arg9[%dma_wait3A_120, %dma_wait3A_121, %dma_wait3A_122] : memref<2x128x128xf32, #tpu.memory_space<vmem>> -> memref<1x128x128xf32, #tpu.memory_space<vmem>>
          %dma_wait3A_124 = tpu.memref_squeeze %dma_wait3A_123 : memref<1x128x128xf32, #tpu.memory_space<vmem>> -> memref<128x128xf32, #tpu.memory_space<vmem>>
          %dma_wait3A_125 = arith.constant 0 : i32
          %dma_wait3A_126 = tpu.memref_slice %arg8[%sub3A_119, %dma_wait3A_125] : memref<40x128xi32, #tpu.memory_space<vmem>> -> memref<1x128xi32, #tpu.memory_space<vmem>>
          %dma_wait3A_127 = tpu.memref_squeeze %dma_wait3A_126 : memref<1x128xi32, #tpu.memory_space<vmem>> -> memref<128xi32, #tpu.memory_space<vmem>>
          %dma_wait3A_128 = arith.constant 0 : i32
          %dma_wait3A_129 = arith.constant 0 : i32
          %dma_wait3A_130 = tpu.memref_slice %arg10[%dma_wait3A_128, %dma_wait3A_129] : memref<10112x128xf32, #tpu.memory_space<vmem_shared>> -> memref<10112x128xf32, #tpu.memory_space<vmem_shared>>
          tpu.wait_indirect_dma semaphore(%arg13 : memref<!tpu.dma_semaphore, #tpu.memory_space<semaphore_mem>>) src(%dma_wait3A_124 : memref<128x128xf32, #tpu.memory_space<vmem>>) dst(%dma_wait3A_130 : memref<10112x128xf32, #tpu.memory_space<vmem_shared>>)
        } else {
        }
        %add3A_112 = arith.constant 1 : i32
        %add3A_113 = arith.addi %add3A_84, %add3A_112 : i32
        %lt3A_114 = arith.constant 40 : i32
        %lt3A_115 = arith.cmpi slt, %add3A_113, %lt3A_114 : i32
        %convert_element_type3A_116 = arith.extui %lt3A_115 : i1 to i32
        %cond3A_117 = arith.constant 0 : i32
        %cond3A_118 = arith.cmpi ne, %convert_element_type3A_116, %cond3A_117 : i32
        scf.if %cond3A_118 {
          %add3A_119 = arith.constant 1 : i32
          %add3A_120 = arith.addi %add3A_84, %add3A_119 : i32
          %dma_start3A_121 = arith.constant 0 : i32
          %dma_start3A_122 = arith.constant 0 : i32
          %dma_start3A_123 = arith.constant 0 : i32
          %dma_start3A_124 = tpu.memref_slice %arg9[%dma_start3A_121, %dma_start3A_122, %dma_start3A_123] : memref<2x128x128xf32, #tpu.memory_space<vmem>> -> memref<1x128x128xf32, #tpu.memory_space<vmem>>
          %dma_start3A_125 = tpu.memref_squeeze %dma_start3A_124 : memref<1x128x128xf32, #tpu.memory_space<vmem>> -> memref<128x128xf32, #tpu.memory_space<vmem>>
          %dma_start3A_126 = arith.constant 0 : i32
          %dma_start3A_127 = tpu.memref_slice %arg7[%add3A_120, %dma_start3A_126] : memref<40x128xi32, #tpu.memory_space<vmem>> -> memref<1x128xi32, #tpu.memory_space<vmem>>
          %dma_start3A_128 = tpu.memref_squeeze %dma_start3A_127 : memref<1x128xi32, #tpu.memory_space<vmem>> -> memref<128xi32, #tpu.memory_space<vmem>>
          %dma_start3A_129 = arith.constant 0 : i32
          %dma_start3A_130 = arith.constant 0 : i32
          %dma_start3A_131 = tpu.memref_slice %arg2[%dma_start3A_129, %dma_start3A_130] : memref<10000x128xf32, #tpu.memory_space<hbm>> -> memref<10000x128xf32, #tpu.memory_space<hbm>>
          tpu.enqueue_indirect_dma source(%dma_start3A_131 : memref<10000x128xf32, #tpu.memory_space<hbm>>) target(%dma_start3A_125 : memref<128x128xf32, #tpu.memory_space<vmem>>) offsets(%dma_start3A_128 : memref<128xi32, #tpu.memory_space<vmem>>) semaphore(%arg11 : memref<!tpu.dma_semaphore, #tpu.memory_space<semaphore_mem>>)
        } else {
        }
      }
      %scan3A_36 = arith.constant 20 : i32
      %dma_wait3A = arith.constant 1 : i32
      %dma_wait3A_37 = arith.constant 39 : i32
      %dma_wait3A_38 = arith.constant 0 : i32
      %dma_wait3A_39 = arith.constant 0 : i32
      %dma_wait3A_40 = tpu.memref_slice %arg9[%dma_wait3A, %dma_wait3A_38, %dma_wait3A_39] : memref<2x128x128xf32, #tpu.memory_space<vmem>> -> memref<1x128x128xf32, #tpu.memory_space<vmem>>
      %dma_wait3A_41 = tpu.memref_squeeze %dma_wait3A_40 : memref<1x128x128xf32, #tpu.memory_space<vmem>> -> memref<128x128xf32, #tpu.memory_space<vmem>>
      %dma_wait3A_42 = arith.constant 0 : i32
      %dma_wait3A_43 = tpu.memref_slice %arg8[%dma_wait3A_37, %dma_wait3A_42] : memref<40x128xi32, #tpu.memory_space<vmem>> -> memref<1x128xi32, #tpu.memory_space<vmem>>
      %dma_wait3A_44 = tpu.memref_squeeze %dma_wait3A_43 : memref<1x128xi32, #tpu.memory_space<vmem>> -> memref<128xi32, #tpu.memory_space<vmem>>
      %dma_wait3A_45 = arith.constant 0 : i32
      %dma_wait3A_46 = arith.constant 0 : i32
      %dma_wait3A_47 = tpu.memref_slice %arg10[%dma_wait3A_45, %dma_wait3A_46] : memref<10112x128xf32, #tpu.memory_space<vmem_shared>> -> memref<10112x128xf32, #tpu.memory_space<vmem_shared>>
      tpu.wait_indirect_dma semaphore(%arg14 : memref<!tpu.dma_semaphore, #tpu.memory_space<semaphore_mem>>) src(%dma_wait3A_41 : memref<128x128xf32, #tpu.memory_space<vmem>>) dst(%dma_wait3A_47 : memref<10112x128xf32, #tpu.memory_space<vmem_shared>>)
    }
    %scan3A_9 = arith.constant 2 : i32
    %barrier3A_10 = arith.constant 0 : index
    tpu.barrier barrier_id(%barrier3A_10)
    %mul3A_11 = arith.constant 632 : i32
    %mul3A_12 = arith.muli %arg1, %mul3A_11 : i32
    %mul3A_13 = arith.constant 632 : i32
    %mul3A_14 = arith.muli %arg1, %mul3A_13 : i32
    "tpu.region"() ({
      %run_scoped3A = tpu.sem_alloc : memref<!tpu.dma_semaphore, #tpu.memory_space<semaphore_mem>>
      %dma_start3A = arith.constant 0 : i32
      %dma_start3A_15 = tpu.memref_slice %arg6[%arg0, %mul3A_14, %dma_start3A] : memref<2x10112x128xf32, #tpu.memory_space<hbm>> -> memref<1x632x128xf32, #tpu.memory_space<hbm>>
      %dma_start3A_16 = tpu.memref_squeeze %dma_start3A_15 : memref<1x632x128xf32, #tpu.memory_space<hbm>> -> memref<632x128xf32, #tpu.memory_space<hbm>>
      %dma_start3A_17 = arith.constant 0 : i32
      %dma_start3A_18 = tpu.memref_slice %arg10[%mul3A_12, %dma_start3A_17] : memref<10112x128xf32, #tpu.memory_space<vmem_shared>> -> memref<632x128xf32, #tpu.memory_space<vmem_shared>>
      tpu.enqueue_dma source(%dma_start3A_18 : memref<632x128xf32, #tpu.memory_space<vmem_shared>>) target(%dma_start3A_16 : memref<632x128xf32, #tpu.memory_space<hbm>>) target_semaphore(%run_scoped3A : memref<!tpu.dma_semaphore, #tpu.memory_space<semaphore_mem>>)
      %dma_wait3A = arith.constant 0 : i32
      %dma_wait3A_19 = tpu.memref_slice %arg6[%arg0, %mul3A_14, %dma_wait3A] : memref<2x10112x128xf32, #tpu.memory_space<hbm>> -> memref<1x632x128xf32, #tpu.memory_space<hbm>>
      %dma_wait3A_20 = tpu.memref_squeeze %dma_wait3A_19 : memref<1x632x128xf32, #tpu.memory_space<hbm>> -> memref<632x128xf32, #tpu.memory_space<hbm>>
      %dma_wait3A_21 = arith.constant 0 : i32
      %dma_wait3A_22 = tpu.memref_slice %arg10[%mul3A_12, %dma_wait3A_21] : memref<10112x128xf32, #tpu.memory_space<vmem_shared>> -> memref<632x128xf32, #tpu.memory_space<vmem_shared>>
      tpu.wait_dma2 semaphore(%run_scoped3A : memref<!tpu.dma_semaphore, #tpu.memory_space<semaphore_mem>>) src(%dma_wait3A_22 : memref<632x128xf32, #tpu.memory_space<vmem_shared>>) dst(%dma_wait3A_20 : memref<632x128xf32, #tpu.memory_space<hbm>>)
      tpu.yield
    }) : () -> ()
    return
  }
}

module attributes {stable_mosaic.version = 14 : i64} {
  func.func @body(%arg0: i32, %arg1: memref<2000x128xf32, #tpu.memory_space<vmem>>, %arg2: memref<128x128xf32, #tpu.memory_space<vmem>>, %arg3: memref<128x128xf32, #tpu.memory_space<vmem>>, %arg4: memref<2000x128xf32, #tpu.memory_space<vmem>>, %arg5: memref<2000x128xf32, #tpu.memory_space<vmem>>) attributes {dimension_semantics = [#tpu.dimension_semantics<arbitrary>], iteration_bounds = array<i64: 5>, scalar_prefetch = 0 : i64, scratch_operands = 0 : i64, tpu.core_type = #tpu.core_type<tc>, window_params = [{transform_indices = @transform_0, window_bounds = array<i64: 2000, 128>}, {pipeline_mode = #tpu.pipeline_mode<synchronous>, transform_indices = @transform_1, window_bounds = array<i64: 128, 128>}, {pipeline_mode = #tpu.pipeline_mode<synchronous>, transform_indices = @transform_2, window_bounds = array<i64: 128, 128>}, {transform_indices = @transform_3, window_bounds = array<i64: 2000, 128>}, {transform_indices = @transform_4, window_bounds = array<i64: 2000, 128>}]} {
    %get3A = arith.constant 0 : index
    %get3A_0 = arith.constant 0 : index
    %get3A_1 = vector.load %arg1[%get3A, %get3A_0] : memref<2000x128xf32, #tpu.memory_space<vmem>>, vector<2000x128xf32>
    %get3A_2 = arith.constant 0 : index
    %get3A_3 = arith.constant 0 : index
    %get3A_4 = vector.load %arg2[%get3A_2, %get3A_3] : memref<128x128xf32, #tpu.memory_space<vmem>>, vector<128x128xf32>
    %dot_general3A = arith.constant dense<0.000000e+00> : vector<2000x128xf32>
    %dot_general3A_5 = tpu.matmul %get3A_1, %get3A_4, %dot_general3A {dimension_numbers = #tpu.dot_dimension_numbers<[1], [0], [0], [1], [0, 0, 1, 1], [], []>, transpose_lhs_hint = false} : vector<2000x128xf32>, vector<128x128xf32>, vector<2000x128xf32> -> vector<2000x128xf32>
    %swap3A = arith.constant 0 : index
    %swap3A_6 = arith.constant 0 : index
    %swap3A_7 = vector.load %arg4[%swap3A, %swap3A_6] : memref<2000x128xf32, #tpu.memory_space<vmem>>, vector<2000x128xf32>
    tpu.vector_store %arg4[%swap3A, %swap3A_6], %dot_general3A_5 {strides = array<i32>} : memref<2000x128xf32, #tpu.memory_space<vmem>>, vector<2000x128xf32>,
    %get3A_8 = arith.constant 0 : index
    %get3A_9 = arith.constant 0 : index
    %get3A_10 = vector.load %arg3[%get3A_8, %get3A_9] : memref<128x128xf32, #tpu.memory_space<vmem>>, vector<128x128xf32>
    %dot_general3A_11 = arith.constant dense<0.000000e+00> : vector<2000x128xf32>
    %dot_general3A_12 = tpu.matmul %get3A_1, %get3A_10, %dot_general3A_11 {dimension_numbers = #tpu.dot_dimension_numbers<[1], [0], [0], [1], [0, 0, 1, 1], [], []>, transpose_lhs_hint = false} : vector<2000x128xf32>, vector<128x128xf32>, vector<2000x128xf32> -> vector<2000x128xf32>
    %swap3A_13 = arith.constant 0 : index
    %swap3A_14 = arith.constant 0 : index
    %swap3A_15 = vector.load %arg5[%swap3A_13, %swap3A_14] : memref<2000x128xf32, #tpu.memory_space<vmem>>, vector<2000x128xf32>
    tpu.vector_store %arg5[%swap3A_13, %swap3A_14], %dot_general3A_12 {strides = array<i32>} : memref<2000x128xf32, #tpu.memory_space<vmem>>, vector<2000x128xf32>,
    return
  }
  func.func @transform_0(%arg0: i32) -> (i32, i32) {
    %c0_i32 = arith.constant 0 : i32
    %c0_i32_0 = arith.constant 0 : i32
    return %arg0, %c0_i32 : i32, i32
  }
  func.func @transform_1(%arg0: i32) -> (i32, i32) {
    %c0_i32 = arith.constant 0 : i32
    %c0_i32_0 = arith.constant 0 : i32
    %c0_i32_1 = arith.constant 0 : i32
    return %c0_i32, %c0_i32_0 : i32, i32
  }
  func.func @transform_2(%arg0: i32) -> (i32, i32) {
    %c0_i32 = arith.constant 0 : i32
    %c0_i32_0 = arith.constant 0 : i32
    %c0_i32_1 = arith.constant 0 : i32
    return %c0_i32, %c0_i32_0 : i32, i32
  }
  func.func @transform_3(%arg0: i32) -> (i32, i32) {
    %c0_i32 = arith.constant 0 : i32
    %c0_i32_0 = arith.constant 0 : i32
    return %arg0, %c0_i32 : i32, i32
  }
  func.func @transform_4(%arg0: i32) -> (i32, i32) {
    %c0_i32 = arith.constant 0 : i32
    %c0_i32_0 = arith.constant 0 : i32
    return %arg0, %c0_i32 : i32, i32
  }
}

module attributes {stable_mosaic.version = 14 : i64} {
  func.func @body(%arg0: i32, %arg1: memref<2000x128xf32, #tpu.memory_space<vmem>>, %arg2: memref<2x2000x128xf32, #tpu.memory_space<vmem>>, %arg3: memref<2x2000x128xf32, #tpu.memory_space<vmem>>, %arg4: memref<128x128xf32, #tpu.memory_space<vmem>>, %arg5: memref<1x128xf32, #tpu.memory_space<vmem>>, %arg6: memref<128x128xf32, #tpu.memory_space<vmem>>, %arg7: memref<128x128xf32, #tpu.memory_space<vmem>>, %arg8: memref<2000x128xf32, #tpu.memory_space<vmem>>, %arg9: memref<2000x128xf32, #tpu.memory_space<vmem>>) attributes {dimension_semantics = [#tpu.dimension_semantics<arbitrary>], iteration_bounds = array<i64: 5>, scalar_prefetch = 0 : i64, scratch_operands = 0 : i64, tpu.core_type = #tpu.core_type<tc>, window_params = [{transform_indices = @transform_0, window_bounds = array<i64: 2000, 128>}, {transform_indices = @transform_1, window_bounds = array<i64: 2, 2000, 128>}, {transform_indices = @transform_2, window_bounds = array<i64: 2, 2000, 128>}, {pipeline_mode = #tpu.pipeline_mode<synchronous>, transform_indices = @transform_3, window_bounds = array<i64: 128, 128>}, {pipeline_mode = #tpu.pipeline_mode<synchronous>, transform_indices = @transform_4, window_bounds = array<i64: 1, 128>}, {pipeline_mode = #tpu.pipeline_mode<synchronous>, transform_indices = @transform_5, window_bounds = array<i64: 128, 128>}, {pipeline_mode = #tpu.pipeline_mode<synchronous>, transform_indices = @transform_6, window_bounds = array<i64: 128, 128>}, {transform_indices = @transform_7, window_bounds = array<i64: 2000, 128>}, {transform_indices = @transform_8, window_bounds = array<i64: 2000, 128>}]} {
    %get3A = arith.constant 0 : index
    %get3A_0 = arith.constant 0 : index
    %get3A_1 = vector.load %arg1[%get3A, %get3A_0] : memref<2000x128xf32, #tpu.memory_space<vmem>>, vector<2000x128xf32>
    %get3A_2 = arith.constant 0 : index
    %get3A_3 = arith.constant 0 : index
    %get3A_4 = arith.constant 0 : index
    %get3A_5 = vector.load %arg2[%get3A_2, %get3A_3, %get3A_4] : memref<2x2000x128xf32, #tpu.memory_space<vmem>>, vector<1x2000x128xf32>
    %get3A_6 = vector.shape_cast %get3A_5 : vector<1x2000x128xf32> to vector<2000x128xf32>
    %add3A = arith.addf %get3A_1, %get3A_6 : vector<2000x128xf32>
    %get3A_7 = arith.constant 1 : index
    %get3A_8 = arith.constant 0 : index
    %get3A_9 = arith.constant 0 : index
    %get3A_10 = vector.load %arg2[%get3A_7, %get3A_8, %get3A_9] : memref<2x2000x128xf32, #tpu.memory_space<vmem>>, vector<1x2000x128xf32>
    %get3A_11 = vector.shape_cast %get3A_10 : vector<1x2000x128xf32> to vector<2000x128xf32>
    %add3A_12 = arith.addf %add3A, %get3A_11 : vector<2000x128xf32>
    %get3A_13 = arith.constant 0 : index
    %get3A_14 = arith.constant 0 : index
    %get3A_15 = arith.constant 0 : index
    %get3A_16 = vector.load %arg3[%get3A_13, %get3A_14, %get3A_15] : memref<2x2000x128xf32, #tpu.memory_space<vmem>>, vector<1x2000x128xf32>
    %get3A_17 = vector.shape_cast %get3A_16 : vector<1x2000x128xf32> to vector<2000x128xf32>
    %get3A_18 = arith.constant 1 : index
    %get3A_19 = arith.constant 0 : index
    %get3A_20 = arith.constant 0 : index
    %get3A_21 = vector.load %arg3[%get3A_18, %get3A_19, %get3A_20] : memref<2x2000x128xf32, #tpu.memory_space<vmem>>, vector<1x2000x128xf32>
    %get3A_22 = vector.shape_cast %get3A_21 : vector<1x2000x128xf32> to vector<2000x128xf32>
    %add3A_23 = arith.addf %get3A_17, %get3A_22 : vector<2000x128xf32>
    %get3A_24 = arith.constant 0 : index
    %get3A_25 = arith.constant 0 : index
    %get3A_26 = vector.load %arg4[%get3A_24, %get3A_25] : memref<128x128xf32, #tpu.memory_space<vmem>>, vector<128x128xf32>
    %dot_general3A = arith.constant dense<0.000000e+00> : vector<2000x128xf32>
    %dot_general3A_27 = tpu.matmul %add3A_23, %get3A_26, %dot_general3A {dimension_numbers = #tpu.dot_dimension_numbers<[1], [0], [0], [1], [0, 0, 1, 1], [], []>, transpose_lhs_hint = false} : vector<2000x128xf32>, vector<128x128xf32>, vector<2000x128xf32> -> vector<2000x128xf32>
    %add3A_28 = arith.addf %add3A_12, %dot_general3A_27 : vector<2000x128xf32>
    %get3A_29 = arith.constant 0 : index
    %get3A_30 = arith.constant 0 : index
    %get3A_31 = vector.load %arg5[%get3A_29, %get3A_30] : memref<1x128xf32, #tpu.memory_space<vmem>>, vector<1x128xf32>
    %add3A_32 = vector.broadcast %get3A_31 : vector<1x128xf32> to vector<2000x128xf32>
    %add3A_33 = arith.addf %add3A_28, %add3A_32 : vector<2000x128xf32>
    %ge3A = arith.constant 0.000000e+00 : f32
    %ge3A_34 = vector.broadcast %ge3A : f32 to vector<2000x128xf32>
    %ge3A_35 = arith.cmpf oge, %add3A_33, %ge3A_34 : vector<2000x128xf32>
    %mul3A = arith.constant 0.00999999977 : f32
    %mul3A_36 = vector.broadcast %mul3A : f32 to vector<2000x128xf32>
    %mul3A_37 = arith.mulf %mul3A_36, %add3A_33 : vector<2000x128xf32>
    %select_n3A = arith.select %ge3A_35, %add3A_33, %mul3A_37 : vector<2000x128xi1>, vector<2000x128xf32>
    %get3A_38 = arith.constant 0 : index
    %get3A_39 = arith.constant 0 : index
    %get3A_40 = vector.load %arg6[%get3A_38, %get3A_39] : memref<128x128xf32, #tpu.memory_space<vmem>>, vector<128x128xf32>
    %dot_general3A_41 = arith.constant dense<0.000000e+00> : vector<2000x128xf32>
    %dot_general3A_42 = tpu.matmul %select_n3A, %get3A_40, %dot_general3A_41 {dimension_numbers = #tpu.dot_dimension_numbers<[1], [0], [0], [1], [0, 0, 1, 1], [], []>, transpose_lhs_hint = false} : vector<2000x128xf32>, vector<128x128xf32>, vector<2000x128xf32> -> vector<2000x128xf32>
    %swap3A = arith.constant 0 : index
    %swap3A_43 = arith.constant 0 : index
    %swap3A_44 = vector.load %arg8[%swap3A, %swap3A_43] : memref<2000x128xf32, #tpu.memory_space<vmem>>, vector<2000x128xf32>
    tpu.vector_store %arg8[%swap3A, %swap3A_43], %dot_general3A_42 {strides = array<i32>} : memref<2000x128xf32, #tpu.memory_space<vmem>>, vector<2000x128xf32>,
    %get3A_45 = arith.constant 0 : index
    %get3A_46 = arith.constant 0 : index
    %get3A_47 = vector.load %arg7[%get3A_45, %get3A_46] : memref<128x128xf32, #tpu.memory_space<vmem>>, vector<128x128xf32>
    %dot_general3A_48 = arith.constant dense<0.000000e+00> : vector<2000x128xf32>
    %dot_general3A_49 = tpu.matmul %select_n3A, %get3A_47, %dot_general3A_48 {dimension_numbers = #tpu.dot_dimension_numbers<[1], [0], [0], [1], [0, 0, 1, 1], [], []>, transpose_lhs_hint = false} : vector<2000x128xf32>, vector<128x128xf32>, vector<2000x128xf32> -> vector<2000x128xf32>
    %swap3A_50 = arith.constant 0 : index
    %swap3A_51 = arith.constant 0 : index
    %swap3A_52 = vector.load %arg9[%swap3A_50, %swap3A_51] : memref<2000x128xf32, #tpu.memory_space<vmem>>, vector<2000x128xf32>
    tpu.vector_store %arg9[%swap3A_50, %swap3A_51], %dot_general3A_49 {strides = array<i32>} : memref<2000x128xf32, #tpu.memory_space<vmem>>, vector<2000x128xf32>,
    return
  }
  func.func @transform_0(%arg0: i32) -> (i32, i32) {
    %c0_i32 = arith.constant 0 : i32
    %c0_i32_0 = arith.constant 0 : i32
    return %arg0, %c0_i32 : i32, i32
  }
  func.func @transform_1(%arg0: i32) -> (i32, i32, i32) {
    %c0_i32 = arith.constant 0 : i32
    %c0_i32_0 = arith.constant 0 : i32
    %c0_i32_1 = arith.constant 0 : i32
    return %c0_i32, %arg0, %c0_i32_0 : i32, i32, i32
  }
  func.func @transform_2(%arg0: i32) -> (i32, i32, i32) {
    %c0_i32 = arith.constant 0 : i32
    %c0_i32_0 = arith.constant 0 : i32
    %c0_i32_1 = arith.constant 0 : i32
    return %c0_i32, %arg0, %c0_i32_0 : i32, i32, i32
  }
  func.func @transform_3(%arg0: i32) -> (i32, i32) {
    %c0_i32 = arith.constant 0 : i32
    %c0_i32_0 = arith.constant 0 : i32
    %c0_i32_1 = arith.constant 0 : i32
    return %c0_i32, %c0_i32_0 : i32, i32
  }
  func.func @transform_4(%arg0: i32) -> (i32, i32) {
    %c0_i32 = arith.constant 0 : i32
    %c0_i32_0 = arith.constant 0 : i32
    %c0_i32_1 = arith.constant 0 : i32
    return %c0_i32, %c0_i32_0 : i32, i32
  }
  func.func @transform_5(%arg0: i32) -> (i32, i32) {
    %c0_i32 = arith.constant 0 : i32
    %c0_i32_0 = arith.constant 0 : i32
    %c0_i32_1 = arith.constant 0 : i32
    return %c0_i32, %c0_i32_0 : i32, i32
  }
  func.func @transform_6(%arg0: i32) -> (i32, i32) {
    %c0_i32 = arith.constant 0 : i32
    %c0_i32_0 = arith.constant 0 : i32
    %c0_i32_1 = arith.constant 0 : i32
    return %c0_i32, %c0_i32_0 : i32, i32
  }
  func.func @transform_7(%arg0: i32) -> (i32, i32) {
    %c0_i32 = arith.constant 0 : i32
    %c0_i32_0 = arith.constant 0 : i32
    return %arg0, %c0_i32 : i32, i32
  }
  func.func @transform_8(%arg0: i32) -> (i32, i32) {
    %c0_i32 = arith.constant 0 : i32
    %c0_i32_0 = arith.constant 0 : i32
    return %arg0, %c0_i32 : i32, i32
  }
}

module attributes {stable_mosaic.version = 14 : i64} {
  func.func @body(%arg0: i32, %arg1: memref<2000x128xf32, #tpu.memory_space<vmem>>, %arg2: memref<2x2000x128xf32, #tpu.memory_space<vmem>>, %arg3: memref<2x2000x128xf32, #tpu.memory_space<vmem>>, %arg4: memref<128x128xf32, #tpu.memory_space<vmem>>, %arg5: memref<1x128xf32, #tpu.memory_space<vmem>>, %arg6: memref<2000x128xf32, #tpu.memory_space<vmem>>) attributes {dimension_semantics = [#tpu.dimension_semantics<arbitrary>], iteration_bounds = array<i64: 5>, scalar_prefetch = 0 : i64, scratch_operands = 0 : i64, tpu.core_type = #tpu.core_type<tc>, window_params = [{transform_indices = @transform_0, window_bounds = array<i64: 2000, 128>}, {transform_indices = @transform_1, window_bounds = array<i64: 2, 2000, 128>}, {transform_indices = @transform_2, window_bounds = array<i64: 2, 2000, 128>}, {pipeline_mode = #tpu.pipeline_mode<synchronous>, transform_indices = @transform_3, window_bounds = array<i64: 128, 128>}, {pipeline_mode = #tpu.pipeline_mode<synchronous>, transform_indices = @transform_4, window_bounds = array<i64: 1, 128>}, {transform_indices = @transform_5, window_bounds = array<i64: 2000, 128>}]} {
    %get3A = arith.constant 0 : index
    %get3A_0 = arith.constant 0 : index
    %get3A_1 = vector.load %arg1[%get3A, %get3A_0] : memref<2000x128xf32, #tpu.memory_space<vmem>>, vector<2000x128xf32>
    %get3A_2 = arith.constant 0 : index
    %get3A_3 = arith.constant 0 : index
    %get3A_4 = arith.constant 0 : index
    %get3A_5 = vector.load %arg2[%get3A_2, %get3A_3, %get3A_4] : memref<2x2000x128xf32, #tpu.memory_space<vmem>>, vector<1x2000x128xf32>
    %get3A_6 = vector.shape_cast %get3A_5 : vector<1x2000x128xf32> to vector<2000x128xf32>
    %add3A = arith.addf %get3A_1, %get3A_6 : vector<2000x128xf32>
    %get3A_7 = arith.constant 1 : index
    %get3A_8 = arith.constant 0 : index
    %get3A_9 = arith.constant 0 : index
    %get3A_10 = vector.load %arg2[%get3A_7, %get3A_8, %get3A_9] : memref<2x2000x128xf32, #tpu.memory_space<vmem>>, vector<1x2000x128xf32>
    %get3A_11 = vector.shape_cast %get3A_10 : vector<1x2000x128xf32> to vector<2000x128xf32>
    %add3A_12 = arith.addf %add3A, %get3A_11 : vector<2000x128xf32>
    %get3A_13 = arith.constant 0 : index
    %get3A_14 = arith.constant 0 : index
    %get3A_15 = arith.constant 0 : index
    %get3A_16 = vector.load %arg3[%get3A_13, %get3A_14, %get3A_15] : memref<2x2000x128xf32, #tpu.memory_space<vmem>>, vector<1x2000x128xf32>
    %get3A_17 = vector.shape_cast %get3A_16 : vector<1x2000x128xf32> to vector<2000x128xf32>
    %get3A_18 = arith.constant 1 : index
    %get3A_19 = arith.constant 0 : index
    %get3A_20 = arith.constant 0 : index
    %get3A_21 = vector.load %arg3[%get3A_18, %get3A_19, %get3A_20] : memref<2x2000x128xf32, #tpu.memory_space<vmem>>, vector<1x2000x128xf32>
    %get3A_22 = vector.shape_cast %get3A_21 : vector<1x2000x128xf32> to vector<2000x128xf32>
    %add3A_23 = arith.addf %get3A_17, %get3A_22 : vector<2000x128xf32>
    %get3A_24 = arith.constant 0 : index
    %get3A_25 = arith.constant 0 : index
    %get3A_26 = vector.load %arg4[%get3A_24, %get3A_25] : memref<128x128xf32, #tpu.memory_space<vmem>>, vector<128x128xf32>
    %dot_general3A = arith.constant dense<0.000000e+00> : vector<2000x128xf32>
    %dot_general3A_27 = tpu.matmul %add3A_23, %get3A_26, %dot_general3A {dimension_numbers = #tpu.dot_dimension_numbers<[1], [0], [0], [1], [0, 0, 1, 1], [], []>, transpose_lhs_hint = false} : vector<2000x128xf32>, vector<128x128xf32>, vector<2000x128xf32> -> vector<2000x128xf32>
    %add3A_28 = arith.addf %add3A_12, %dot_general3A_27 : vector<2000x128xf32>
    %get3A_29 = arith.constant 0 : index
    %get3A_30 = arith.constant 0 : index
    %get3A_31 = vector.load %arg5[%get3A_29, %get3A_30] : memref<1x128xf32, #tpu.memory_space<vmem>>, vector<1x128xf32>
    %add3A_32 = vector.broadcast %get3A_31 : vector<1x128xf32> to vector<2000x128xf32>
    %add3A_33 = arith.addf %add3A_28, %add3A_32 : vector<2000x128xf32>
    %swap3A = arith.constant 0 : index
    %swap3A_34 = arith.constant 0 : index
    %swap3A_35 = vector.load %arg6[%swap3A, %swap3A_34] : memref<2000x128xf32, #tpu.memory_space<vmem>>, vector<2000x128xf32>
    tpu.vector_store %arg6[%swap3A, %swap3A_34], %add3A_33 {strides = array<i32>} : memref<2000x128xf32, #tpu.memory_space<vmem>>, vector<2000x128xf32>,
    return
  }
  func.func @transform_0(%arg0: i32) -> (i32, i32) {
    %c0_i32 = arith.constant 0 : i32
    %c0_i32_0 = arith.constant 0 : i32
    return %arg0, %c0_i32 : i32, i32
  }
  func.func @transform_1(%arg0: i32) -> (i32, i32, i32) {
    %c0_i32 = arith.constant 0 : i32
    %c0_i32_0 = arith.constant 0 : i32
    %c0_i32_1 = arith.constant 0 : i32
    return %c0_i32, %arg0, %c0_i32_0 : i32, i32, i32
  }
  func.func @transform_2(%arg0: i32) -> (i32, i32, i32) {
    %c0_i32 = arith.constant 0 : i32
    %c0_i32_0 = arith.constant 0 : i32
    %c0_i32_1 = arith.constant 0 : i32
    return %c0_i32, %arg0, %c0_i32_0 : i32, i32, i32
  }
  func.func @transform_3(%arg0: i32) -> (i32, i32) {
    %c0_i32 = arith.constant 0 : i32
    %c0_i32_0 = arith.constant 0 : i32
    %c0_i32_1 = arith.constant 0 : i32
    return %c0_i32, %c0_i32_0 : i32, i32
  }
  func.func @transform_4(%arg0: i32) -> (i32, i32) {
    %c0_i32 = arith.constant 0 : i32
    %c0_i32_0 = arith.constant 0 : i32
    %c0_i32_1 = arith.constant 0 : i32
    return %c0_i32, %c0_i32_0 : i32, i32
  }
  func.func @transform_5(%arg0: i32) -> (i32, i32) {
    %c0_i32 = arith.constant 0 : i32
    %c0_i32_0 = arith.constant 0 : i32
    return %arg0, %c0_i32 : i32, i32
  }
}

</mosaic_0001>

<sc_bundles>
// kernel: kernel.10.cloned.1.call-start
scs
__scs_entry_jumppad:
0x0: {  	(pc) =	sbr.rel $0x88, $3  }
0x1: {  	(tag) =	ssettag $0x0;
	lr =	simm.s32 $0x1  }
0x2: {  	[smem:$0x3F92] =	sst lr;
	_ =	strace $0xD0000000  }
0x3: {  	_ = 	snop  }
0x4: {  	_ = 	snop  }
0x5: {  	_ = 	snop  }
0x6: {  	_ = 	snop  }
0x7: {  	_ = 	snop  }
__scs_overlays_trampoline_lowered:
0x8: {  	[smem:$0x3FA1] =	sst s0  }
0x9: {  	[smem:$0x3FA2] =	sst s1  }
0xa: {  	[smem:$0x3FA3] =	sst s2  }
0xb: {  	[smem:$0x3FA4] =	sst s3  }
0xc: {  	[smem:$0x3FA5] =	sst s4  }
0xd: {  	[smem:$0x3FA6] =	sst s5  }
0xe: {  	[smem:$0x3FA7] =	sst s6  }
0xf: {  	[smem:$0x3FA8] =	sst s7  }
0x10: {  	[smem:$0x3FA9] =	sst s8  }
0x11: {  	[smem:$0x3FAA] =	sst s9;
	s0 =	simm.s32 @!p0 $0x0  }
0x12: {  	s1 =	sld [smem:$0x3F90];
	s0 =	simm.s32 @p0 $0x1  }
0x13: {  	[smem:$0x3FAB] =	sst s0;
	s0 =	simm.s32 @!p1 $0x0  }
0x14: {  	s2 =	sld [smem:$0x3F8F];
	s0 =	simm.s32 @p1 $0x1  }
0x15: {  	[smem:$0x3FAC] =	sst s0;
	s0 =	simm.s32 @!p2 $0x0  }
0x16: {  	s3 =	sld [smem:$0x3FDB];
	s0 =	simm.s32 @p2 $0x1  }
0x17: {  	s4 =	simm.s32 $0x1BF5;
	[smem:$0x3FAE] =	sst s0  }
0x18: {  	s0 =	sld [smem:$0x3F91];
	_ =	swait.ge [sflag:s4], $0x0  }
0x19: {  	s7 =	sld [smem:$0x3F92]  }
0x1a: {  	s8 =	sadd.s32 $0xFFFFE003, lr  }
0x1b: {  	s9 =	sadd.s32 $0xFFFFFEF7, lr;
	s5 =	simm.s32 $0xFFFFFFFF;
	p2 =	slt.u32 s8, $0xFFFFF086  }
0x1c: {  	p1 =	slt.u32 s9, $0xF7A;
	s5 =	simm.s32 @!p2 $0x0  }
0x1d: {  	s5 =	simm.s32 @p1 $0x1;
	p0 =	seq.s32 s7, s2  }
0x1e: {  	s7 =	smul.u32 @!p0 $0xF7A, s2;
	p2 =	seq.s32 @!p0 s5, $0x0  }
0x1f: {  	s9 =	smul.u32 $0xF7A, s1;
	s8 =	simm.s32 @!p0 $0x1BF5;
	p2 =	por !p2, p0  }
0x20: {  	[sflag:s8] =	ssyncset.s32 @!p0 $0xFFFFF086;
	s6 =	sadd.s32 @!p0 s3, s7;
	s7 =	simm.s32 @!p0 $0x108  }
0x21: {  	s3 =	sadd.s32 s3, s9;
	s6 =	sadd.s32 @!p0 $0x88, s6;
	s7 =	simm.s32 @p2 $0x1082  }
0x22: {  	[simem:s7], [sflag:s8] =	dma.local @!p0 [hbm:s6], $0xF7A  }
0x23: {  	s9 =	sor.u32 $0xD0000000, s2;
	s6 =	simm.s32 $0x108;
	_ =	swait.ge @!p0 [sflag:s8], $0x0  }
0x24: {  	s3 =	sadd.s32 $0x88, s3;
	s6 =	simm.s32 @!p1 $0x1082;
	[sflag:s4] =	ssyncset.s32 $0xFFFFF086  }
0x25: {  	[simem:s6], [sflag:s4] =	dma.local [hbm:s3], $0xF7A  }
0x26: {  	[smem:$0x3F92] =	sst s1;
	(tag) =	ssettag s2;
	_ =	strace s9  }
0x27: {  	s1 =	sld [smem:$0x3FA2]  }
0x28: {  	s2 =	sld [smem:$0x3FA3]  }
0x29: {  	s4 =	sld [smem:$0x3FA5]  }
0x2a: {  	p0 =	seq.s32 s5, $0x0;
	s5 =	sld [smem:$0x3FA6]  }
0x2b: {  	s6 =	sld [smem:$0x3FA7]  }
0x2c: {  	s7 =	sld [smem:$0x3FA8]  }
0x2d: {  	s3 =	simm.s32 $0x108;
	s8 =	sld [smem:$0x3FA9]  }
0x2e: {  	s3 =	simm.s32 @!p0 $0x1082;
	s9 =	sld [smem:$0x3FAA]  }
0x2f: {  	lr =	sadd.s32 s0, s3;
	s0 =	sld [smem:$0x3FA1]  }
0x30: {  	s3 =	sld [smem:$0x3FA4]  }
0x31: {  	[smem:$0x3FAD] =	sst s10  }
0x32: {  	s10 =	sld [smem:$0x3FAB];
	_ =	sdelay $0x3  }
0x33: {  	p0 =	seq.s32 s10, $0x1;
	s10 =	sld [smem:$0x3FAD];
	_ =	sdelay $0x3  }
0x34: {  	[smem:$0x3FAD] =	sst s10  }
0x35: {  	s10 =	sld [smem:$0x3FAC];
	_ =	sdelay $0x3  }
0x36: {  	p1 =	seq.s32 s10, $0x1;
	s10 =	sld [smem:$0x3FAD];
	_ =	sdelay $0x3  }
0x37: {  	[smem:$0x3FAD] =	sst s10  }
0x38: {  	s10 =	sld [smem:$0x3FAE]  }
0x39: {  	_ = 	snop;
	(pc) =	sbr.ind lr, $3  }
0x3a: {  	_ = 	snop  }
0x3b: {  	_ = 	snop  }
0x3c: {  	p2 =	seq.s32 s10, $0x1;
	s10 =	sld [smem:$0x3FAD]  }
0x3d: {  	_ =	shalt  }
0x3e: {  	_ =	shalt  }
0x3f: {  	_ =	shalt  }
0x40: {  	_ =	shalt  }
0x41: {  	_ =	shalt  }
0x42: {  	_ =	shalt  }
0x43: {  	_ =	shalt  }
0x44: {  	_ =	shalt  }
0x45: {  	_ =	shalt  }
0x46: {  	_ =	shalt  }
0x47: {  	_ =	shalt  }
0x48: {  	_ =	shalt  }
0x49: {  	_ =	shalt  }
0x4a: {  	_ =	shalt  }
0x4b: {  	_ =	shalt  }
0x4c: {  	_ =	shalt  }
0x4d: {  	_ =	shalt  }
0x4e: {  	_ =	shalt  }
0x4f: {  	_ =	shalt  }
0x50: {  	_ =	shalt  }
0x51: {  	_ =	shalt  }
0x52: {  	_ =	shalt  }
0x53: {  	_ =	shalt  }
0x54: {  	_ =	shalt  }
0x55: {  	_ =	shalt  }
0x56: {  	_ =	shalt  }
0x57: {  	_ =	shalt  }
0x58: {  	_ =	shalt  }
0x59: {  	_ =	shalt  }
0x5a: {  	_ =	shalt  }
0x5b: {  	_ =	shalt  }
0x5c: {  	_ =	shalt  }
0x5d: {  	_ =	shalt  }
0x5e: {  	_ =	shalt  }
0x5f: {  	_ =	shalt  }
0x60: {  	_ =	shalt  }
0x61: {  	_ =	shalt  }
0x62: {  	_ =	shalt  }
0x63: {  	_ =	shalt  }
0x64: {  	_ =	shalt  }
0x65: {  	_ =	shalt  }
0x66: {  	_ =	shalt  }
0x67: {  	_ =	shalt  }
0x68: {  	_ =	shalt  }
0x69: {  	_ =	shalt  }
0x6a: {  	_ =	shalt  }
0x6b: {  	_ =	shalt  }
0x6c: {  	_ =	shalt  }
0x6d: {  	_ =	shalt  }
0x6e: {  	_ =	shalt  }
0x6f: {  	_ =	shalt  }
0x70: {  	_ =	shalt  }
0x71: {  	_ =	shalt  }
0x72: {  	_ =	shalt  }
0x73: {  	_ =	shalt  }
0x74: {  	_ =	shalt  }
0x75: {  	_ =	shalt  }
0x76: {  	_ =	shalt  }
0x77: {  	_ =	shalt  }
0x78: {  	_ =	shalt  }
0x79: {  	_ =	shalt  }
0x7a: {  	_ =	shalt  }
0x7b: {  	_ =	shalt  }
0x7c: {  	_ =	shalt  }
0x7d: {  	_ =	shalt  }
0x7e: {  	_ =	shalt  }
0x7f: {  	_ =	shalt  }
0x80: {  	_ =	shalt  }
0x81: {  	_ =	shalt  }
0x82: {  	_ =	shalt  }
0x83: {  	_ =	shalt  }
0x84: {  	_ =	shalt  }
0x85: {  	_ =	shalt  }
0x86: {  	_ =	shalt  }
0x87: {  	_ =	shalt  }
.Lfunc_end0:
.L_simem_size_0:
called_computation_lowered:
.L_overlay_start_0:
0x88: {  	s2 =	sld [smem:$0x3FD9]  }
0x89: {  	s3 =	sld [smem:$0x3FFE];
	_ =	sdelay $0x1  }
0x8a: {  	s1 =	srdreg.scid  }
0x8b: {  	s0 =	sand.u32 $0x1, s1  }
0x8c: {  	s16 =	sshll.u32 s0, $0xA;
	s2 =	sadd.s32 s3, s2  }
0x8d: {  	s2 =	sadd.s32 s2, s16  }
0x8e: {  	[smem:$0x3FB9] =	sst s2  }
0x8f: {  	_ = 	snop  }
0x90: {  	(tm) =	ssettm $0x1  }
0x91: {  	s17 =	sld [smem:$0x3FFB];
	_ =	sdelay $0x3  }
0x92: {  	_ =	strace s17  }
0x93: {  	s2 =	sld [smem:$0x3FFC];
	_ =	sdelay $0x3  }
0x94: {  	_ =	strace s2  }
0x95: {  	s2 =	sld [smem:$0x3FFD];
	_ =	sdelay $0x3  }
0x96: {  	_ =	strace s2  }
0x97: {  	_ =	strace $0x8FFFFFFF  }
0x98: {  	s18 =	sld [smem:$0x3FDB];
	_ =	sdelay $0x1  }
0x99: {  	s19 =	simm.s32 $_scs_section_size  }
0x9a: {  	s4 =	simm.s32 $_size__tile_overlayer_lowered;
	s5 =	simm.s32 $_tile_overlayer_lowered  }
0x9b: {  	s22 =	simm.s32 $0x1BFF;
	s21 =	sshll.u32 s5, $0x1;
	s2 =	sadd.s32 s19, s18  }
0x9c: {  	s6 =	simm.s32 $0x0;
	s20 =	sshll.u32 s4, $0x1;
	s4 =	sadd.s32 s21, s2  }
0x9d: {  	[timem:s6], [sflag:s22] =	dma.local [hbm:s4], s20  }
0x9e: {  	_ =	swait.ge [sflag:s22], s20  }
0x9f: {  	s3 =	ssub.s32 $0x0, s20;
	[sflag:s22] =	ssyncset.done $0x0  }
0xa0: {  	[sflag:s22] =	ssyncadd.s32 s3;
	_ =	sdelay $0x1  }
0xa1: {  	s23 =	simm.s32 $0x1B8B  }
0xa2: {  	_ =	swait.ge [sflag:s23], $0x1  }
0xa3: {  	[sflag:s23] =	ssyncset.done $0x0  }
0xa4: {  	s25 =	simm.s32 $0x1B8E;
	s24 =	sld [smem:$0x3FFE];
	[sflag:s23] =	ssyncadd.s32 $0xFFFFFFFF  }
0xa5: {  	s26 =	simm.s32 $execute0_lowered;
	[smem:$0x3FD2] =	sst s25  }
0xa6: {  	s4 =	sshll.u32 s26, $0x1;
	_ =	strace $0x80000046;
	[dreg:$0x1] =	wrdreg $0xFFFFFFFF  }
0xa7: {  	s28 =	simm.s32 $_size_execute0_lowered;
	s2 =	sadd.s32 s2, s4;
	[dreg:$0x0] =	wrdreg $0x0  }
0xa8: {  	s4 =	sshll.u32 s28, $0x1;
	[dreg:$0x2] =	wrdreg s2  }
0xa9: {  	[dreg:$0x3] =	wrdreg s4  }
0xaa: {  	[dreg:$0x4] =	wrdreg $0xC0  }
0xab: {  	_ =	task [dreg:s6], $0x5FFFF  }
0xac: {  	[dreg:$0x1] =	wrdreg $0xFFFFFFFF  }
0xad: {  	[dreg:$0x0] =	wrdreg $0x60  }
0xae: {  	[dreg:$0x2] =	wrdreg s24  }
0xaf: {  	[dreg:$0x3] =	wrdreg $0xA8000  }
0xb0: {  	[dreg:$0x4] =	wrdreg $0x9  }
0xb1: {  	_ =	task.clear_ibuf [dreg:s6], $0x5FFFF;
	_ =	strace $0x90000046  }
0xb2: {  	s29 =	simm.s32 $0x9;
	_ =	strace $0x80000048  }
0xb3: {  	_ =	swait.ge [sflag:s29], $0x1  }
0xb4: {  	[sflag:s29] =	ssyncadd.s32 $0xFFFFFFFF  }
0xb5: {  	_ =	strace $0x90000048  }
0xb6: {  	_ =	sfence  }
0xb7: {  	s30 =	sld [smem:$0x0];
	_ =	sdelay $0x2  }
0xb8: {  	s31 =	sshll.u32 s1, $0xD;
	s1 =	sshrl.u32 s1, $0x2  }
0xb9: {  	s3 =	sand.u32 $0x4000, s31;
	s1 =	sadd.s32 s1, s30  }
0xba: {  	s0 =	sor.u32 s3, s0;
	s1 =	sshll.u32 s1, $0x11  }
0xbb: {  	s0 =	sor.u32 s1, s0  }
0xbc: {  	s0 =	sadd.s32 $0x8F2B, s0  }
0xbd: {  	[sflag:s0] =	ssyncadd.remote.s32 $0x1  }
0xbe: {  	_ =	sfence.sel $0xFFFF  }
0xbf: {  	[dreg:$0x0] =	wrdreg $0xFFFFFFFF;
	(pc) =	sbr.abs _section_cstart, $3  }
0xc0: {  	[dreg:$0x1] =	wrdreg $0xFFFFFFFF  }
0xc1: {  	_ =	task.clear_ibuf [dreg:s6], $0x2FFFF;
	_ =	strace $0x9FFFFFFF  }
0xc2: {  	(tm) =	ssettm $0x7FFFFFFF  }
0xc3: {  	_ =	shalt  }
tec
execute0_lowered:
.L_overlay_start_1:
0x0: {  	(tag) =	ssettag $0x1  }
0x1: {  	s5 =	rddreg [dreg:$0x0]  }
0x2: {  	s2 =	rddreg [dreg:$0x1]  }
0x3: {  	s0 =	rddreg [dreg:$0x2]  }
0x4: {  	s1 =	stileid.u32;
	s4 =	srdreg.scid  }
0x5: {  	s3 =	simm.s32 $0x0;
	s15 =	simm.s32 $0x1400;
	s16 =	simm.s32 $0x80  }
0x6: {  	s17 =	simm.s32 $0x2800;
	s18 =	simm.s32 $0x1;
	s19 =	simm.s32 $0x6800  }
0x7: {  	s20 =	simm.s32 $0x2;
	s21 =	simm.s32 $0x1480;
	s22 =	simm.s32 $0x3  }
0x8: {  	s23 =	simm.s32 $0x100;
	s6 =	smul.u32 $0x13C00, s1;
	s7 =	sand.u32 $0x1, s4  }
0x9: {  	[smem:$0x7FF] =	sst s3;
	s4 =	sadd.s32 $0x18A00, s5;
	s11 =	sadd.s32 $0x4A00, s5  }
0xa: {  	s12 =	sadd.s32 $0xEA00, s5;
	s13 =	smul.u32 $0x4F000, s1;
	s29 =	sshll.u32 s1, $0x6  }
0xb: {  	s8 =	smul.u32 $0x13C000, s7;
	_ =	strace $0x80000047;
	s25 =	ssub.s32 $0x2, s7  }
0xc: {  	s7 =	sshll.u32 s7, $0x4;
	s9 =	sshrl.u32 s6, $0x3;
	s10 =	sshrl.u32 s25, $0x1  }
0xd: {  	s26 =	sor.u32 s1, s7;
	s28 =	sshrl.u32 s13, $0x2;
	s6 =	sadd.s32 s6, s8  }
0xe: {  	s24 =	sadd.s32 s9, s5;
	s9 =	ssub.s32 s25, s10;
	s30 =	smul.u32 $0x2800, s26  }
0xf: {  	s13 =	sadd.s32 s28, s2;
	s25 =	simm.s32 $0x0;
	s6 =	sshrl.u32 s6, $0x3  }
.Ltmp0:
0x10: {  	s8 =	smax.u32 s9, $0x1;
	s13 =	sshrl.u32 s13, $0x3;
	(pc) =	sbr.rel .LBB2_1-.Ltmp0, $4  }
0x11: {  	s14 =	sadd.s32 s6, s5;
	s5 =	sadd.s32 $0x3FC00, s24;
	s6 =	sor.u32 $0x1C05, s29  }
0x12: {  	s31 =	sshrl.u32 s30, $0x3;
	s24 =	simm.s32 $0x4;
	s7 =	sadd.s32 $0x67400, s14  }
0x13: {  	s9 =	sadd.s32 s11, s31;
	s10 =	sadd.s32 s12, s31;
	s14 =	sadd.s32 $0x280, s31  }
0x14: {  	s11 =	sadd.s32 s11, s14;
	s12 =	sadd.s32 s12, s14;
	s14 =	simm.s32 $0x5  }
.LBB2_7:
0x15: {  	_ =	swait.ge [sflag:s24], $0x4000  }
0x16: {  	s25 =	sadd.s32 $0x1, s25;
	[sflag:s24] =	ssyncset.done $0x0  }
0x17: {  	p0 =	sne.s32 s25, s8;
	[sflag:s24] =	ssyncadd.s32 $0xFFFFC000  }
.Ltmp1:
0x18: {  	[bflag:$0x0] =	sbarrier.arrive $0xFFFF;
	(pc) =	sbr.rel @!p0 .LBB2_8-.Ltmp1, $4  }
0x19: {  	[hbm:s7], [sflag:s6] =	dma.local [spmem:s13], $0x2780  }
0x1a: {  	_ =	swait.ge [sflag:s14], $0x2780  }
0x1b: {  	[sflag:s14] =	ssyncset.done $0x0  }
0x1c: {  	[sflag:s14] =	ssyncadd.s32 $0xFFFFD880  }
.LBB2_1:
0x1d: {  	[spmem:s13], [sflag:s6] =	dma.local [hbm:s5], $0x2780  }
0x1e: {  	_ =	swait.ge [sflag:s14], $0x2780  }
0x1f: {  	[sflag:s14] =	ssyncset.done $0x0  }
0x20: {  	[sflag:s14] =	ssyncadd.s32 $0xFFFFD880  }
0x21: {  	[bflag:$0x0] =	sbarrier.arrive $0xFFFF  }
0x22: {  	[tilespmem:s3], [sflag:$0x5] =	stream.linear.gather [hbm4b:s9+s3], $0x1400, $0x38;
	[tilespmem:$0x1E400] =	vst v63  }
0x23: {  	_ =	swait.ge [sflag:s14], $0x1400  }
0x24: {  	[sflag:s14] =	ssyncset.done $0x0  }
0x25: {  	[sflag:s14] =	ssyncadd.s32 $0xFFFFEC00  }
0x26: {  	[tilespmem:s15], [sflag:$0x5] =	stream.linear.gather [hbm4b:s10+s3], $0x1400, $0x38;
	[tilespmem:$0x1E400] =	vst v63  }
0x27: {  	_ =	swait.ge [sflag:s14], $0x1400  }
0x28: {  	[sflag:s14] =	ssyncset.done $0x0  }
0x29: {  	[sflag:s14] =	ssyncadd.s32 $0xFFFFEC00  }
0x2a: {  	[tilespmem:s17], [sflag:$0x1] =	stream.indirect.gather [hbm4b:s4+s16], $0x80, s3, s16, $0xb8;
	[tilespmem:$0x1E400] =	vst v63  }
0x2b: {  	_ =	swait.ge [sflag:s18], $0x4000  }
0x2c: {  	[sflag:s18] =	ssyncset.done $0x0  }
0x2d: {  	[sflag:s18] =	ssyncadd.s32 $0xFFFFC000  }
0x2e: {  	[spmem:s2] =	stream.indirect.scatter.add.f32 [tilespmem:s17], [sflag:$0x3], $0x80, s15, s16, $0xb8;
	[tilespmem:$0x1E400] =	vst v63  }
0x2f: {  	_ = 	snop  }
0x30: {  	[tilespmem:s19], [sflag:$0x2] =	stream.indirect.gather [hbm4b:s4+s16], $0x80, s16, s16, $0xb8;
	[tilespmem:$0x1E400] =	vst v63  }
0x31: {  	_ =	swait.ge [sflag:s20], $0x4000  }
0x32: {  	[sflag:s20] =	ssyncset.done $0x0  }
0x33: {  	[sflag:s20] =	ssyncadd.s32 $0xFFFFC000  }
0x34: {  	[spmem:s2] =	stream.indirect.scatter.add.f32 [tilespmem:s19], [sflag:$0x4], $0x80, s21, s16, $0xb8;
	[tilespmem:$0x1E400] =	vst v63  }
0x35: {  	_ =	swait.ge [sflag:s22], $0x4000  }
0x36: {  	[sflag:s22] =	ssyncset.done $0x0  }
0x37: {  	s26 =	simm.s32 $0xFFFFB800;
	[sflag:s22] =	ssyncadd.s32 $0xFFFFC000  }
0x38: {  	[tilespmem:s17], [sflag:$0x1] =	stream.indirect.gather [hbm4b:s4+s16], $0x80, s23, s16, $0xb8;
	[tilespmem:$0x1E400] =	vst v63  }
.LBB2_2:
0x39: {  	_ =	swait.ge [sflag:s18], $0x4000  }
0x3a: {  	s28 =	sshra.s32 s26, $0x2;
	[sflag:s18] =	ssyncset.done $0x0  }
0x3b: {  	s29 =	sadd.s32 $0x2700, s28;
	[sflag:s18] =	ssyncadd.s32 $0xFFFFC000  }
0x3c: {  	[spmem:s2] =	stream.indirect.scatter.add.f32 [tilespmem:s17], [sflag:$0x3], $0x80, s29, s16, $0xb8;
	[tilespmem:$0x1E400] =	vst v63  }
0x3d: {  	_ =	swait.ge [sflag:s24], $0x4000  }
0x3e: {  	[sflag:s24] =	ssyncset.done $0x0  }
0x3f: {  	s30 =	sadd.s32 $0x1380, s28;
	[sflag:s24] =	ssyncadd.s32 $0xFFFFC000  }
0x40: {  	[tilespmem:s19], [sflag:$0x2] =	stream.indirect.gather [hbm4b:s4+s16], $0x80, s30, s16, $0xb8;
	[tilespmem:$0x1E400] =	vst v63  }
0x41: {  	_ =	swait.ge [sflag:s20], $0x4000  }
0x42: {  	p0 =	seq.s32 s26, $0x0;
	[sflag:s20] =	ssyncset.done $0x0  }
.Ltmp2:
0x43: {  	s31 =	sadd.s32 $0x2780, s28;
	[sflag:s20] =	ssyncadd.s32 $0xFFFFC000;
	(pc) =	sbr.rel @p0 .LBB2_4-.Ltmp2, $4  }
0x44: {  	[spmem:s2] =	stream.indirect.scatter.add.f32 [tilespmem:s19], [sflag:$0x4], $0x80, s31, s16, $0xb8;
	[tilespmem:$0x1E400] =	vst v63  }
0x45: {  	_ =	swait.ge [sflag:s22], $0x4000  }
0x46: {  	[sflag:s22] =	ssyncset.done $0x0  }
0x47: {  	[sflag:s22] =	ssyncadd.s32 $0xFFFFC000  }
.Ltmp3:
0x48: {  	(pc) =	sbr.rel .LBB2_2-.Ltmp3, $3  }
0x49: {  	_ =	sdelay $0x1  }
0x4a: {  	s28 =	sadd.s32 $0x1400, s28;
	s26 =	sadd.s32 $0x400, s26  }
0x4b: {  	[tilespmem:s17], [sflag:$0x1] =	stream.indirect.gather [hbm4b:s4+s16], $0x80, s28, s16, $0xb8;
	[tilespmem:$0x1E400] =	vst v63  }
.LBB2_4:
0x4c: {  	_ =	swait.ge [sflag:s24], $0x4000  }
0x4d: {  	[sflag:s24] =	ssyncset.done $0x0  }
0x4e: {  	[sflag:s24] =	ssyncadd.s32 $0xFFFFC000  }
0x4f: {  	[tilespmem:s3], [sflag:$0x5] =	stream.linear.gather [hbm4b:s11+s3], $0x1400, $0x38;
	[tilespmem:$0x1E400] =	vst v63  }
0x50: {  	_ =	swait.ge [sflag:s14], $0x1400  }
0x51: {  	[sflag:s14] =	ssyncset.done $0x0  }
0x52: {  	[sflag:s14] =	ssyncadd.s32 $0xFFFFEC00  }
0x53: {  	[tilespmem:s15], [sflag:$0x5] =	stream.linear.gather [hbm4b:s12+s3], $0x1400, $0x38;
	[tilespmem:$0x1E400] =	vst v63  }
0x54: {  	_ =	swait.ge [sflag:s14], $0x1400  }
0x55: {  	[sflag:s14] =	ssyncset.done $0x0  }
0x56: {  	[sflag:s14] =	ssyncadd.s32 $0xFFFFEC00  }
0x57: {  	[tilespmem:s17], [sflag:$0x1] =	stream.indirect.gather [hbm4b:s4+s16], $0x80, s3, s16, $0xb8;
	[tilespmem:$0x1E400] =	vst v63  }
0x58: {  	_ =	swait.ge [sflag:s18], $0x4000  }
0x59: {  	[sflag:s18] =	ssyncset.done $0x0  }
0x5a: {  	[sflag:s18] =	ssyncadd.s32 $0xFFFFC000  }
0x5b: {  	[spmem:s2] =	stream.indirect.scatter.add.f32 [tilespmem:s17], [sflag:$0x3], $0x80, s15, s16, $0xb8;
	[tilespmem:$0x1E400] =	vst v63  }
0x5c: {  	_ = 	snop  }
0x5d: {  	[tilespmem:s19], [sflag:$0x2] =	stream.indirect.gather [hbm4b:s4+s16], $0x80, s16, s16, $0xb8;
	[tilespmem:$0x1E400] =	vst v63  }
0x5e: {  	_ =	swait.ge [sflag:s20], $0x4000  }
0x5f: {  	[sflag:s20] =	ssyncset.done $0x0  }
0x60: {  	[sflag:s20] =	ssyncadd.s32 $0xFFFFC000  }
0x61: {  	[spmem:s2] =	stream.indirect.scatter.add.f32 [tilespmem:s19], [sflag:$0x4], $0x80, s21, s16, $0xb8;
	[tilespmem:$0x1E400] =	vst v63  }
0x62: {  	_ =	swait.ge [sflag:s22], $0x4000  }
0x63: {  	[sflag:s22] =	ssyncset.done $0x0  }
0x64: {  	s26 =	simm.s32 $0xFFFFB800;
	[sflag:s22] =	ssyncadd.s32 $0xFFFFC000  }
0x65: {  	[tilespmem:s17], [sflag:$0x1] =	stream.indirect.gather [hbm4b:s4+s16], $0x80, s23, s16, $0xb8;
	[tilespmem:$0x1E400] =	vst v63  }
.LBB2_5:
0x66: {  	_ =	swait.ge [sflag:s18], $0x4000  }
0x67: {  	s28 =	sshra.s32 s26, $0x2;
	[sflag:s18] =	ssyncset.done $0x0  }
0x68: {  	s29 =	sadd.s32 $0x2700, s28;
	[sflag:s18] =	ssyncadd.s32 $0xFFFFC000  }
0x69: {  	[spmem:s2] =	stream.indirect.scatter.add.f32 [tilespmem:s17], [sflag:$0x3], $0x80, s29, s16, $0xb8;
	[tilespmem:$0x1E400] =	vst v63  }
0x6a: {  	_ =	swait.ge [sflag:s24], $0x4000  }
0x6b: {  	[sflag:s24] =	ssyncset.done $0x0  }
0x6c: {  	s30 =	sadd.s32 $0x1380, s28;
	[sflag:s24] =	ssyncadd.s32 $0xFFFFC000  }
0x6d: {  	[tilespmem:s19], [sflag:$0x2] =	stream.indirect.gather [hbm4b:s4+s16], $0x80, s30, s16, $0xb8;
	[tilespmem:$0x1E400] =	vst v63  }
0x6e: {  	_ =	swait.ge [sflag:s20], $0x4000  }
0x6f: {  	p0 =	seq.s32 s26, $0x0;
	[sflag:s20] =	ssyncset.done $0x0  }
.Ltmp4:
0x70: {  	s31 =	sadd.s32 $0x2780, s28;
	[sflag:s20] =	ssyncadd.s32 $0xFFFFC000;
	(pc) =	sbr.rel @p0 .LBB2_7-.Ltmp4, $4  }
0x71: {  	[spmem:s2] =	stream.indirect.scatter.add.f32 [tilespmem:s19], [sflag:$0x4], $0x80, s31, s16, $0xb8;
	[tilespmem:$0x1E400] =	vst v63  }
0x72: {  	_ =	swait.ge [sflag:s22], $0x4000  }
0x73: {  	[sflag:s22] =	ssyncset.done $0x0  }
0x74: {  	[sflag:s22] =	ssyncadd.s32 $0xFFFFC000  }
.Ltmp5:
0x75: {  	(pc) =	sbr.rel .LBB2_5-.Ltmp5, $3  }
0x76: {  	_ =	sdelay $0x1  }
0x77: {  	s28 =	sadd.s32 $0x1400, s28;
	s26 =	sadd.s32 $0x400, s26  }
0x78: {  	[tilespmem:s17], [sflag:$0x1] =	stream.indirect.gather [hbm4b:s4+s16], $0x80, s28, s16, $0xb8;
	[tilespmem:$0x1E400] =	vst v63  }
.LBB2_8:
0x79: {  	_ =	sfence.sel $0x180000  }
0x7a: {  	[bflag:$0x0] =	sbarrier.arrive $0xFFFF  }
0x7b: {  	p0 =	sne.s32 s1, $0x0;
	_ =	strace $0x90000047  }
0x7c: {  	s0 =	sadd.s32 @!p0 $0x100000, s0;
	[bflag:$0x2] =	sbarrier.arrive $0xFFFF  }
0x7d: {  	[sflag:s0] =	ssyncadd.tile.s32 @!p0 $0x1;
	_ =	shalt  }
.Lfunc_end2:
_tile_overlayer_lowered:
.L_overlay_start_2:
0x7e: {  	(tag) =	ssettag $0x2  }
0x7f: {  	s0 =	rddreg [dreg:$0x0];
	s2 =	stileid.u32  }
0x80: {  	s1 =	rddreg [dreg:$0x1];
	p0 =	sne.s32 s2, $0x0  }
0x81: {  	s3 =	rddreg [dreg:$0x2];
	[bflag:$0x3] =	sbarrier.arrive $0xFFFF;
	s2 =	simm.s32 @!p0 $0x1C05  }
0x82: {  	[timem:s3], [sflag:s2] =	dma.local @!p0 [hbm:s0], s1  }
0x83: {  	s0 =	simm.s32 @!p0 $0x5  }
0x84: {  	_ =	swait.ge @!p0 [sflag:s0], s1  }
0x85: {  	s1 =	ssub.s32 @!p0 $0x0, s1;
	[sflag:s0] =	ssyncset.done @!p0 $0x0  }
0x86: {  	[sflag:s0] =	ssyncadd.s32 @!p0 s1  }
0x87: {  	[bflag:$0x3] =	sbarrier.arrive $0xFFFF  }
0x88: {  	_ =	shalt  }

// kernel: kernel.13.cloned.1.call-start
scs
__scs_entry_jumppad:
0x0: {  	(pc) =	sbr.rel $0x88, $3  }
0x1: {  	(tag) =	ssettag $0x0;
	lr =	simm.s32 $0x1  }
0x2: {  	[smem:$0x3F92] =	sst lr;
	_ =	strace $0xD0000000  }
0x3: {  	_ = 	snop  }
0x4: {  	_ = 	snop  }
0x5: {  	_ = 	snop  }
0x6: {  	_ = 	snop  }
0x7: {  	_ = 	snop  }
__scs_overlays_trampoline_lowered:
0x8: {  	[smem:$0x3FA1] =	sst s0  }
0x9: {  	[smem:$0x3FA2] =	sst s1  }
0xa: {  	[smem:$0x3FA3] =	sst s2  }
0xb: {  	[smem:$0x3FA4] =	sst s3  }
0xc: {  	[smem:$0x3FA5] =	sst s4  }
0xd: {  	[smem:$0x3FA6] =	sst s5  }
0xe: {  	[smem:$0x3FA7] =	sst s6  }
0xf: {  	[smem:$0x3FA8] =	sst s7  }
0x10: {  	[smem:$0x3FA9] =	sst s8  }
0x11: {  	[smem:$0x3FAA] =	sst s9;
	s0 =	simm.s32 @!p0 $0x0  }
0x12: {  	s1 =	sld [smem:$0x3F90];
	s0 =	simm.s32 @p0 $0x1  }
0x13: {  	[smem:$0x3FAB] =	sst s0;
	s0 =	simm.s32 @!p1 $0x0  }
0x14: {  	s2 =	sld [smem:$0x3F8F];
	s0 =	simm.s32 @p1 $0x1  }
0x15: {  	[smem:$0x3FAC] =	sst s0;
	s0 =	simm.s32 @!p2 $0x0  }
0x16: {  	s3 =	sld [smem:$0x3FDB];
	s0 =	simm.s32 @p2 $0x1  }
0x17: {  	s4 =	simm.s32 $0x1BF5;
	[smem:$0x3FAE] =	sst s0  }
0x18: {  	s0 =	sld [smem:$0x3F91];
	_ =	swait.ge [sflag:s4], $0x0  }
0x19: {  	s7 =	sld [smem:$0x3F92]  }
0x1a: {  	s8 =	sadd.s32 $0xFFFFE003, lr  }
0x1b: {  	s9 =	sadd.s32 $0xFFFFFEF7, lr;
	s5 =	simm.s32 $0xFFFFFFFF;
	p2 =	slt.u32 s8, $0xFFFFF086  }
0x1c: {  	p1 =	slt.u32 s9, $0xF7A;
	s5 =	simm.s32 @!p2 $0x0  }
0x1d: {  	s5 =	simm.s32 @p1 $0x1;
	p0 =	seq.s32 s7, s2  }
0x1e: {  	s7 =	smul.u32 @!p0 $0xF7A, s2;
	p2 =	seq.s32 @!p0 s5, $0x0  }
0x1f: {  	s9 =	smul.u32 $0xF7A, s1;
	s8 =	simm.s32 @!p0 $0x1BF5;
	p2 =	por !p2, p0  }
0x20: {  	[sflag:s8] =	ssyncset.s32 @!p0 $0xFFFFF086;
	s6 =	sadd.s32 @!p0 s3, s7;
	s7 =	simm.s32 @!p0 $0x108  }
0x21: {  	s3 =	sadd.s32 s3, s9;
	s6 =	sadd.s32 @!p0 $0x88, s6;
	s7 =	simm.s32 @p2 $0x1082  }
0x22: {  	[simem:s7], [sflag:s8] =	dma.local @!p0 [hbm:s6], $0xF7A  }
0x23: {  	s9 =	sor.u32 $0xD0000000, s2;
	s6 =	simm.s32 $0x108;
	_ =	swait.ge @!p0 [sflag:s8], $0x0  }
0x24: {  	s3 =	sadd.s32 $0x88, s3;
	s6 =	simm.s32 @!p1 $0x1082;
	[sflag:s4] =	ssyncset.s32 $0xFFFFF086  }
0x25: {  	[simem:s6], [sflag:s4] =	dma.local [hbm:s3], $0xF7A  }
0x26: {  	[smem:$0x3F92] =	sst s1;
	(tag) =	ssettag s2;
	_ =	strace s9  }
0x27: {  	s1 =	sld [smem:$0x3FA2]  }
0x28: {  	s2 =	sld [smem:$0x3FA3]  }
0x29: {  	s4 =	sld [smem:$0x3FA5]  }
0x2a: {  	p0 =	seq.s32 s5, $0x0;
	s5 =	sld [smem:$0x3FA6]  }
0x2b: {  	s6 =	sld [smem:$0x3FA7]  }
0x2c: {  	s7 =	sld [smem:$0x3FA8]  }
0x2d: {  	s3 =	simm.s32 $0x108;
	s8 =	sld [smem:$0x3FA9]  }
0x2e: {  	s3 =	simm.s32 @!p0 $0x1082;
	s9 =	sld [smem:$0x3FAA]  }
0x2f: {  	lr =	sadd.s32 s0, s3;
	s0 =	sld [smem:$0x3FA1]  }
0x30: {  	s3 =	sld [smem:$0x3FA4]  }
0x31: {  	[smem:$0x3FAD] =	sst s10  }
0x32: {  	s10 =	sld [smem:$0x3FAB];
	_ =	sdelay $0x3  }
0x33: {  	p0 =	seq.s32 s10, $0x1;
	s10 =	sld [smem:$0x3FAD];
	_ =	sdelay $0x3  }
0x34: {  	[smem:$0x3FAD] =	sst s10  }
0x35: {  	s10 =	sld [smem:$0x3FAC];
	_ =	sdelay $0x3  }
0x36: {  	p1 =	seq.s32 s10, $0x1;
	s10 =	sld [smem:$0x3FAD];
	_ =	sdelay $0x3  }
0x37: {  	[smem:$0x3FAD] =	sst s10  }
0x38: {  	s10 =	sld [smem:$0x3FAE]  }
0x39: {  	_ = 	snop;
	(pc) =	sbr.ind lr, $3  }
0x3a: {  	_ = 	snop  }
0x3b: {  	_ = 	snop  }
0x3c: {  	p2 =	seq.s32 s10, $0x1;
	s10 =	sld [smem:$0x3FAD]  }
0x3d: {  	_ =	shalt  }
0x3e: {  	_ =	shalt  }
0x3f: {  	_ =	shalt  }
0x40: {  	_ =	shalt  }
0x41: {  	_ =	shalt  }
0x42: {  	_ =	shalt  }
0x43: {  	_ =	shalt  }
0x44: {  	_ =	shalt  }
0x45: {  	_ =	shalt  }
0x46: {  	_ =	shalt  }
0x47: {  	_ =	shalt  }
0x48: {  	_ =	shalt  }
0x49: {  	_ =	shalt  }
0x4a: {  	_ =	shalt  }
0x4b: {  	_ =	shalt  }
0x4c: {  	_ =	shalt  }
0x4d: {  	_ =	shalt  }
0x4e: {  	_ =	shalt  }
0x4f: {  	_ =	shalt  }
0x50: {  	_ =	shalt  }
0x51: {  	_ =	shalt  }
0x52: {  	_ =	shalt  }
0x53: {  	_ =	shalt  }
0x54: {  	_ =	shalt  }
0x55: {  	_ =	shalt  }
0x56: {  	_ =	shalt  }
0x57: {  	_ =	shalt  }
0x58: {  	_ =	shalt  }
0x59: {  	_ =	shalt  }
0x5a: {  	_ =	shalt  }
0x5b: {  	_ =	shalt  }
0x5c: {  	_ =	shalt  }
0x5d: {  	_ =	shalt  }
0x5e: {  	_ =	shalt  }
0x5f: {  	_ =	shalt  }
0x60: {  	_ =	shalt  }
0x61: {  	_ =	shalt  }
0x62: {  	_ =	shalt  }
0x63: {  	_ =	shalt  }
0x64: {  	_ =	shalt  }
0x65: {  	_ =	shalt  }
0x66: {  	_ =	shalt  }
0x67: {  	_ =	shalt  }
0x68: {  	_ =	shalt  }
0x69: {  	_ =	shalt  }
0x6a: {  	_ =	shalt  }
0x6b: {  	_ =	shalt  }
0x6c: {  	_ =	shalt  }
0x6d: {  	_ =	shalt  }
0x6e: {  	_ =	shalt  }
0x6f: {  	_ =	shalt  }
0x70: {  	_ =	shalt  }
0x71: {  	_ =	shalt  }
0x72: {  	_ =	shalt  }
0x73: {  	_ =	shalt  }
0x74: {  	_ =	shalt  }
0x75: {  	_ =	shalt  }
0x76: {  	_ =	shalt  }
0x77: {  	_ =	shalt  }
0x78: {  	_ =	shalt  }
0x79: {  	_ =	shalt  }
0x7a: {  	_ =	shalt  }
0x7b: {  	_ =	shalt  }
0x7c: {  	_ =	shalt  }
0x7d: {  	_ =	shalt  }
0x7e: {  	_ =	shalt  }
0x7f: {  	_ =	shalt  }
0x80: {  	_ =	shalt  }
0x81: {  	_ =	shalt  }
0x82: {  	_ =	shalt  }
0x83: {  	_ =	shalt  }
0x84: {  	_ =	shalt  }
0x85: {  	_ =	shalt  }
0x86: {  	_ =	shalt  }
0x87: {  	_ =	shalt  }
.Lfunc_end0:
.L_simem_size_0:
called_computation.1_lowered:
.L_overlay_start_0:
0x88: {  	s2 =	sld [smem:$0x3FD9]  }
0x89: {  	s3 =	sld [smem:$0x3FFE];
	_ =	sdelay $0x1  }
0x8a: {  	s1 =	srdreg.scid  }
0x8b: {  	s0 =	sand.u32 $0x1, s1  }
0x8c: {  	s17 =	sshll.u32 s0, $0xA;
	s2 =	sadd.s32 s3, s2  }
0x8d: {  	s2 =	sadd.s32 s2, s17  }
0x8e: {  	[smem:$0x3FB9] =	sst s2  }
0x8f: {  	_ = 	snop  }
0x90: {  	(tm) =	ssettm $0x1  }
0x91: {  	s18 =	sld [smem:$0x3FFB];
	_ =	sdelay $0x3  }
0x92: {  	_ =	strace s18  }
0x93: {  	s2 =	sld [smem:$0x3FFC];
	_ =	sdelay $0x3  }
0x94: {  	_ =	strace s2  }
0x95: {  	s2 =	sld [smem:$0x3FFD];
	_ =	sdelay $0x3  }
0x96: {  	_ =	strace s2  }
0x97: {  	_ =	strace $0x8FFFFFFF  }
0x98: {  	s19 =	sld [smem:$0x3FDB];
	_ =	sdelay $0x1  }
0x99: {  	s20 =	simm.s32 $_scs_section_size  }
0x9a: {  	s4 =	simm.s32 $_size__tile_overlayer_lowered;
	s5 =	simm.s32 $_tile_overlayer_lowered  }
0x9b: {  	s6 =	simm.s32 $0x1BFF;
	s21 =	sshll.u32 s5, $0x1;
	s3 =	sadd.s32 s20, s19  }
0x9c: {  	s22 =	simm.s32 $0x0;
	s4 =	sshll.u32 s4, $0x1;
	s5 =	sadd.s32 s21, s3  }
0x9d: {  	[timem:s22], [sflag:s6] =	dma.local [hbm:s5], s4  }
0x9e: {  	_ =	swait.ge [sflag:s6], s4  }
0x9f: {  	s4 =	ssub.s32 $0x0, s4;
	[sflag:s6] =	ssyncset.done $0x0  }
0xa0: {  	[sflag:s6] =	ssyncadd.s32 s4;
	_ =	sdelay $0x1  }
0xa1: {  	s23 =	simm.s32 $0x1B8B  }
0xa2: {  	_ =	swait.ge [sflag:s23], $0x1  }
0xa3: {  	[sflag:s23] =	ssyncset.done $0x0  }
0xa4: {  	[sflag:s23] =	ssyncadd.s32 $0xFFFFFFFF  }
0xa5: {  	s4 =	sld [smem:$0x0]  }
0xa6: {  	s5 =	sand.u32 $0xFFFFFFFE, s1  }
0xa7: {  	p0 =	sne.s32 s1, s5  }
0xa8: {  	s5 =	sshll.u32 @p0 s5, $0xE  }
0xa9: {  	s5 =	sadd.s32 @p0 $0x11B8D, s5;
	s6 =	sshll.u32 @p0 s4, $0x11  }
0xaa: {  	s5 =	sor.u32 @p0 s6, s5  }
0xab: {  	[sflag:s5] =	ssyncadd.remote.s32 @p0 $0x1;
	_ =	sdelay $0x1  }
0xac: {  	s5 =	simm.s32 @p0 $0x1B8D  }
0xad: {  	_ =	swait.eq @p0 [sflag:s5], $0x1  }
0xae: {  	[sflag:s5] =	ssyncadd.s32 @p0 $0xFFFFFFFF  }
0xaf: {  	s6 =	sshll.u32 @!p0 s1, $0xE  }
0xb0: {  	s6 =	sor.u32 @!p0 $0x4000, s6;
	s5 =	simm.s32 @!p0 $0x1B8D  }
0xb1: {  	s4 =	sshll.u32 @!p0 s4, $0x11;
	s6 =	sadd.s32 @!p0 $0x11B8D, s6;
	_ =	swait.eq @!p0 [sflag:s5], $0x1  }
0xb2: {  	s4 =	sor.u32 @!p0 s4, s6;
	[sflag:s5] =	ssyncadd.s32 @!p0 $0xFFFFFFFF  }
0xb3: {  	s25 =	simm.s32 $0x1B8E;
	s24 =	sld [smem:$0x3FFE];
	[sflag:s4] =	ssyncadd.remote.s32 @!p0 $0x1  }
0xb4: {  	s26 =	simm.s32 $execute0_lowered;
	[smem:$0x3FD2] =	sst s25  }
0xb5: {  	s5 =	sshll.u32 s26, $0x1;
	_ =	strace $0x80000049;
	[dreg:$0x1] =	wrdreg $0xFFFFFFFF  }
0xb6: {  	s28 =	simm.s32 $_size_execute0_lowered;
	s3 =	sadd.s32 s3, s5;
	[dreg:$0x0] =	wrdreg $0x0  }
0xb7: {  	s5 =	sshll.u32 s28, $0x1;
	[dreg:$0x2] =	wrdreg s3  }
0xb8: {  	[dreg:$0x3] =	wrdreg s5  }
0xb9: {  	[dreg:$0x4] =	wrdreg $0xC0  }
0xba: {  	_ =	task [dreg:s22], $0x5FFFF  }
0xbb: {  	[dreg:$0x1] =	wrdreg $0xFFFFFFFF  }
0xbc: {  	[dreg:$0x0] =	wrdreg $0x60  }
0xbd: {  	[dreg:$0x2] =	wrdreg s24  }
0xbe: {  	[dreg:$0x3] =	wrdreg $0x94000  }
0xbf: {  	[dreg:$0x4] =	wrdreg $0xA  }
0xc0: {  	_ =	task.clear_ibuf [dreg:s22], $0x5FFFF;
	_ =	strace $0x90000049  }
0xc1: {  	s29 =	simm.s32 $0xA;
	_ =	strace $0x8000004B  }
0xc2: {  	_ =	swait.ge [sflag:s29], $0x1  }
0xc3: {  	[sflag:s29] =	ssyncadd.s32 $0xFFFFFFFF  }
0xc4: {  	_ =	strace $0x9000004B  }
0xc5: {  	_ =	sfence  }
0xc6: {  	s30 =	sld [smem:$0x0];
	_ =	sdelay $0x2  }
0xc7: {  	s31 =	sshll.u32 s1, $0xD;
	s1 =	sshrl.u32 s1, $0x2  }
0xc8: {  	s4 =	sand.u32 $0x4000, s31;
	s1 =	sadd.s32 s1, s30  }
0xc9: {  	s0 =	sor.u32 s4, s0;
	s1 =	sshll.u32 s1, $0x11  }
0xca: {  	s0 =	sor.u32 s1, s0  }
0xcb: {  	s0 =	sadd.s32 $0x8F2B, s0  }
0xcc: {  	[sflag:s0] =	ssyncadd.remote.s32 $0x1  }
0xcd: {  	_ =	sfence.sel $0xFFFF  }
0xce: {  	[dreg:$0x0] =	wrdreg $0xFFFFFFFF;
	(pc) =	sbr.abs _section_cstart, $3  }
0xcf: {  	[dreg:$0x1] =	wrdreg $0xFFFFFFFF  }
0xd0: {  	_ =	task.clear_ibuf [dreg:s22], $0x2FFFF;
	_ =	strace $0x9FFFFFFF  }
0xd1: {  	(tm) =	ssettm $0x7FFFFFFF  }
tec
execute0_lowered:
.L_overlay_start_1:
0x0: {  	(tag) =	ssettag $0x1  }
0x1: {  	s6 =	rddreg [dreg:$0x0]  }
0x2: {  	s2 =	rddreg [dreg:$0x1]  }
0x3: {  	s0 =	rddreg [dreg:$0x2];
	s1 =	stileid.u32  }
0x4: {  	s4 =	srdreg.scid;
	s3 =	simm.s32 $0x0;
	s16 =	simm.s32 $0x1400  }
0x5: {  	s17 =	simm.s32 $0x1;
	s18 =	simm.s32 $0x80;
	s19 =	simm.s32 $0x5400  }
0x6: {  	s20 =	simm.s32 $0x2;
	s21 =	simm.s32 $0x3;
	s22 =	simm.s32 $0x4  }
0x7: {  	s23 =	simm.s32 $0x0;
	s7 =	smul.u32 $0x13C00, s1;
	s8 =	sand.u32 $0x1, s4  }
0x8: {  	[smem:$0x7FF] =	sst s3;
	s4 =	sadd.s32 $0x598400, s6;
	s12 =	smul.u32 $0x4F000, s1  }
0x9: {  	s5 =	sadd.s32 $0xEA00, s6;
	s30 =	sshll.u32 s1, $0x6;
	s15 =	smul.u32 $0x140000, s1  }
0xa: {  	s9 =	smul.u32 $0x13C000, s8;
	_ =	strace $0x8000004A;
	s25 =	sshll.u32 s8, $0x4  }
0xb: {  	s11 =	ssub.s32 $0x2, s8;
	s29 =	smul.u32 $0x1400000, s8;
	s8 =	sor.u32 $0x1C05, s30  }
0xc: {  	s10 =	sshrl.u32 s7, $0x3;
	s26 =	sshrl.u32 s11, $0x1;
	s28 =	sshrl.u32 s12, $0x2  }
0xd: {  	s7 =	sadd.s32 s7, s9;
	s24 =	sadd.s32 s10, s6;
	s10 =	sor.u32 s1, s25  }
.Ltmp0:
0xe: {  	s11 =	ssub.s32 s11, s26;
	s14 =	sadd.s32 s28, s2;
	(pc) =	sbr.rel .LBB2_1-.Ltmp0, $4  }
0xf: {  	s31 =	sadd.s32 s15, s29;
	s15 =	simm.s32 $0x5;
	s7 =	sshrl.u32 s7, $0x3  }
0x10: {  	s9 =	smul.u32 $0x140000, s10;
	s11 =	smax.u32 s11, $0x1;
	s12 =	sor.u32 $0x10000, s31  }
0x11: {  	s14 =	sshrl.u32 s14, $0x3;
	s13 =	sadd.s32 s7, s6;
	s6 =	smul.u32 $0x2800, s10  }
0x12: {  	s7 =	sadd.s32 $0x3FC00, s24;
	s10 =	sadd.s32 $0xB6400, s13;
	s13 =	sor.u32 $0xC000, s31  }
.LBB2_6:
0x13: {  	s23 =	sadd.s32 $0x1, s23  }
0x14: {  	p0 =	sne.s32 s23, s11  }
.Ltmp1:
0x15: {  	[bflag:$0x0] =	sbarrier.arrive $0xFFFF;
	(pc) =	sbr.rel @!p0 .LBB2_7-.Ltmp1, $4  }
0x16: {  	[hbm:s10], [sflag:s8] =	dma.local [spmem:s14], $0x2780  }
0x17: {  	_ =	swait.ge [sflag:s15], $0x2780  }
0x18: {  	[sflag:s15] =	ssyncset.done $0x0  }
0x19: {  	[sflag:s15] =	ssyncadd.s32 $0xFFFFD880  }
.LBB2_1:
0x1a: {  	[spmem:s14], [sflag:s8] =	dma.local [hbm:s7], $0x2780  }
.Ltmp2:
0x1b: {  	_ =	swait.ge [sflag:s15], $0x2780;
	(pc) =	sbr.rel .LBB2_2-.Ltmp2, $4  }
0x1c: {  	[sflag:s15] =	ssyncset.done $0x0  }
0x1d: {  	[sflag:s15] =	ssyncadd.s32 $0xFFFFD880  }
0x1e: {  	[bflag:$0x0] =	sbarrier.arrive $0xFFFF  }
0x1f: {  	p0 =	por $0x1, $0x1;
	s25 =	simm.s32 $0x0  }
.LBB2_5:
.Ltmp3:
0x20: {  	(pc) =	sbr.rel @!p1 .LBB2_6-.Ltmp3, $4  }
0x21: {  	_ = 	snop  }
0x22: {  	_ =	swait.ge [sflag:s22], $0x4000  }
0x23: {  	[sflag:s22] =	ssyncset.done $0x0  }
0x24: {  	s25 =	simm.s32 $0x1;
	p0 =	por $0x0, $0x0;
	[sflag:s22] =	ssyncadd.s32 $0xFFFFC000  }
.LBB2_2:
0x25: {  	s24 =	smul.u32 $0x1400, s25;
	_ =	sdelay $0x1  }
0x26: {  	s26 =	sadd.s32 s6, s24  }
0x27: {  	s24 =	sshrl.u32 s26, $0x3  }
0x28: {  	s28 =	sadd.s32 s5, s24;
	s24 =	simm.s32 $0x0  }
0x29: {  	[tilespmem:s24], [sflag:$0x5] =	stream.linear.gather [hbm4b:s28+s24], $0x1400, $0x38;
	[tilespmem:$0x1D000] =	vst v63  }
0x2a: {  	_ =	swait.ge [sflag:s15], $0x1400  }
0x2b: {  	s26 =	sshll.u32 s26, $0x4;
	[sflag:s15] =	ssyncset.done $0x0  }
0x2c: {  	s29 =	smul.u32 $0xA0000, s25;
	s26 =	sadd.s32 s4, s26;
	[sflag:s15] =	ssyncadd.s32 $0xFFFFEC00  }
0x2d: {  	[tilespmem:s16], [sflag:$0x1] =	stream.linear.gather [hbm4b:s26+s24], $0x4000, $0x38;
	[tilespmem:$0x1D000] =	vst v63  }
0x2e: {  	s30 =	sadd.s32 s29, s9;
	_ =	swait.ge [sflag:s17], $0x4000  }
0x2f: {  	s28 =	sadd.s32 $0x4000, s30;
	[sflag:s17] =	ssyncset.done $0x0  }
0x30: {  	s28 =	sshrl.u32 s28, $0x3;
	[sflag:s17] =	ssyncadd.s32 $0xFFFFC000  }
0x31: {  	[spmem:s2] =	stream.indirect.scatter.add.f32 [tilespmem:s16], [sflag:$0x3], $0x80, s24, s18, $0xb8;
	[tilespmem:$0x1D000] =	vst v63  }
0x32: {  	s28 =	sadd.s32 s4, s28  }
0x33: {  	[tilespmem:s19], [sflag:$0x2] =	stream.linear.gather [hbm4b:s28+s24], $0x4000, $0x38;
	[tilespmem:$0x1D000] =	vst v63  }
0x34: {  	_ =	swait.ge [sflag:s20], $0x4000  }
0x35: {  	[sflag:s20] =	ssyncset.done $0x0  }
0x36: {  	[sflag:s20] =	ssyncadd.s32 $0xFFFFC000  }
0x37: {  	[spmem:s2] =	stream.indirect.scatter.add.f32 [tilespmem:s19], [sflag:$0x4], $0x80, s18, s18, $0xb8;
	[tilespmem:$0x1D000] =	vst v63  }
0x38: {  	s26 =	sadd.s32 $0x8000, s30;
	_ =	swait.ge [sflag:s21], $0x4000  }
0x39: {  	s31 =	sadd.s32 s29, s12;
	s26 =	sshrl.u32 s26, $0x3;
	[sflag:s21] =	ssyncset.done $0x0  }
0x3a: {  	s25 =	sadd.s32 s29, s13;
	s26 =	sadd.s32 s4, s26;
	[sflag:s21] =	ssyncadd.s32 $0xFFFFC000  }
0x3b: {  	[tilespmem:s16], [sflag:$0x1] =	stream.linear.gather [hbm4b:s26+s24], $0x4000, $0x38;
	[tilespmem:$0x1D000] =	vst v63  }
0x3c: {  	p1 =	por p0, p0;
	s28 =	sshrl.u32 s25, $0x3;
	s26 =	sshrl.u32 s31, $0x3  }
0x3d: {  	s25 =	sadd.s32 s26, s4;
	s26 =	sadd.s32 s28, s4;
	s28 =	simm.s32 $0x100  }
.LBB2_3:
0x3e: {  	_ =	swait.ge [sflag:s17], $0x4000  }
0x3f: {  	[sflag:s17] =	ssyncset.done $0x0  }
0x40: {  	[sflag:s17] =	ssyncadd.s32 $0xFFFFC000  }
0x41: {  	[spmem:s2] =	stream.indirect.scatter.add.f32 [tilespmem:s16], [sflag:$0x3], $0x80, s28, s18, $0xb8;
	[tilespmem:$0x1D000] =	vst v63  }
0x42: {  	_ =	swait.ge [sflag:s22], $0x4000  }
0x43: {  	[sflag:s22] =	ssyncset.done $0x0  }
0x44: {  	s29 =	sadd.s32 s24, s26;
	[sflag:s22] =	ssyncadd.s32 $0xFFFFC000  }
0x45: {  	[tilespmem:s19], [sflag:$0x2] =	stream.linear.gather [hbm4b:s29+s3], $0x4000, $0x38;
	[tilespmem:$0x1D000] =	vst v63  }
0x46: {  	_ =	swait.ge [sflag:s20], $0x4000  }
0x47: {  	p0 =	seq.s32 s24, $0x12000;
	[sflag:s20] =	ssyncset.done $0x0  }
.Ltmp4:
0x48: {  	s31 =	sadd.s32 $0x80, s28;
	[sflag:s20] =	ssyncadd.s32 $0xFFFFC000;
	(pc) =	sbr.rel @p0 .LBB2_5-.Ltmp4, $4  }
0x49: {  	[spmem:s2] =	stream.indirect.scatter.add.f32 [tilespmem:s19], [sflag:$0x4], $0x80, s31, s18, $0xb8;
	[tilespmem:$0x1D000] =	vst v63  }
0x4a: {  	_ =	swait.ge [sflag:s21], $0x4000  }
0x4b: {  	[sflag:s21] =	ssyncset.done $0x0  }
0x4c: {  	[sflag:s21] =	ssyncadd.s32 $0xFFFFC000  }
.Ltmp5:
0x4d: {  	(pc) =	sbr.rel .LBB2_3-.Ltmp5, $3  }
0x4e: {  	_ =	sdelay $0x1  }
0x4f: {  	s29 =	sadd.s32 s24, s25;
	s28 =	sadd.s32 $0x100, s28;
	s24 =	sadd.s32 $0x1000, s24  }
0x50: {  	[tilespmem:s16], [sflag:$0x1] =	stream.linear.gather [hbm4b:s29+s3], $0x4000, $0x38;
	[tilespmem:$0x1D000] =	vst v63  }
.LBB2_7:
0x51: {  	_ =	sfence.sel $0x180000  }
0x52: {  	[bflag:$0x0] =	sbarrier.arrive $0xFFFF  }
0x53: {  	p0 =	sne.s32 s1, $0x0;
	_ =	strace $0x9000004A  }
0x54: {  	s0 =	sadd.s32 @!p0 $0x100000, s0;
	[bflag:$0x2] =	sbarrier.arrive $0xFFFF  }
0x55: {  	[sflag:s0] =	ssyncadd.tile.s32 @!p0 $0x1;
	_ =	shalt  }
.Lfunc_end2:
_tile_overlayer_lowered:
.L_overlay_start_2:
0x56: {  	(tag) =	ssettag $0x2  }
0x57: {  	s0 =	rddreg [dreg:$0x0];
	s2 =	stileid.u32  }
0x58: {  	s1 =	rddreg [dreg:$0x1];
	p0 =	sne.s32 s2, $0x0  }
0x59: {  	s3 =	rddreg [dreg:$0x2];
	[bflag:$0x3] =	sbarrier.arrive $0xFFFF;
	s2 =	simm.s32 @!p0 $0x1C05  }
0x5a: {  	[timem:s3], [sflag:s2] =	dma.local @!p0 [hbm:s0], s1  }
0x5b: {  	s0 =	simm.s32 @!p0 $0x5  }
0x5c: {  	_ =	swait.ge @!p0 [sflag:s0], s1  }
0x5d: {  	s1 =	ssub.s32 @!p0 $0x0, s1;
	[sflag:s0] =	ssyncset.done @!p0 $0x0  }
0x5e: {  	[sflag:s0] =	ssyncadd.s32 @!p0 s1  }
0x5f: {  	[bflag:$0x3] =	sbarrier.arrive $0xFFFF  }
0x60: {  	_ =	shalt  }

// kernel: kernel.16.cloned.1.call-start
scs
__scs_entry_jumppad:
0x0: {  	(pc) =	sbr.rel $0x88, $3  }
0x1: {  	(tag) =	ssettag $0x0;
	lr =	simm.s32 $0x1  }
0x2: {  	[smem:$0x3F92] =	sst lr;
	_ =	strace $0xD0000000  }
0x3: {  	_ = 	snop  }
0x4: {  	_ = 	snop  }
0x5: {  	_ = 	snop  }
0x6: {  	_ = 	snop  }
0x7: {  	_ = 	snop  }
__scs_overlays_trampoline_lowered:
0x8: {  	[smem:$0x3FA1] =	sst s0  }
0x9: {  	[smem:$0x3FA2] =	sst s1  }
0xa: {  	[smem:$0x3FA3] =	sst s2  }
0xb: {  	[smem:$0x3FA4] =	sst s3  }
0xc: {  	[smem:$0x3FA5] =	sst s4  }
0xd: {  	[smem:$0x3FA6] =	sst s5  }
0xe: {  	[smem:$0x3FA7] =	sst s6  }
0xf: {  	[smem:$0x3FA8] =	sst s7  }
0x10: {  	[smem:$0x3FA9] =	sst s8  }
0x11: {  	[smem:$0x3FAA] =	sst s9;
	s0 =	simm.s32 @!p0 $0x0  }
0x12: {  	s1 =	sld [smem:$0x3F90];
	s0 =	simm.s32 @p0 $0x1  }
0x13: {  	[smem:$0x3FAB] =	sst s0;
	s0 =	simm.s32 @!p1 $0x0  }
0x14: {  	s2 =	sld [smem:$0x3F8F];
	s0 =	simm.s32 @p1 $0x1  }
0x15: {  	[smem:$0x3FAC] =	sst s0;
	s0 =	simm.s32 @!p2 $0x0  }
0x16: {  	s3 =	sld [smem:$0x3FDB];
	s0 =	simm.s32 @p2 $0x1  }
0x17: {  	s4 =	simm.s32 $0x1BF5;
	[smem:$0x3FAE] =	sst s0  }
0x18: {  	s0 =	sld [smem:$0x3F91];
	_ =	swait.ge [sflag:s4], $0x0  }
0x19: {  	s7 =	sld [smem:$0x3F92]  }
0x1a: {  	s8 =	sadd.s32 $0xFFFFE003, lr  }
0x1b: {  	s9 =	sadd.s32 $0xFFFFFEF7, lr;
	s5 =	simm.s32 $0xFFFFFFFF;
	p2 =	slt.u32 s8, $0xFFFFF086  }
0x1c: {  	p1 =	slt.u32 s9, $0xF7A;
	s5 =	simm.s32 @!p2 $0x0  }
0x1d: {  	s5 =	simm.s32 @p1 $0x1;
	p0 =	seq.s32 s7, s2  }
0x1e: {  	s7 =	smul.u32 @!p0 $0xF7A, s2;
	p2 =	seq.s32 @!p0 s5, $0x0  }
0x1f: {  	s9 =	smul.u32 $0xF7A, s1;
	s8 =	simm.s32 @!p0 $0x1BF5;
	p2 =	por !p2, p0  }
0x20: {  	[sflag:s8] =	ssyncset.s32 @!p0 $0xFFFFF086;
	s6 =	sadd.s32 @!p0 s3, s7;
	s7 =	simm.s32 @!p0 $0x108  }
0x21: {  	s3 =	sadd.s32 s3, s9;
	s6 =	sadd.s32 @!p0 $0x88, s6;
	s7 =	simm.s32 @p2 $0x1082  }
0x22: {  	[simem:s7], [sflag:s8] =	dma.local @!p0 [hbm:s6], $0xF7A  }
0x23: {  	s9 =	sor.u32 $0xD0000000, s2;
	s6 =	simm.s32 $0x108;
	_ =	swait.ge @!p0 [sflag:s8], $0x0  }
0x24: {  	s3 =	sadd.s32 $0x88, s3;
	s6 =	simm.s32 @!p1 $0x1082;
	[sflag:s4] =	ssyncset.s32 $0xFFFFF086  }
0x25: {  	[simem:s6], [sflag:s4] =	dma.local [hbm:s3], $0xF7A  }
0x26: {  	[smem:$0x3F92] =	sst s1;
	(tag) =	ssettag s2;
	_ =	strace s9  }
0x27: {  	s1 =	sld [smem:$0x3FA2]  }
0x28: {  	s2 =	sld [smem:$0x3FA3]  }
0x29: {  	s4 =	sld [smem:$0x3FA5]  }
0x2a: {  	p0 =	seq.s32 s5, $0x0;
	s5 =	sld [smem:$0x3FA6]  }
0x2b: {  	s6 =	sld [smem:$0x3FA7]  }
0x2c: {  	s7 =	sld [smem:$0x3FA8]  }
0x2d: {  	s3 =	simm.s32 $0x108;
	s8 =	sld [smem:$0x3FA9]  }
0x2e: {  	s3 =	simm.s32 @!p0 $0x1082;
	s9 =	sld [smem:$0x3FAA]  }
0x2f: {  	lr =	sadd.s32 s0, s3;
	s0 =	sld [smem:$0x3FA1]  }
0x30: {  	s3 =	sld [smem:$0x3FA4]  }
0x31: {  	[smem:$0x3FAD] =	sst s10  }
0x32: {  	s10 =	sld [smem:$0x3FAB];
	_ =	sdelay $0x3  }
0x33: {  	p0 =	seq.s32 s10, $0x1;
	s10 =	sld [smem:$0x3FAD];
	_ =	sdelay $0x3  }
0x34: {  	[smem:$0x3FAD] =	sst s10  }
0x35: {  	s10 =	sld [smem:$0x3FAC];
	_ =	sdelay $0x3  }
0x36: {  	p1 =	seq.s32 s10, $0x1;
	s10 =	sld [smem:$0x3FAD];
	_ =	sdelay $0x3  }
0x37: {  	[smem:$0x3FAD] =	sst s10  }
0x38: {  	s10 =	sld [smem:$0x3FAE]  }
0x39: {  	_ = 	snop;
	(pc) =	sbr.ind lr, $3  }
0x3a: {  	_ = 	snop  }
0x3b: {  	_ = 	snop  }
0x3c: {  	p2 =	seq.s32 s10, $0x1;
	s10 =	sld [smem:$0x3FAD]  }
0x3d: {  	_ =	shalt  }
0x3e: {  	_ =	shalt  }
0x3f: {  	_ =	shalt  }
0x40: {  	_ =	shalt  }
0x41: {  	_ =	shalt  }
0x42: {  	_ =	shalt  }
0x43: {  	_ =	shalt  }
0x44: {  	_ =	shalt  }
0x45: {  	_ =	shalt  }
0x46: {  	_ =	shalt  }
0x47: {  	_ =	shalt  }
0x48: {  	_ =	shalt  }
0x49: {  	_ =	shalt  }
0x4a: {  	_ =	shalt  }
0x4b: {  	_ =	shalt  }
0x4c: {  	_ =	shalt  }
0x4d: {  	_ =	shalt  }
0x4e: {  	_ =	shalt  }
0x4f: {  	_ =	shalt  }
0x50: {  	_ =	shalt  }
0x51: {  	_ =	shalt  }
0x52: {  	_ =	shalt  }
0x53: {  	_ =	shalt  }
0x54: {  	_ =	shalt  }
0x55: {  	_ =	shalt  }
0x56: {  	_ =	shalt  }
0x57: {  	_ =	shalt  }
0x58: {  	_ =	shalt  }
0x59: {  	_ =	shalt  }
0x5a: {  	_ =	shalt  }
0x5b: {  	_ =	shalt  }
0x5c: {  	_ =	shalt  }
0x5d: {  	_ =	shalt  }
0x5e: {  	_ =	shalt  }
0x5f: {  	_ =	shalt  }
0x60: {  	_ =	shalt  }
0x61: {  	_ =	shalt  }
0x62: {  	_ =	shalt  }
0x63: {  	_ =	shalt  }
0x64: {  	_ =	shalt  }
0x65: {  	_ =	shalt  }
0x66: {  	_ =	shalt  }
0x67: {  	_ =	shalt  }
0x68: {  	_ =	shalt  }
0x69: {  	_ =	shalt  }
0x6a: {  	_ =	shalt  }
0x6b: {  	_ =	shalt  }
0x6c: {  	_ =	shalt  }
0x6d: {  	_ =	shalt  }
0x6e: {  	_ =	shalt  }
0x6f: {  	_ =	shalt  }
0x70: {  	_ =	shalt  }
0x71: {  	_ =	shalt  }
0x72: {  	_ =	shalt  }
0x73: {  	_ =	shalt  }
0x74: {  	_ =	shalt  }
0x75: {  	_ =	shalt  }
0x76: {  	_ =	shalt  }
0x77: {  	_ =	shalt  }
0x78: {  	_ =	shalt  }
0x79: {  	_ =	shalt  }
0x7a: {  	_ =	shalt  }
0x7b: {  	_ =	shalt  }
0x7c: {  	_ =	shalt  }
0x7d: {  	_ =	shalt  }
0x7e: {  	_ =	shalt  }
0x7f: {  	_ =	shalt  }
0x80: {  	_ =	shalt  }
0x81: {  	_ =	shalt  }
0x82: {  	_ =	shalt  }
0x83: {  	_ =	shalt  }
0x84: {  	_ =	shalt  }
0x85: {  	_ =	shalt  }
0x86: {  	_ =	shalt  }
0x87: {  	_ =	shalt  }
.Lfunc_end0:
.L_simem_size_0:
called_computation.2_lowered:
.L_overlay_start_0:
0x88: {  	s2 =	sld [smem:$0x3FD9]  }
0x89: {  	s3 =	sld [smem:$0x3FFE];
	_ =	sdelay $0x1  }
0x8a: {  	s1 =	srdreg.scid  }
0x8b: {  	s0 =	sand.u32 $0x1, s1  }
0x8c: {  	s17 =	sshll.u32 s0, $0xA;
	s2 =	sadd.s32 s3, s2  }
0x8d: {  	s2 =	sadd.s32 s2, s17  }
0x8e: {  	[smem:$0x3FB9] =	sst s2  }
0x8f: {  	_ = 	snop  }
0x90: {  	s2 =	sld [smem:$0x3FD0];
	(tm) =	ssettm $0x1  }
0x91: {  	s18 =	sld [smem:$0x3FFB];
	_ =	sdelay $0x3  }
0x92: {  	_ =	strace s18  }
0x93: {  	s3 =	sld [smem:$0x3FFC];
	_ =	sdelay $0x3  }
0x94: {  	_ =	strace s3  }
0x95: {  	s3 =	sld [smem:$0x3FFD];
	_ =	sdelay $0x3  }
0x96: {  	_ =	strace s3  }
0x97: {  	_ =	strace $0x8FFFFFFF  }
0x98: {  	s19 =	sld [smem:$0x3FDB];
	_ =	sdelay $0x1  }
0x99: {  	s4 =	simm.s32 $_scs_section_size  }
0x9a: {  	s5 =	simm.s32 $_size__tile_overlayer_lowered;
	s6 =	simm.s32 $_tile_overlayer_lowered  }
0x9b: {  	s22 =	simm.s32 $0x1BFF;
	s21 =	sshll.u32 s6, $0x1;
	s3 =	sadd.s32 s4, s19  }
0x9c: {  	s7 =	simm.s32 $0x0;
	s20 =	sshll.u32 s5, $0x1;
	s5 =	sadd.s32 s21, s3  }
0x9d: {  	[timem:s7], [sflag:s22] =	dma.local [hbm:s5], s20  }
0x9e: {  	_ =	swait.ge [sflag:s22], s20  }
0x9f: {  	s4 =	ssub.s32 $0x0, s20;
	[sflag:s22] =	ssyncset.done $0x0  }
0xa0: {  	[sflag:s22] =	ssyncadd.s32 s4;
	_ =	sdelay $0x1  }
0xa1: {  	s23 =	simm.s32 $0x1B8B  }
0xa2: {  	_ =	swait.ge [sflag:s23], $0x1  }
0xa3: {  	[sflag:s23] =	ssyncset.done $0x0  }
0xa4: {  	s25 =	simm.s32 $0x1B8E;
	s24 =	sld [smem:$0x3FFE];
	[sflag:s23] =	ssyncadd.s32 $0xFFFFFFFF  }
0xa5: {  	s26 =	simm.s32 $execute0_lowered;
	[smem:$0x3FD2] =	sst s25  }
0xa6: {  	s5 =	sshll.u32 s26, $0x1;
	_ =	strace $0x8000004C;
	[dreg:$0x1] =	wrdreg $0xFFFFFFFF  }
0xa7: {  	s28 =	simm.s32 $_size_execute0_lowered;
	s3 =	sadd.s32 s3, s5;
	[dreg:$0x0] =	wrdreg $0x0  }
0xa8: {  	s5 =	sshll.u32 s28, $0x1;
	[dreg:$0x2] =	wrdreg s3  }
0xa9: {  	[dreg:$0x3] =	wrdreg s5  }
0xaa: {  	[dreg:$0x4] =	wrdreg $0xC0  }
0xab: {  	_ =	task [dreg:s7], $0x5FFFF  }
0xac: {  	[dreg:$0x1] =	wrdreg $0xFFFFFFFF  }
0xad: {  	[dreg:$0x0] =	wrdreg $0x60  }
0xae: {  	[dreg:$0x2] =	wrdreg s2  }
0xaf: {  	[dreg:$0x3] =	wrdreg s24  }
0xb0: {  	[dreg:$0x4] =	wrdreg $0xA8000  }
0xb1: {  	[dreg:$0x5] =	wrdreg $0x9  }
0xb2: {  	_ =	task.clear_ibuf [dreg:s7], $0x6FFFF;
	_ =	strace $0x9000004C  }
0xb3: {  	s29 =	simm.s32 $0x9;
	_ =	strace $0x8000004E  }
0xb4: {  	_ =	swait.ge [sflag:s29], $0x1  }
0xb5: {  	[sflag:s29] =	ssyncadd.s32 $0xFFFFFFFF  }
0xb6: {  	_ =	strace $0x9000004E  }
0xb7: {  	_ =	sfence  }
0xb8: {  	s30 =	sld [smem:$0x0];
	_ =	sdelay $0x2  }
0xb9: {  	s31 =	sshll.u32 s1, $0xD;
	s1 =	sshrl.u32 s1, $0x2  }
0xba: {  	s3 =	sand.u32 $0x4000, s31;
	s1 =	sadd.s32 s1, s30  }
0xbb: {  	s0 =	sor.u32 s3, s0;
	s1 =	sshll.u32 s1, $0x11  }
0xbc: {  	s0 =	sor.u32 s1, s0  }
0xbd: {  	s0 =	sadd.s32 $0x8F2B, s0  }
0xbe: {  	[sflag:s0] =	ssyncadd.remote.s32 $0x1  }
0xbf: {  	_ =	sfence.sel $0xFFFF  }
0xc0: {  	[dreg:$0x0] =	wrdreg $0xFFFFFFFF;
	(pc) =	sbr.abs _section_cstart, $3  }
0xc1: {  	[dreg:$0x1] =	wrdreg $0xFFFFFFFF  }
0xc2: {  	_ =	task.clear_ibuf [dreg:s7], $0x2FFFF;
	_ =	strace $0x9FFFFFFF  }
0xc3: {  	(tm) =	ssettm $0x7FFFFFFF  }
tec
execute0_lowered:
.L_overlay_start_1:
0x0: {  	(tag) =	ssettag $0x1  }
0x1: {  	s2 =	rddreg [dreg:$0x0]  }
0x2: {  	s5 =	rddreg [dreg:$0x1]  }
0x3: {  	s3 =	rddreg [dreg:$0x2]  }
0x4: {  	s0 =	rddreg [dreg:$0x3];
	s1 =	stileid.u32  }
0x5: {  	s6 =	srdreg.scid;
	s4 =	simm.s32 $0x0;
	s15 =	simm.s32 $0x1400  }
0x6: {  	s16 =	simm.s32 $0x80;
	s17 =	simm.s32 $0x2800;
	s18 =	simm.s32 $0x1  }
0x7: {  	s19 =	simm.s32 $0x6800;
	s20 =	simm.s32 $0x2;
	s21 =	simm.s32 $0x1480  }
0x8: {  	s22 =	simm.s32 $0x3;
	s23 =	simm.s32 $0x100;
	s24 =	simm.s32 $0x4  }
0x9: {  	s7 =	smul.u32 $0x13C00, s1;
	s6 =	sand.u32 $0x1, s6;
	[smem:$0x7FF] =	sst s4  }
0xa: {  	s11 =	sadd.s32 $0x4A00, s5;
	s12 =	sadd.s32 $0xEA00, s5;
	s13 =	smul.u32 $0x4F000, s1  }
0xb: {  	s30 =	sshll.u32 s1, $0x6;
	s8 =	smul.u32 $0x13C000, s6;
	_ =	strace $0x8000004D  }
0xc: {  	s26 =	ssub.s32 $0x2, s6;
	s6 =	sshll.u32 s6, $0x4;
	s9 =	sshrl.u32 s7, $0x3  }
0xd: {  	s10 =	sshrl.u32 s26, $0x1;
	s28 =	sor.u32 s1, s6;
	s29 =	sshrl.u32 s13, $0x2  }
0xe: {  	s6 =	sor.u32 $0x1C05, s30;
	s7 =	sadd.s32 s7, s8;
	s25 =	sadd.s32 s9, s5  }
0xf: {  	s9 =	ssub.s32 s26, s10;
	s31 =	smul.u32 $0x2800, s28;
	s14 =	sadd.s32 s29, s3  }
.Ltmp0:
0x10: {  	s7 =	sshrl.u32 s7, $0x3;
	s8 =	smax.u32 s9, $0x1;
	(pc) =	sbr.rel .LBB2_1-.Ltmp0, $4  }
0x11: {  	s7 =	sadd.s32 s7, s5;
	s5 =	sadd.s32 $0x3FC00, s25;
	s13 =	sshrl.u32 s31, $0x3  }
0x12: {  	s9 =	sadd.s32 s11, s13;
	s10 =	sadd.s32 s12, s13;
	s13 =	sadd.s32 $0x280, s13  }
0x13: {  	s25 =	simm.s32 $0x0;
	s7 =	sadd.s32 $0x67400, s7;
	s11 =	sadd.s32 s11, s13  }
0x14: {  	s12 =	sadd.s32 s12, s13;
	s13 =	sshrl.u32 s14, $0x3;
	s14 =	simm.s32 $0x5  }
.LBB2_7:
0x15: {  	_ =	swait.ge [sflag:s24], $0x4000  }
0x16: {  	s25 =	sadd.s32 $0x1, s25;
	[sflag:s24] =	ssyncset.done $0x0  }
0x17: {  	p0 =	sne.s32 s25, s8;
	[sflag:s24] =	ssyncadd.s32 $0xFFFFC000  }
.Ltmp1:
0x18: {  	[bflag:$0x0] =	sbarrier.arrive $0xFFFF;
	(pc) =	sbr.rel @!p0 .LBB2_8-.Ltmp1, $4  }
0x19: {  	[hbm:s7], [sflag:s6] =	dma.local [spmem:s13], $0x2780  }
0x1a: {  	_ =	swait.ge [sflag:s14], $0x2780  }
0x1b: {  	[sflag:s14] =	ssyncset.done $0x0  }
0x1c: {  	[sflag:s14] =	ssyncadd.s32 $0xFFFFD880  }
.LBB2_1:
0x1d: {  	[spmem:s13], [sflag:s6] =	dma.local [hbm:s5], $0x2780  }
0x1e: {  	_ =	swait.ge [sflag:s14], $0x2780  }
0x1f: {  	[sflag:s14] =	ssyncset.done $0x0  }
0x20: {  	[sflag:s14] =	ssyncadd.s32 $0xFFFFD880  }
0x21: {  	[bflag:$0x0] =	sbarrier.arrive $0xFFFF  }
0x22: {  	[tilespmem:s4], [sflag:$0x5] =	stream.linear.gather [hbm4b:s9+s4], $0x1400, $0x38;
	[tilespmem:$0x1E400] =	vst v63  }
0x23: {  	_ =	swait.ge [sflag:s14], $0x1400  }
0x24: {  	[sflag:s14] =	ssyncset.done $0x0  }
0x25: {  	[sflag:s14] =	ssyncadd.s32 $0xFFFFEC00  }
0x26: {  	[tilespmem:s15], [sflag:$0x5] =	stream.linear.gather [hbm4b:s10+s4], $0x1400, $0x38;
	[tilespmem:$0x1E400] =	vst v63  }
0x27: {  	_ =	swait.ge [sflag:s14], $0x1400  }
0x28: {  	[sflag:s14] =	ssyncset.done $0x0  }
0x29: {  	[sflag:s14] =	ssyncadd.s32 $0xFFFFEC00  }
0x2a: {  	[tilespmem:s17], [sflag:$0x1] =	stream.indirect.gather [hbm4b:s2+s16], $0x80, s4, s16, $0xb8;
	[tilespmem:$0x1E400] =	vst v63  }
0x2b: {  	_ =	swait.ge [sflag:s18], $0x4000  }
0x2c: {  	[sflag:s18] =	ssyncset.done $0x0  }
0x2d: {  	[sflag:s18] =	ssyncadd.s32 $0xFFFFC000  }
0x2e: {  	[spmem:s3] =	stream.indirect.scatter.add.f32 [tilespmem:s17], [sflag:$0x3], $0x80, s15, s16, $0xb8;
	[tilespmem:$0x1E400] =	vst v63  }
0x2f: {  	_ = 	snop  }
0x30: {  	[tilespmem:s19], [sflag:$0x2] =	stream.indirect.gather [hbm4b:s2+s16], $0x80, s16, s16, $0xb8;
	[tilespmem:$0x1E400] =	vst v63  }
0x31: {  	_ =	swait.ge [sflag:s20], $0x4000  }
0x32: {  	[sflag:s20] =	ssyncset.done $0x0  }
0x33: {  	[sflag:s20] =	ssyncadd.s32 $0xFFFFC000  }
0x34: {  	[spmem:s3] =	stream.indirect.scatter.add.f32 [tilespmem:s19], [sflag:$0x4], $0x80, s21, s16, $0xb8;
	[tilespmem:$0x1E400] =	vst v63  }
0x35: {  	_ =	swait.ge [sflag:s22], $0x4000  }
0x36: {  	[sflag:s22] =	ssyncset.done $0x0  }
0x37: {  	s26 =	simm.s32 $0xFFFFB800;
	[sflag:s22] =	ssyncadd.s32 $0xFFFFC000  }
0x38: {  	[tilespmem:s17], [sflag:$0x1] =	stream.indirect.gather [hbm4b:s2+s16], $0x80, s23, s16, $0xb8;
	[tilespmem:$0x1E400] =	vst v63  }
.LBB2_2:
0x39: {  	_ =	swait.ge [sflag:s18], $0x4000  }
0x3a: {  	s28 =	sshra.s32 s26, $0x2;
	[sflag:s18] =	ssyncset.done $0x0  }
0x3b: {  	s29 =	sadd.s32 $0x2700, s28;
	[sflag:s18] =	ssyncadd.s32 $0xFFFFC000  }
0x3c: {  	[spmem:s3] =	stream.indirect.scatter.add.f32 [tilespmem:s17], [sflag:$0x3], $0x80, s29, s16, $0xb8;
	[tilespmem:$0x1E400] =	vst v63  }
0x3d: {  	_ =	swait.ge [sflag:s24], $0x4000  }
0x3e: {  	[sflag:s24] =	ssyncset.done $0x0  }
0x3f: {  	s30 =	sadd.s32 $0x1380, s28;
	[sflag:s24] =	ssyncadd.s32 $0xFFFFC000  }
0x40: {  	[tilespmem:s19], [sflag:$0x2] =	stream.indirect.gather [hbm4b:s2+s16], $0x80, s30, s16, $0xb8;
	[tilespmem:$0x1E400] =	vst v63  }
0x41: {  	_ =	swait.ge [sflag:s20], $0x4000  }
0x42: {  	p0 =	seq.s32 s26, $0x0;
	[sflag:s20] =	ssyncset.done $0x0  }
.Ltmp2:
0x43: {  	s31 =	sadd.s32 $0x2780, s28;
	[sflag:s20] =	ssyncadd.s32 $0xFFFFC000;
	(pc) =	sbr.rel @p0 .LBB2_4-.Ltmp2, $4  }
0x44: {  	[spmem:s3] =	stream.indirect.scatter.add.f32 [tilespmem:s19], [sflag:$0x4], $0x80, s31, s16, $0xb8;
	[tilespmem:$0x1E400] =	vst v63  }
0x45: {  	_ =	swait.ge [sflag:s22], $0x4000  }
0x46: {  	[sflag:s22] =	ssyncset.done $0x0  }
0x47: {  	[sflag:s22] =	ssyncadd.s32 $0xFFFFC000  }
.Ltmp3:
0x48: {  	(pc) =	sbr.rel .LBB2_2-.Ltmp3, $3  }
0x49: {  	_ =	sdelay $0x1  }
0x4a: {  	s28 =	sadd.s32 $0x1400, s28;
	s26 =	sadd.s32 $0x400, s26  }
0x4b: {  	[tilespmem:s17], [sflag:$0x1] =	stream.indirect.gather [hbm4b:s2+s16], $0x80, s28, s16, $0xb8;
	[tilespmem:$0x1E400] =	vst v63  }
.LBB2_4:
0x4c: {  	_ =	swait.ge [sflag:s24], $0x4000  }
0x4d: {  	[sflag:s24] =	ssyncset.done $0x0  }
0x4e: {  	[sflag:s24] =	ssyncadd.s32 $0xFFFFC000  }
0x4f: {  	[tilespmem:s4], [sflag:$0x5] =	stream.linear.gather [hbm4b:s11+s4], $0x1400, $0x38;
	[tilespmem:$0x1E400] =	vst v63  }
0x50: {  	_ =	swait.ge [sflag:s14], $0x1400  }
0x51: {  	[sflag:s14] =	ssyncset.done $0x0  }
0x52: {  	[sflag:s14] =	ssyncadd.s32 $0xFFFFEC00  }
0x53: {  	[tilespmem:s15], [sflag:$0x5] =	stream.linear.gather [hbm4b:s12+s4], $0x1400, $0x38;
	[tilespmem:$0x1E400] =	vst v63  }
0x54: {  	_ =	swait.ge [sflag:s14], $0x1400  }
0x55: {  	[sflag:s14] =	ssyncset.done $0x0  }
0x56: {  	[sflag:s14] =	ssyncadd.s32 $0xFFFFEC00  }
0x57: {  	[tilespmem:s17], [sflag:$0x1] =	stream.indirect.gather [hbm4b:s2+s16], $0x80, s4, s16, $0xb8;
	[tilespmem:$0x1E400] =	vst v63  }
0x58: {  	_ =	swait.ge [sflag:s18], $0x4000  }
0x59: {  	[sflag:s18] =	ssyncset.done $0x0  }
0x5a: {  	[sflag:s18] =	ssyncadd.s32 $0xFFFFC000  }
0x5b: {  	[spmem:s3] =	stream.indirect.scatter.add.f32 [tilespmem:s17], [sflag:$0x3], $0x80, s15, s16, $0xb8;
	[tilespmem:$0x1E400] =	vst v63  }
0x5c: {  	_ = 	snop  }
0x5d: {  	[tilespmem:s19], [sflag:$0x2] =	stream.indirect.gather [hbm4b:s2+s16], $0x80, s16, s16, $0xb8;
	[tilespmem:$0x1E400] =	vst v63  }
0x5e: {  	_ =	swait.ge [sflag:s20], $0x4000  }
0x5f: {  	[sflag:s20] =	ssyncset.done $0x0  }
0x60: {  	[sflag:s20] =	ssyncadd.s32 $0xFFFFC000  }
0x61: {  	[spmem:s3] =	stream.indirect.scatter.add.f32 [tilespmem:s19], [sflag:$0x4], $0x80, s21, s16, $0xb8;
	[tilespmem:$0x1E400] =	vst v63  }
0x62: {  	_ =	swait.ge [sflag:s22], $0x4000  }
0x63: {  	[sflag:s22] =	ssyncset.done $0x0  }
0x64: {  	s26 =	simm.s32 $0xFFFFB800;
	[sflag:s22] =	ssyncadd.s32 $0xFFFFC000  }
0x65: {  	[tilespmem:s17], [sflag:$0x1] =	stream.indirect.gather [hbm4b:s2+s16], $0x80, s23, s16, $0xb8;
	[tilespmem:$0x1E400] =	vst v63  }
.LBB2_5:
0x66: {  	_ =	swait.ge [sflag:s18], $0x4000  }
0x67: {  	s28 =	sshra.s32 s26, $0x2;
	[sflag:s18] =	ssyncset.done $0x0  }
0x68: {  	s29 =	sadd.s32 $0x2700, s28;
	[sflag:s18] =	ssyncadd.s32 $0xFFFFC000  }
0x69: {  	[spmem:s3] =	stream.indirect.scatter.add.f32 [tilespmem:s17], [sflag:$0x3], $0x80, s29, s16, $0xb8;
	[tilespmem:$0x1E400] =	vst v63  }
0x6a: {  	_ =	swait.ge [sflag:s24], $0x4000  }
0x6b: {  	[sflag:s24] =	ssyncset.done $0x0  }
0x6c: {  	s30 =	sadd.s32 $0x1380, s28;
	[sflag:s24] =	ssyncadd.s32 $0xFFFFC000  }
0x6d: {  	[tilespmem:s19], [sflag:$0x2] =	stream.indirect.gather [hbm4b:s2+s16], $0x80, s30, s16, $0xb8;
	[tilespmem:$0x1E400] =	vst v63  }
0x6e: {  	_ =	swait.ge [sflag:s20], $0x4000  }
0x6f: {  	p0 =	seq.s32 s26, $0x0;
	[sflag:s20] =	ssyncset.done $0x0  }
.Ltmp4:
0x70: {  	s31 =	sadd.s32 $0x2780, s28;
	[sflag:s20] =	ssyncadd.s32 $0xFFFFC000;
	(pc) =	sbr.rel @p0 .LBB2_7-.Ltmp4, $4  }
0x71: {  	[spmem:s3] =	stream.indirect.scatter.add.f32 [tilespmem:s19], [sflag:$0x4], $0x80, s31, s16, $0xb8;
	[tilespmem:$0x1E400] =	vst v63  }
0x72: {  	_ =	swait.ge [sflag:s22], $0x4000  }
0x73: {  	[sflag:s22] =	ssyncset.done $0x0  }
0x74: {  	[sflag:s22] =	ssyncadd.s32 $0xFFFFC000  }
.Ltmp5:
0x75: {  	(pc) =	sbr.rel .LBB2_5-.Ltmp5, $3  }
0x76: {  	_ =	sdelay $0x1  }
0x77: {  	s28 =	sadd.s32 $0x1400, s28;
	s26 =	sadd.s32 $0x400, s26  }
0x78: {  	[tilespmem:s17], [sflag:$0x1] =	stream.indirect.gather [hbm4b:s2+s16], $0x80, s28, s16, $0xb8;
	[tilespmem:$0x1E400] =	vst v63  }
.LBB2_8:
0x79: {  	_ =	sfence.sel $0x180000  }
0x7a: {  	[bflag:$0x0] =	sbarrier.arrive $0xFFFF  }
0x7b: {  	p0 =	sne.s32 s1, $0x0;
	_ =	strace $0x9000004D  }
0x7c: {  	s0 =	sadd.s32 @!p0 $0x100000, s0;
	[bflag:$0x2] =	sbarrier.arrive $0xFFFF  }
0x7d: {  	[sflag:s0] =	ssyncadd.tile.s32 @!p0 $0x1;
	_ =	shalt  }
.Lfunc_end2:
_tile_overlayer_lowered:
.L_overlay_start_2:
0x7e: {  	(tag) =	ssettag $0x2  }
0x7f: {  	s0 =	rddreg [dreg:$0x0];
	s2 =	stileid.u32  }
0x80: {  	s1 =	rddreg [dreg:$0x1];
	p0 =	sne.s32 s2, $0x0  }
0x81: {  	s3 =	rddreg [dreg:$0x2];
	[bflag:$0x3] =	sbarrier.arrive $0xFFFF;
	s2 =	simm.s32 @!p0 $0x1C05  }
0x82: {  	[timem:s3], [sflag:s2] =	dma.local @!p0 [hbm:s0], s1  }
0x83: {  	s0 =	simm.s32 @!p0 $0x5  }
0x84: {  	_ =	swait.ge @!p0 [sflag:s0], s1  }
0x85: {  	s1 =	ssub.s32 @!p0 $0x0, s1;
	[sflag:s0] =	ssyncset.done @!p0 $0x0  }
0x86: {  	[sflag:s0] =	ssyncadd.s32 @!p0 s1  }
0x87: {  	[bflag:$0x3] =	sbarrier.arrive $0xFFFF  }
0x88: {  	_ =	shalt  }

// kernel: kernel.19.cloned.1.call-start
scs
__scs_entry_jumppad:
0x0: {  	(pc) =	sbr.rel $0x88, $3  }
0x1: {  	(tag) =	ssettag $0x0;
	lr =	simm.s32 $0x1  }
0x2: {  	[smem:$0x3F92] =	sst lr;
	_ =	strace $0xD0000000  }
0x3: {  	_ = 	snop  }
0x4: {  	_ = 	snop  }
0x5: {  	_ = 	snop  }
0x6: {  	_ = 	snop  }
0x7: {  	_ = 	snop  }
__scs_overlays_trampoline_lowered:
0x8: {  	[smem:$0x3FA1] =	sst s0  }
0x9: {  	[smem:$0x3FA2] =	sst s1  }
0xa: {  	[smem:$0x3FA3] =	sst s2  }
0xb: {  	[smem:$0x3FA4] =	sst s3  }
0xc: {  	[smem:$0x3FA5] =	sst s4  }
0xd: {  	[smem:$0x3FA6] =	sst s5  }
0xe: {  	[smem:$0x3FA7] =	sst s6  }
0xf: {  	[smem:$0x3FA8] =	sst s7  }
0x10: {  	[smem:$0x3FA9] =	sst s8  }
0x11: {  	[smem:$0x3FAA] =	sst s9;
	s0 =	simm.s32 @!p0 $0x0  }
0x12: {  	s1 =	sld [smem:$0x3F90];
	s0 =	simm.s32 @p0 $0x1  }
0x13: {  	[smem:$0x3FAB] =	sst s0;
	s0 =	simm.s32 @!p1 $0x0  }
0x14: {  	s2 =	sld [smem:$0x3F8F];
	s0 =	simm.s32 @p1 $0x1  }
0x15: {  	[smem:$0x3FAC] =	sst s0;
	s0 =	simm.s32 @!p2 $0x0  }
0x16: {  	s3 =	sld [smem:$0x3FDB];
	s0 =	simm.s32 @p2 $0x1  }
0x17: {  	s4 =	simm.s32 $0x1BF5;
	[smem:$0x3FAE] =	sst s0  }
0x18: {  	s0 =	sld [smem:$0x3F91];
	_ =	swait.ge [sflag:s4], $0x0  }
0x19: {  	s7 =	sld [smem:$0x3F92]  }
0x1a: {  	s8 =	sadd.s32 $0xFFFFE003, lr  }
0x1b: {  	s9 =	sadd.s32 $0xFFFFFEF7, lr;
	s5 =	simm.s32 $0xFFFFFFFF;
	p2 =	slt.u32 s8, $0xFFFFF086  }
0x1c: {  	p1 =	slt.u32 s9, $0xF7A;
	s5 =	simm.s32 @!p2 $0x0  }
0x1d: {  	s5 =	simm.s32 @p1 $0x1;
	p0 =	seq.s32 s7, s2  }
0x1e: {  	s7 =	smul.u32 @!p0 $0xF7A, s2;
	p2 =	seq.s32 @!p0 s5, $0x0  }
0x1f: {  	s9 =	smul.u32 $0xF7A, s1;
	s8 =	simm.s32 @!p0 $0x1BF5;
	p2 =	por !p2, p0  }
0x20: {  	[sflag:s8] =	ssyncset.s32 @!p0 $0xFFFFF086;
	s6 =	sadd.s32 @!p0 s3, s7;
	s7 =	simm.s32 @!p0 $0x108  }
0x21: {  	s3 =	sadd.s32 s3, s9;
	s6 =	sadd.s32 @!p0 $0x88, s6;
	s7 =	simm.s32 @p2 $0x1082  }
0x22: {  	[simem:s7], [sflag:s8] =	dma.local @!p0 [hbm:s6], $0xF7A  }
0x23: {  	s9 =	sor.u32 $0xD0000000, s2;
	s6 =	simm.s32 $0x108;
	_ =	swait.ge @!p0 [sflag:s8], $0x0  }
0x24: {  	s3 =	sadd.s32 $0x88, s3;
	s6 =	simm.s32 @!p1 $0x1082;
	[sflag:s4] =	ssyncset.s32 $0xFFFFF086  }
0x25: {  	[simem:s6], [sflag:s4] =	dma.local [hbm:s3], $0xF7A  }
0x26: {  	[smem:$0x3F92] =	sst s1;
	(tag) =	ssettag s2;
	_ =	strace s9  }
0x27: {  	s1 =	sld [smem:$0x3FA2]  }
0x28: {  	s2 =	sld [smem:$0x3FA3]  }
0x29: {  	s4 =	sld [smem:$0x3FA5]  }
0x2a: {  	p0 =	seq.s32 s5, $0x0;
	s5 =	sld [smem:$0x3FA6]  }
0x2b: {  	s6 =	sld [smem:$0x3FA7]  }
0x2c: {  	s7 =	sld [smem:$0x3FA8]  }
0x2d: {  	s3 =	simm.s32 $0x108;
	s8 =	sld [smem:$0x3FA9]  }
0x2e: {  	s3 =	simm.s32 @!p0 $0x1082;
	s9 =	sld [smem:$0x3FAA]  }
0x2f: {  	lr =	sadd.s32 s0, s3;
	s0 =	sld [smem:$0x3FA1]  }
0x30: {  	s3 =	sld [smem:$0x3FA4]  }
0x31: {  	[smem:$0x3FAD] =	sst s10  }
0x32: {  	s10 =	sld [smem:$0x3FAB];
	_ =	sdelay $0x3  }
0x33: {  	p0 =	seq.s32 s10, $0x1;
	s10 =	sld [smem:$0x3FAD];
	_ =	sdelay $0x3  }
0x34: {  	[smem:$0x3FAD] =	sst s10  }
0x35: {  	s10 =	sld [smem:$0x3FAC];
	_ =	sdelay $0x3  }
0x36: {  	p1 =	seq.s32 s10, $0x1;
	s10 =	sld [smem:$0x3FAD];
	_ =	sdelay $0x3  }
0x37: {  	[smem:$0x3FAD] =	sst s10  }
0x38: {  	s10 =	sld [smem:$0x3FAE]  }
0x39: {  	_ = 	snop;
	(pc) =	sbr.ind lr, $3  }
0x3a: {  	_ = 	snop  }
0x3b: {  	_ = 	snop  }
0x3c: {  	p2 =	seq.s32 s10, $0x1;
	s10 =	sld [smem:$0x3FAD]  }
0x3d: {  	_ =	shalt  }
0x3e: {  	_ =	shalt  }
0x3f: {  	_ =	shalt  }
0x40: {  	_ =	shalt  }
0x41: {  	_ =	shalt  }
0x42: {  	_ =	shalt  }
0x43: {  	_ =	shalt  }
0x44: {  	_ =	shalt  }
0x45: {  	_ =	shalt  }
0x46: {  	_ =	shalt  }
0x47: {  	_ =	shalt  }
0x48: {  	_ =	shalt  }
0x49: {  	_ =	shalt  }
0x4a: {  	_ =	shalt  }
0x4b: {  	_ =	shalt  }
0x4c: {  	_ =	shalt  }
0x4d: {  	_ =	shalt  }
0x4e: {  	_ =	shalt  }
0x4f: {  	_ =	shalt  }
0x50: {  	_ =	shalt  }
0x51: {  	_ =	shalt  }
0x52: {  	_ =	shalt  }
0x53: {  	_ =	shalt  }
0x54: {  	_ =	shalt  }
0x55: {  	_ =	shalt  }
0x56: {  	_ =	shalt  }
0x57: {  	_ =	shalt  }
0x58: {  	_ =	shalt  }
0x59: {  	_ =	shalt  }
0x5a: {  	_ =	shalt  }
0x5b: {  	_ =	shalt  }
0x5c: {  	_ =	shalt  }
0x5d: {  	_ =	shalt  }
0x5e: {  	_ =	shalt  }
0x5f: {  	_ =	shalt  }
0x60: {  	_ =	shalt  }
0x61: {  	_ =	shalt  }
0x62: {  	_ =	shalt  }
0x63: {  	_ =	shalt  }
0x64: {  	_ =	shalt  }
0x65: {  	_ =	shalt  }
0x66: {  	_ =	shalt  }
0x67: {  	_ =	shalt  }
0x68: {  	_ =	shalt  }
0x69: {  	_ =	shalt  }
0x6a: {  	_ =	shalt  }
0x6b: {  	_ =	shalt  }
0x6c: {  	_ =	shalt  }
0x6d: {  	_ =	shalt  }
0x6e: {  	_ =	shalt  }
0x6f: {  	_ =	shalt  }
0x70: {  	_ =	shalt  }
0x71: {  	_ =	shalt  }
0x72: {  	_ =	shalt  }
0x73: {  	_ =	shalt  }
0x74: {  	_ =	shalt  }
0x75: {  	_ =	shalt  }
0x76: {  	_ =	shalt  }
0x77: {  	_ =	shalt  }
0x78: {  	_ =	shalt  }
0x79: {  	_ =	shalt  }
0x7a: {  	_ =	shalt  }
0x7b: {  	_ =	shalt  }
0x7c: {  	_ =	shalt  }
0x7d: {  	_ =	shalt  }
0x7e: {  	_ =	shalt  }
0x7f: {  	_ =	shalt  }
0x80: {  	_ =	shalt  }
0x81: {  	_ =	shalt  }
0x82: {  	_ =	shalt  }
0x83: {  	_ =	shalt  }
0x84: {  	_ =	shalt  }
0x85: {  	_ =	shalt  }
0x86: {  	_ =	shalt  }
0x87: {  	_ =	shalt  }
.Lfunc_end0:
.L_simem_size_0:
called_computation.3_lowered:
.L_overlay_start_0:
0x88: {  	s2 =	sld [smem:$0x3FD9]  }
0x89: {  	s3 =	sld [smem:$0x3FFE];
	_ =	sdelay $0x1  }
0x8a: {  	s1 =	srdreg.scid  }
0x8b: {  	s0 =	sand.u32 $0x1, s1  }
0x8c: {  	s17 =	sshll.u32 s0, $0xA;
	s2 =	sadd.s32 s3, s2  }
0x8d: {  	s2 =	sadd.s32 s2, s17  }
0x8e: {  	[smem:$0x3FB9] =	sst s2  }
0x8f: {  	_ = 	snop  }
0x90: {  	s2 =	sld [smem:$0x3FD0];
	(tm) =	ssettm $0x1  }
0x91: {  	s18 =	sld [smem:$0x3FFB];
	_ =	sdelay $0x3  }
0x92: {  	_ =	strace s18  }
0x93: {  	s3 =	sld [smem:$0x3FFC];
	_ =	sdelay $0x3  }
0x94: {  	_ =	strace s3  }
0x95: {  	s3 =	sld [smem:$0x3FFD];
	_ =	sdelay $0x3  }
0x96: {  	_ =	strace s3  }
0x97: {  	_ =	strace $0x8FFFFFFF  }
0x98: {  	s19 =	sld [smem:$0x3FDB];
	_ =	sdelay $0x1  }
0x99: {  	s4 =	simm.s32 $_scs_section_size  }
0x9a: {  	s5 =	simm.s32 $_size__tile_overlayer_lowered;
	s6 =	simm.s32 $_tile_overlayer_lowered  }
0x9b: {  	s22 =	simm.s32 $0x1BFF;
	s21 =	sshll.u32 s6, $0x1;
	s3 =	sadd.s32 s4, s19  }
0x9c: {  	s7 =	simm.s32 $0x0;
	s20 =	sshll.u32 s5, $0x1;
	s5 =	sadd.s32 s21, s3  }
0x9d: {  	[timem:s7], [sflag:s22] =	dma.local [hbm:s5], s20  }
0x9e: {  	_ =	swait.ge [sflag:s22], s20  }
0x9f: {  	s4 =	ssub.s32 $0x0, s20;
	[sflag:s22] =	ssyncset.done $0x0  }
0xa0: {  	[sflag:s22] =	ssyncadd.s32 s4;
	_ =	sdelay $0x1  }
0xa1: {  	s23 =	simm.s32 $0x1B8B  }
0xa2: {  	_ =	swait.ge [sflag:s23], $0x1  }
0xa3: {  	[sflag:s23] =	ssyncset.done $0x0  }
0xa4: {  	s25 =	simm.s32 $0x1B8E;
	s24 =	sld [smem:$0x3FFE];
	[sflag:s23] =	ssyncadd.s32 $0xFFFFFFFF  }
0xa5: {  	s26 =	simm.s32 $execute0_lowered;
	[smem:$0x3FD2] =	sst s25  }
0xa6: {  	s5 =	sshll.u32 s26, $0x1;
	_ =	strace $0x8000004F;
	[dreg:$0x1] =	wrdreg $0xFFFFFFFF  }
0xa7: {  	s28 =	simm.s32 $_size_execute0_lowered;
	s3 =	sadd.s32 s3, s5;
	[dreg:$0x0] =	wrdreg $0x0  }
0xa8: {  	s5 =	sshll.u32 s28, $0x1;
	[dreg:$0x2] =	wrdreg s3  }
0xa9: {  	[dreg:$0x3] =	wrdreg s5  }
0xaa: {  	[dreg:$0x4] =	wrdreg $0xC0  }
0xab: {  	_ =	task [dreg:s7], $0x5FFFF  }
0xac: {  	[dreg:$0x1] =	wrdreg $0xFFFFFFFF  }
0xad: {  	[dreg:$0x0] =	wrdreg $0x60  }
0xae: {  	[dreg:$0x2] =	wrdreg s2  }
0xaf: {  	[dreg:$0x3] =	wrdreg s24  }
0xb0: {  	[dreg:$0x4] =	wrdreg $0xA8000  }
0xb1: {  	[dreg:$0x5] =	wrdreg $0x9  }
0xb2: {  	_ =	task.clear_ibuf [dreg:s7], $0x6FFFF;
	_ =	strace $0x9000004F  }
0xb3: {  	s29 =	simm.s32 $0x9;
	_ =	strace $0x80000051  }
0xb4: {  	_ =	swait.ge [sflag:s29], $0x1  }
0xb5: {  	[sflag:s29] =	ssyncadd.s32 $0xFFFFFFFF  }
0xb6: {  	_ =	strace $0x90000051  }
0xb7: {  	_ =	sfence  }
0xb8: {  	s30 =	sld [smem:$0x0];
	_ =	sdelay $0x2  }
0xb9: {  	s31 =	sshll.u32 s1, $0xD;
	s1 =	sshrl.u32 s1, $0x2  }
0xba: {  	s3 =	sand.u32 $0x4000, s31;
	s1 =	sadd.s32 s1, s30  }
0xbb: {  	s0 =	sor.u32 s3, s0;
	s1 =	sshll.u32 s1, $0x11  }
0xbc: {  	s0 =	sor.u32 s1, s0  }
0xbd: {  	s0 =	sadd.s32 $0x8F2B, s0  }
0xbe: {  	[sflag:s0] =	ssyncadd.remote.s32 $0x1  }
0xbf: {  	_ =	sfence.sel $0xFFFF  }
0xc0: {  	[dreg:$0x0] =	wrdreg $0xFFFFFFFF;
	(pc) =	sbr.abs _section_cstart, $3  }
0xc1: {  	[dreg:$0x1] =	wrdreg $0xFFFFFFFF  }
0xc2: {  	_ =	task.clear_ibuf [dreg:s7], $0x2FFFF;
	_ =	strace $0x9FFFFFFF  }
0xc3: {  	(tm) =	ssettm $0x7FFFFFFF  }
tec
execute0_lowered:
.L_overlay_start_1:
0x0: {  	(tag) =	ssettag $0x1  }
0x1: {  	s2 =	rddreg [dreg:$0x0]  }
0x2: {  	s5 =	rddreg [dreg:$0x1]  }
0x3: {  	s3 =	rddreg [dreg:$0x2]  }
0x4: {  	s0 =	rddreg [dreg:$0x3];
	s1 =	stileid.u32  }
0x5: {  	s6 =	srdreg.scid;
	s4 =	simm.s32 $0x0;
	s15 =	simm.s32 $0x1400  }
0x6: {  	s16 =	simm.s32 $0x80;
	s17 =	simm.s32 $0x2800;
	s18 =	simm.s32 $0x1  }
0x7: {  	s19 =	simm.s32 $0x6800;
	s20 =	simm.s32 $0x2;
	s21 =	simm.s32 $0x1480  }
0x8: {  	s22 =	simm.s32 $0x3;
	s23 =	simm.s32 $0x100;
	s24 =	simm.s32 $0x4  }
0x9: {  	s7 =	smul.u32 $0x13C00, s1;
	s6 =	sand.u32 $0x1, s6;
	[smem:$0x7FF] =	sst s4  }
0xa: {  	s11 =	sadd.s32 $0x4A00, s5;
	s12 =	sadd.s32 $0xEA00, s5;
	s13 =	smul.u32 $0x4F000, s1  }
0xb: {  	s30 =	sshll.u32 s1, $0x6;
	s8 =	smul.u32 $0x13C000, s6;
	_ =	strace $0x80000050  }
0xc: {  	s26 =	ssub.s32 $0x2, s6;
	s6 =	sshll.u32 s6, $0x4;
	s9 =	sshrl.u32 s7, $0x3  }
0xd: {  	s10 =	sshrl.u32 s26, $0x1;
	s28 =	sor.u32 s1, s6;
	s29 =	sshrl.u32 s13, $0x2  }
0xe: {  	s6 =	sor.u32 $0x1C05, s30;
	s7 =	sadd.s32 s7, s8;
	s25 =	sadd.s32 s9, s5  }
0xf: {  	s9 =	ssub.s32 s26, s10;
	s31 =	smul.u32 $0x2800, s28;
	s14 =	sadd.s32 s29, s3  }
.Ltmp0:
0x10: {  	s7 =	sshrl.u32 s7, $0x3;
	s8 =	smax.u32 s9, $0x1;
	(pc) =	sbr.rel .LBB2_1-.Ltmp0, $4  }
0x11: {  	s7 =	sadd.s32 s7, s5;
	s5 =	sadd.s32 $0x3FC00, s25;
	s13 =	sshrl.u32 s31, $0x3  }
0x12: {  	s9 =	sadd.s32 s11, s13;
	s10 =	sadd.s32 s12, s13;
	s13 =	sadd.s32 $0x280, s13  }
0x13: {  	s25 =	simm.s32 $0x0;
	s7 =	sadd.s32 $0x67400, s7;
	s11 =	sadd.s32 s11, s13  }
0x14: {  	s12 =	sadd.s32 s12, s13;
	s13 =	sshrl.u32 s14, $0x3;
	s14 =	simm.s32 $0x5  }
.LBB2_7:
0x15: {  	_ =	swait.ge [sflag:s24], $0x4000  }
0x16: {  	s25 =	sadd.s32 $0x1, s25;
	[sflag:s24] =	ssyncset.done $0x0  }
0x17: {  	p0 =	sne.s32 s25, s8;
	[sflag:s24] =	ssyncadd.s32 $0xFFFFC000  }
.Ltmp1:
0x18: {  	[bflag:$0x0] =	sbarrier.arrive $0xFFFF;
	(pc) =	sbr.rel @!p0 .LBB2_8-.Ltmp1, $4  }
0x19: {  	[hbm:s7], [sflag:s6] =	dma.local [spmem:s13], $0x2780  }
0x1a: {  	_ =	swait.ge [sflag:s14], $0x2780  }
0x1b: {  	[sflag:s14] =	ssyncset.done $0x0  }
0x1c: {  	[sflag:s14] =	ssyncadd.s32 $0xFFFFD880  }
.LBB2_1:
0x1d: {  	[spmem:s13], [sflag:s6] =	dma.local [hbm:s5], $0x2780  }
0x1e: {  	_ =	swait.ge [sflag:s14], $0x2780  }
0x1f: {  	[sflag:s14] =	ssyncset.done $0x0  }
0x20: {  	[sflag:s14] =	ssyncadd.s32 $0xFFFFD880  }
0x21: {  	[bflag:$0x0] =	sbarrier.arrive $0xFFFF  }
0x22: {  	[tilespmem:s4], [sflag:$0x5] =	stream.linear.gather [hbm4b:s9+s4], $0x1400, $0x38;
	[tilespmem:$0x1E400] =	vst v63  }
0x23: {  	_ =	swait.ge [sflag:s14], $0x1400  }
0x24: {  	[sflag:s14] =	ssyncset.done $0x0  }
0x25: {  	[sflag:s14] =	ssyncadd.s32 $0xFFFFEC00  }
0x26: {  	[tilespmem:s15], [sflag:$0x5] =	stream.linear.gather [hbm4b:s10+s4], $0x1400, $0x38;
	[tilespmem:$0x1E400] =	vst v63  }
0x27: {  	_ =	swait.ge [sflag:s14], $0x1400  }
0x28: {  	[sflag:s14] =	ssyncset.done $0x0  }
0x29: {  	[sflag:s14] =	ssyncadd.s32 $0xFFFFEC00  }
0x2a: {  	[tilespmem:s17], [sflag:$0x1] =	stream.indirect.gather [hbm4b:s2+s16], $0x80, s4, s16, $0xb8;
	[tilespmem:$0x1E400] =	vst v63  }
0x2b: {  	_ =	swait.ge [sflag:s18], $0x4000  }
0x2c: {  	[sflag:s18] =	ssyncset.done $0x0  }
0x2d: {  	[sflag:s18] =	ssyncadd.s32 $0xFFFFC000  }
0x2e: {  	[spmem:s3] =	stream.indirect.scatter.add.f32 [tilespmem:s17], [sflag:$0x3], $0x80, s15, s16, $0xb8;
	[tilespmem:$0x1E400] =	vst v63  }
0x2f: {  	_ = 	snop  }
0x30: {  	[tilespmem:s19], [sflag:$0x2] =	stream.indirect.gather [hbm4b:s2+s16], $0x80, s16, s16, $0xb8;
	[tilespmem:$0x1E400] =	vst v63  }
0x31: {  	_ =	swait.ge [sflag:s20], $0x4000  }
0x32: {  	[sflag:s20] =	ssyncset.done $0x0  }
0x33: {  	[sflag:s20] =	ssyncadd.s32 $0xFFFFC000  }
0x34: {  	[spmem:s3] =	stream.indirect.scatter.add.f32 [tilespmem:s19], [sflag:$0x4], $0x80, s21, s16, $0xb8;
	[tilespmem:$0x1E400] =	vst v63  }
0x35: {  	_ =	swait.ge [sflag:s22], $0x4000  }
0x36: {  	[sflag:s22] =	ssyncset.done $0x0  }
0x37: {  	s26 =	simm.s32 $0xFFFFB800;
	[sflag:s22] =	ssyncadd.s32 $0xFFFFC000  }
0x38: {  	[tilespmem:s17], [sflag:$0x1] =	stream.indirect.gather [hbm4b:s2+s16], $0x80, s23, s16, $0xb8;
	[tilespmem:$0x1E400] =	vst v63  }
.LBB2_2:
0x39: {  	_ =	swait.ge [sflag:s18], $0x4000  }
0x3a: {  	s28 =	sshra.s32 s26, $0x2;
	[sflag:s18] =	ssyncset.done $0x0  }
0x3b: {  	s29 =	sadd.s32 $0x2700, s28;
	[sflag:s18] =	ssyncadd.s32 $0xFFFFC000  }
0x3c: {  	[spmem:s3] =	stream.indirect.scatter.add.f32 [tilespmem:s17], [sflag:$0x3], $0x80, s29, s16, $0xb8;
	[tilespmem:$0x1E400] =	vst v63  }
0x3d: {  	_ =	swait.ge [sflag:s24], $0x4000  }
0x3e: {  	[sflag:s24] =	ssyncset.done $0x0  }
0x3f: {  	s30 =	sadd.s32 $0x1380, s28;
	[sflag:s24] =	ssyncadd.s32 $0xFFFFC000  }
0x40: {  	[tilespmem:s19], [sflag:$0x2] =	stream.indirect.gather [hbm4b:s2+s16], $0x80, s30, s16, $0xb8;
	[tilespmem:$0x1E400] =	vst v63  }
0x41: {  	_ =	swait.ge [sflag:s20], $0x4000  }
0x42: {  	p0 =	seq.s32 s26, $0x0;
	[sflag:s20] =	ssyncset.done $0x0  }
.Ltmp2:
0x43: {  	s31 =	sadd.s32 $0x2780, s28;
	[sflag:s20] =	ssyncadd.s32 $0xFFFFC000;
	(pc) =	sbr.rel @p0 .LBB2_4-.Ltmp2, $4  }
0x44: {  	[spmem:s3] =	stream.indirect.scatter.add.f32 [tilespmem:s19], [sflag:$0x4], $0x80, s31, s16, $0xb8;
	[tilespmem:$0x1E400] =	vst v63  }
0x45: {  	_ =	swait.ge [sflag:s22], $0x4000  }
0x46: {  	[sflag:s22] =	ssyncset.done $0x0  }
0x47: {  	[sflag:s22] =	ssyncadd.s32 $0xFFFFC000  }
.Ltmp3:
0x48: {  	(pc) =	sbr.rel .LBB2_2-.Ltmp3, $3  }
0x49: {  	_ =	sdelay $0x1  }
0x4a: {  	s28 =	sadd.s32 $0x1400, s28;
	s26 =	sadd.s32 $0x400, s26  }
0x4b: {  	[tilespmem:s17], [sflag:$0x1] =	stream.indirect.gather [hbm4b:s2+s16], $0x80, s28, s16, $0xb8;
	[tilespmem:$0x1E400] =	vst v63  }
.LBB2_4:
0x4c: {  	_ =	swait.ge [sflag:s24], $0x4000  }
0x4d: {  	[sflag:s24] =	ssyncset.done $0x0  }
0x4e: {  	[sflag:s24] =	ssyncadd.s32 $0xFFFFC000  }
0x4f: {  	[tilespmem:s4], [sflag:$0x5] =	stream.linear.gather [hbm4b:s11+s4], $0x1400, $0x38;
	[tilespmem:$0x1E400] =	vst v63  }
0x50: {  	_ =	swait.ge [sflag:s14], $0x1400  }
0x51: {  	[sflag:s14] =	ssyncset.done $0x0  }
0x52: {  	[sflag:s14] =	ssyncadd.s32 $0xFFFFEC00  }
0x53: {  	[tilespmem:s15], [sflag:$0x5] =	stream.linear.gather [hbm4b:s12+s4], $0x1400, $0x38;
	[tilespmem:$0x1E400] =	vst v63  }
0x54: {  	_ =	swait.ge [sflag:s14], $0x1400  }
0x55: {  	[sflag:s14] =	ssyncset.done $0x0  }
0x56: {  	[sflag:s14] =	ssyncadd.s32 $0xFFFFEC00  }
0x57: {  	[tilespmem:s17], [sflag:$0x1] =	stream.indirect.gather [hbm4b:s2+s16], $0x80, s4, s16, $0xb8;
	[tilespmem:$0x1E400] =	vst v63  }
0x58: {  	_ =	swait.ge [sflag:s18], $0x4000  }
0x59: {  	[sflag:s18] =	ssyncset.done $0x0  }
0x5a: {  	[sflag:s18] =	ssyncadd.s32 $0xFFFFC000  }
0x5b: {  	[spmem:s3] =	stream.indirect.scatter.add.f32 [tilespmem:s17], [sflag:$0x3], $0x80, s15, s16, $0xb8;
	[tilespmem:$0x1E400] =	vst v63  }
0x5c: {  	_ = 	snop  }
0x5d: {  	[tilespmem:s19], [sflag:$0x2] =	stream.indirect.gather [hbm4b:s2+s16], $0x80, s16, s16, $0xb8;
	[tilespmem:$0x1E400] =	vst v63  }
0x5e: {  	_ =	swait.ge [sflag:s20], $0x4000  }
0x5f: {  	[sflag:s20] =	ssyncset.done $0x0  }
0x60: {  	[sflag:s20] =	ssyncadd.s32 $0xFFFFC000  }
0x61: {  	[spmem:s3] =	stream.indirect.scatter.add.f32 [tilespmem:s19], [sflag:$0x4], $0x80, s21, s16, $0xb8;
	[tilespmem:$0x1E400] =	vst v63  }
0x62: {  	_ =	swait.ge [sflag:s22], $0x4000  }
0x63: {  	[sflag:s22] =	ssyncset.done $0x0  }
0x64: {  	s26 =	simm.s32 $0xFFFFB800;
	[sflag:s22] =	ssyncadd.s32 $0xFFFFC000  }
0x65: {  	[tilespmem:s17], [sflag:$0x1] =	stream.indirect.gather [hbm4b:s2+s16], $0x80, s23, s16, $0xb8;
	[tilespmem:$0x1E400] =	vst v63  }
.LBB2_5:
0x66: {  	_ =	swait.ge [sflag:s18], $0x4000  }
0x67: {  	s28 =	sshra.s32 s26, $0x2;
	[sflag:s18] =	ssyncset.done $0x0  }
0x68: {  	s29 =	sadd.s32 $0x2700, s28;
	[sflag:s18] =	ssyncadd.s32 $0xFFFFC000  }
0x69: {  	[spmem:s3] =	stream.indirect.scatter.add.f32 [tilespmem:s17], [sflag:$0x3], $0x80, s29, s16, $0xb8;
	[tilespmem:$0x1E400] =	vst v63  }
0x6a: {  	_ =	swait.ge [sflag:s24], $0x4000  }
0x6b: {  	[sflag:s24] =	ssyncset.done $0x0  }
0x6c: {  	s30 =	sadd.s32 $0x1380, s28;
	[sflag:s24] =	ssyncadd.s32 $0xFFFFC000  }
0x6d: {  	[tilespmem:s19], [sflag:$0x2] =	stream.indirect.gather [hbm4b:s2+s16], $0x80, s30, s16, $0xb8;
	[tilespmem:$0x1E400] =	vst v63  }
0x6e: {  	_ =	swait.ge [sflag:s20], $0x4000  }
0x6f: {  	p0 =	seq.s32 s26, $0x0;
	[sflag:s20] =	ssyncset.done $0x0  }
.Ltmp4:
0x70: {  	s31 =	sadd.s32 $0x2780, s28;
	[sflag:s20] =	ssyncadd.s32 $0xFFFFC000;
	(pc) =	sbr.rel @p0 .LBB2_7-.Ltmp4, $4  }
0x71: {  	[spmem:s3] =	stream.indirect.scatter.add.f32 [tilespmem:s19], [sflag:$0x4], $0x80, s31, s16, $0xb8;
	[tilespmem:$0x1E400] =	vst v63  }
0x72: {  	_ =	swait.ge [sflag:s22], $0x4000  }
0x73: {  	[sflag:s22] =	ssyncset.done $0x0  }
0x74: {  	[sflag:s22] =	ssyncadd.s32 $0xFFFFC000  }
.Ltmp5:
0x75: {  	(pc) =	sbr.rel .LBB2_5-.Ltmp5, $3  }
0x76: {  	_ =	sdelay $0x1  }
0x77: {  	s28 =	sadd.s32 $0x1400, s28;
	s26 =	sadd.s32 $0x400, s26  }
0x78: {  	[tilespmem:s17], [sflag:$0x1] =	stream.indirect.gather [hbm4b:s2+s16], $0x80, s28, s16, $0xb8;
	[tilespmem:$0x1E400] =	vst v63  }
.LBB2_8:
0x79: {  	_ =	sfence.sel $0x180000  }
0x7a: {  	[bflag:$0x0] =	sbarrier.arrive $0xFFFF  }
0x7b: {  	p0 =	sne.s32 s1, $0x0;
	_ =	strace $0x90000050  }
0x7c: {  	s0 =	sadd.s32 @!p0 $0x100000, s0;
	[bflag:$0x2] =	sbarrier.arrive $0xFFFF  }
0x7d: {  	[sflag:s0] =	ssyncadd.tile.s32 @!p0 $0x1;
	_ =	shalt  }
.Lfunc_end2:
_tile_overlayer_lowered:
.L_overlay_start_2:
0x7e: {  	(tag) =	ssettag $0x2  }
0x7f: {  	s0 =	rddreg [dreg:$0x0];
	s2 =	stileid.u32  }
0x80: {  	s1 =	rddreg [dreg:$0x1];
	p0 =	sne.s32 s2, $0x0  }
0x81: {  	s3 =	rddreg [dreg:$0x2];
	[bflag:$0x3] =	sbarrier.arrive $0xFFFF;
	s2 =	simm.s32 @!p0 $0x1C05  }
0x82: {  	[timem:s3], [sflag:s2] =	dma.local @!p0 [hbm:s0], s1  }
0x83: {  	s0 =	simm.s32 @!p0 $0x5  }
0x84: {  	_ =	swait.ge @!p0 [sflag:s0], s1  }
0x85: {  	s1 =	ssub.s32 @!p0 $0x0, s1;
	[sflag:s0] =	ssyncset.done @!p0 $0x0  }
0x86: {  	[sflag:s0] =	ssyncadd.s32 @!p0 s1  }
0x87: {  	[bflag:$0x3] =	sbarrier.arrive $0xFFFF  }
0x88: {  	_ =	shalt  }

</sc_bundles>
